<compile_context>
chip_gen: v7x
topology: tpu7x:2x2x1
jax: 0.10.2.dev20260603
libtpu: 0.0.44.dev20260713+nightly
codegen_flags: <defaults>
</compile_context>

<pallas_src>
import functools

import jax
import jax.numpy as jnp
from jax import lax
from jax.experimental import pallas as pl
from jax.experimental.pallas import tpu as pltpu
from jax.experimental.pallas import tpu_sc as plsc

N_NODES = 10000
N_EDGES = 320000
D_FEAT = 128

NUM_CORES = 2
NUM_TILES = 16
CHUNK = 128
D_HALF = D_FEAT // NUM_CORES
NROWS = 4
NIDX = 8

CHUNKS_PER_TILE = 156
N_CHUNKS = N_EDGES // CHUNK
MAIN_CHUNKS = CHUNKS_PER_TILE * NUM_TILES
TAIL_CHUNKS = N_CHUNKS - MAIN_CHUNKS
ZERO_ROWS = 632
ROWS_PAD = ZERO_ROWS * NUM_TILES
OUT_ROWS_LAST = N_NODES - ZERO_ROWS * (NUM_TILES - 1)


def _sc_kernel(x_lo_hbm, x_hi_hbm, en_hbm, z_hbm, out_hbm,
               acc, x_sc, edv, rows, gsem, ssem, isem):
    c = lax.axis_index("c")
    s = lax.axis_index("s")

    pltpu.sync_copy(z_hbm.at[pl.ds(s * ZERO_ROWS, ZERO_ROWS)],
                    acc.at[pl.ds(s * ZERO_ROWS, ZERO_ROWS)])

    def stage(x_half):
        @pl.when(s < NUM_TILES - 1)
        def _():
            pltpu.sync_copy(x_half.at[pl.ds(s * ZERO_ROWS, ZERO_ROWS)],
                            x_sc.at[pl.ds(s * ZERO_ROWS, ZERO_ROWS)])

        @pl.when(s == NUM_TILES - 1)
        def _():
            base = (NUM_TILES - 1) * ZERO_ROWS
            pltpu.sync_copy(x_half.at[pl.ds(base, OUT_ROWS_LAST)],
                            x_sc.at[pl.ds(base, OUT_ROWS_LAST)])

    @pl.when(c == 0)
    def _():
        stage(x_lo_hbm)

    @pl.when(c == 1)
    def _():
        stage(x_hi_hbm)

    plsc.subcore_barrier()

    def gather(q, r):
        if q % 2 == 0:
            pltpu.async_copy(x_sc.at[edv[q].at[1]], rows[r], gsem[r])
        else:
            @pl.when(c == 0)
            def _():
                pltpu.async_copy(x_lo_hbm.at[edv[q].at[1]], rows[r], gsem[r])

            @pl.when(c == 1)
            def _():
                pltpu.async_copy(x_hi_hbm.at[edv[q].at[1]], rows[r], gsem[r])

    def gwait(r):
        if r % 2 == 0:
            pltpu.make_async_copy(x_sc.at[pl.ds(0, CHUNK)], rows[r],
                                  gsem[r]).wait()
        else:
            pltpu.make_async_copy(x_lo_hbm.at[pl.ds(0, CHUNK)], rows[r],
                                  gsem[r]).wait()

    def swait(r):
        pltpu.make_async_copy(rows[r], acc.at[pl.ds(0, CHUNK)],
                              ssem[r]).wait()

    def load_idx(g, q):
        pltpu.async_copy(en_hbm.at[:, g], edv[q], isem[q])

    def iwait(q):
        pltpu.make_async_copy(en_hbm.at[:, 0], edv[q], isem[q]).wait()

    @pl.when(s < TAIL_CHUNKS)
    def _():
        load_idx(MAIN_CHUNKS + s, 0)
        iwait(0)
        pltpu.async_copy(x_sc.at[edv[0].at[1]], rows[0], gsem[0])
        pltpu.make_async_copy(x_sc.at[pl.ds(0, CHUNK)], rows[0],
                              gsem[0]).wait()
        pltpu.sync_copy(rows[0], acc.at[edv[0].at[0]], add=True)

    base_ch = s * CHUNKS_PER_TILE
    for q in range(6):
        load_idx(base_ch + q, q)
    iwait(0)
    gather(0, 0)
    iwait(1)
    gather(1, 1)

    def step(j, b, do_swait, do_prefetch, do_load):
        q, r = b % NIDX, b % NROWS
        q2, r2 = (b + 2) % NIDX, (b + 2) % NROWS
        gwait(r)
        pltpu.async_copy(rows[r], acc.at[edv[q].at[0]], ssem[r], add=True)
        if do_prefetch:
            iwait(q2)
            if do_swait:
                swait(r2)
            gather(q2, r2)
        if do_load:
            load_idx(base_ch + j + 6, (b + 6) % NIDX)

    for j in range(NIDX):
        step(j, j, do_swait=(j >= 2), do_prefetch=True, do_load=True)

    def chunk_body(i, carry):
        for b in range(NIDX):
            step(NIDX * i + b, b, do_swait=True, do_prefetch=True,
                 do_load=True)
        return carry

    lax.fori_loop(1, CHUNKS_PER_TILE // NIDX, chunk_body, 0)

    for j in range(CHUNKS_PER_TILE - NROWS, CHUNKS_PER_TILE):
        step(j, j, do_swait=True,
             do_prefetch=(j + 2 < CHUNKS_PER_TILE), do_load=False)
    for r in range(NROWS):
        swait(r)
    iwait(4)
    iwait(5)
    plsc.subcore_barrier()

    @pl.when(s < NUM_TILES - 1)
    def _():
        pltpu.sync_copy(
            acc.at[pl.ds(s * ZERO_ROWS, ZERO_ROWS)],
            out_hbm.at[pl.ds(s * ZERO_ROWS, ZERO_ROWS), pl.ds(c * D_HALF, D_HALF)])

    @pl.when(s == NUM_TILES - 1)
    def _():
        base = (NUM_TILES - 1) * ZERO_ROWS
        pltpu.sync_copy(
            acc.at[pl.ds(base, OUT_ROWS_LAST)],
            out_hbm.at[pl.ds(base, OUT_ROWS_LAST), pl.ds(c * D_HALF, D_HALF)])


def _sc_entry(x_lo_hbm, x_hi_hbm, en_hbm, z_hbm, out_hbm, acc, x_sc,
              e0, e1, e2, e3, e4, e5, e6, e7,
              r0, r1, r2, r3,
              g0, g1, g2, g3, ss0, ss1, ss2, ss3,
              i0, i1, i2, i3, i4, i5, i6, i7):
    _sc_kernel(x_lo_hbm, x_hi_hbm, en_hbm, z_hbm, out_hbm, acc, x_sc,
               (e0, e1, e2, e3, e4, e5, e6, e7),
               (r0, r1, r2, r3),
               (g0, g1, g2, g3), (ss0, ss1, ss2, ss3),
               (i0, i1, i2, i3, i4, i5, i6, i7))


@jax.jit
def kernel(x, edge_neighbors):
    en = edge_neighbors.astype(jnp.int32).reshape(2, N_CHUNKS, CHUNK)
    x_lo = x[:, :D_HALF]
    x_hi = x[:, D_HALF:]
    zeros = jnp.zeros((ROWS_PAD, D_HALF), jnp.float32)

    mesh = plsc.VectorSubcoreMesh(core_axis_name="c", subcore_axis_name="s")
    run = functools.partial(
        pl.kernel,
        mesh=mesh,
        compiler_params=pltpu.CompilerParams(use_tc_tiling_on_sc=False),
        out_type=jax.ShapeDtypeStruct((N_NODES, D_FEAT), jnp.float32),
        scratch_types=[
            pltpu.VMEM_SHARED((ROWS_PAD, D_HALF), jnp.float32),
            pltpu.VMEM_SHARED((N_NODES, D_HALF), jnp.float32),
            *[pltpu.VMEM((2, CHUNK), jnp.int32) for _ in range(NIDX)],
            *[pltpu.VMEM((CHUNK, D_HALF), jnp.float32) for _ in range(NROWS)],
            *[pltpu.SemaphoreType.DMA for _ in range(2 * NROWS)],
            *[pltpu.SemaphoreType.DMA for _ in range(NIDX)],
        ],
    )(_sc_entry)
    return run(x_lo, x_hi, en, zeros)

# --- scband reference (transcript-rebuilt; emitter-appended) ---
"""Pipeline reference for scband-link-message-passing-86397562127195 (READ-ONLY COPY).

The authoritative reference and input builder live on the scoring server;
editing this copy changes nothing except your own understanding.
"""

import jax, jax.numpy as jnp
import numpy as np

N_NODES = 10000
N_EDGES = 320000
D_FEAT = 128

def setup_inputs(seed: int = 0) -> dict:
    key = jax.random.key(seed)
    k1, k2 = jax.random.split(key)
    x = jax.random.normal(k1, (N_NODES, D_FEAT), dtype=jnp.float32)
    edge_neighbors = jax.random.randint(k2, (2, N_EDGES), 0, N_NODES, dtype=jnp.int64 if jax.config.read('jax_enable_x64') else jnp.int32)
    return {"x": x, "edge_neighbors": edge_neighbors}

def reference(x, edge_neighbors):
    # LinkMessagePassing.propagate with aggr='add':
    # message(x_j) = x[edge_index[1]] (identity message)
    # scatter_('add', out, edge_neighbors[0], dim_size=N)
    # update(aggr_out) = aggr_out (identity update)
    msgs = jnp.take(x, edge_neighbors[1], axis=0)
    out = jax.ops.segment_sum(msgs, edge_neighbors[0], num_segments=x.shape[0])
    return out

if __name__ == "__main__":
    import jax
    _d = setup_inputs()
    print(jax.jit(kernel)(*tuple(_d.values())))

</pallas_src>

<mosaic_0001>
#map = affine_map<(d0, d1) -> (0, 0)>
#map1 = affine_map<(d0, d1) -> (0, 0, 0)>
module attributes {stable_mosaic.version = 14 : i64} {
  func.func @_sc_entry(%arg0: i32, %arg1: i32, %arg2: memref<10000x64xf32, #tpu.memory_space<hbm>>, %arg3: memref<10000x64xf32, #tpu.memory_space<hbm>>, %arg4: memref<2x2500x128xi32, #tpu.memory_space<hbm>>, %arg5: memref<10112x64xf32, #tpu.memory_space<hbm>>, %arg6: memref<10000x128xf32, #tpu.memory_space<hbm>>, %arg7: memref<10112x64xf32, #tpu.memory_space<vmem_shared>>, %arg8: memref<10000x64xf32, #tpu.memory_space<vmem_shared>>, %arg9: memref<2x128xi32, #tpu.memory_space<vmem>>, %arg10: memref<2x128xi32, #tpu.memory_space<vmem>>, %arg11: memref<2x128xi32, #tpu.memory_space<vmem>>, %arg12: memref<2x128xi32, #tpu.memory_space<vmem>>, %arg13: memref<2x128xi32, #tpu.memory_space<vmem>>, %arg14: memref<2x128xi32, #tpu.memory_space<vmem>>, %arg15: memref<2x128xi32, #tpu.memory_space<vmem>>, %arg16: memref<2x128xi32, #tpu.memory_space<vmem>>, %arg17: memref<128x64xf32, #tpu.memory_space<vmem>>, %arg18: memref<128x64xf32, #tpu.memory_space<vmem>>, %arg19: memref<128x64xf32, #tpu.memory_space<vmem>>, %arg20: memref<128x64xf32, #tpu.memory_space<vmem>>, %arg21: memref<!tpu.dma_semaphore, #tpu.memory_space<semaphore_mem>>, %arg22: memref<!tpu.dma_semaphore, #tpu.memory_space<semaphore_mem>>, %arg23: memref<!tpu.dma_semaphore, #tpu.memory_space<semaphore_mem>>, %arg24: memref<!tpu.dma_semaphore, #tpu.memory_space<semaphore_mem>>, %arg25: memref<!tpu.dma_semaphore, #tpu.memory_space<semaphore_mem>>, %arg26: memref<!tpu.dma_semaphore, #tpu.memory_space<semaphore_mem>>, %arg27: memref<!tpu.dma_semaphore, #tpu.memory_space<semaphore_mem>>, %arg28: memref<!tpu.dma_semaphore, #tpu.memory_space<semaphore_mem>>, %arg29: memref<!tpu.dma_semaphore, #tpu.memory_space<semaphore_mem>>, %arg30: memref<!tpu.dma_semaphore, #tpu.memory_space<semaphore_mem>>, %arg31: memref<!tpu.dma_semaphore, #tpu.memory_space<semaphore_mem>>, %arg32: memref<!tpu.dma_semaphore, #tpu.memory_space<semaphore_mem>>, %arg33: memref<!tpu.dma_semaphore, #tpu.memory_space<semaphore_mem>>, %arg34: memref<!tpu.dma_semaphore, #tpu.memory_space<semaphore_mem>>, %arg35: memref<!tpu.dma_semaphore, #tpu.memory_space<semaphore_mem>>, %arg36: memref<!tpu.dma_semaphore, #tpu.memory_space<semaphore_mem>>) attributes {dimension_semantics = [#tpu.dimension_semantics<core_parallel>, #tpu.dimension_semantics<subcore_parallel>], iteration_bounds = array<i64: 2, 16>, scalar_prefetch = 0 : i64, scratch_operands = 30 : i64, tpu.core_type = #tpu.core_type<sc_vector_subcore>, window_params = [{transform_indices = #map}, {transform_indices = #map}, {transform_indices = #map1}, {transform_indices = #map}, {transform_indices = #map}]} {
    %mul3A = arith.constant 632 : i32
    %mul3A_0 = arith.muli %arg1, %mul3A : i32
    %mul3A_1 = arith.constant 632 : i32
    %mul3A_2 = arith.muli %arg1, %mul3A_1 : i32
    "tpu.region"() ({
      %run_scoped3A = tpu.sem_alloc : memref<!tpu.dma_semaphore, #tpu.memory_space<semaphore_mem>>
      %dma_start3A_641 = arith.constant 0 : i32
      %dma_start3A_642 = tpu.memref_slice %arg7[%mul3A_2, %dma_start3A_641] : memref<10112x64xf32, #tpu.memory_space<vmem_shared>> -> memref<632x64xf32, #tpu.memory_space<vmem_shared>>
      %dma_start3A_643 = arith.constant 0 : i32
      %dma_start3A_644 = tpu.memref_slice %arg5[%mul3A_0, %dma_start3A_643] : memref<10112x64xf32, #tpu.memory_space<hbm>> -> memref<632x64xf32, #tpu.memory_space<hbm>>
      tpu.enqueue_dma source(%dma_start3A_644 : memref<632x64xf32, #tpu.memory_space<hbm>>) target(%dma_start3A_642 : memref<632x64xf32, #tpu.memory_space<vmem_shared>>) target_semaphore(%run_scoped3A : memref<!tpu.dma_semaphore, #tpu.memory_space<semaphore_mem>>)
      %dma_wait3A_645 = arith.constant 0 : i32
      %dma_wait3A_646 = tpu.memref_slice %arg7[%mul3A_2, %dma_wait3A_645] : memref<10112x64xf32, #tpu.memory_space<vmem_shared>> -> memref<632x64xf32, #tpu.memory_space<vmem_shared>>
      %dma_wait3A_647 = arith.constant 0 : i32
      %dma_wait3A_648 = tpu.memref_slice %arg5[%mul3A_0, %dma_wait3A_647] : memref<10112x64xf32, #tpu.memory_space<hbm>> -> memref<632x64xf32, #tpu.memory_space<hbm>>
      tpu.wait_dma2 semaphore(%run_scoped3A : memref<!tpu.dma_semaphore, #tpu.memory_space<semaphore_mem>>) src(%dma_wait3A_648 : memref<632x64xf32, #tpu.memory_space<hbm>>) dst(%dma_wait3A_646 : memref<632x64xf32, #tpu.memory_space<vmem_shared>>)
      tpu.yield
    }) : () -> ()
    %eq3A = arith.constant 0 : i32
    %eq3A_3 = arith.cmpi eq, %arg0, %eq3A : i32
    %convert_element_type3A = arith.extui %eq3A_3 : i1 to i32
    %cond3A = arith.constant 0 : i32
    %cond3A_4 = arith.cmpi ne, %convert_element_type3A, %cond3A : i32
    scf.if %cond3A_4 {
      %lt3A_641 = arith.constant 15 : i32
      %lt3A_642 = arith.cmpi slt, %arg1, %lt3A_641 : i32
      %convert_element_type3A_643 = arith.extui %lt3A_642 : i1 to i32
      %cond3A_644 = arith.constant 0 : i32
      %cond3A_645 = arith.cmpi ne, %convert_element_type3A_643, %cond3A_644 : i32
      scf.if %cond3A_645 {
        %mul3A_651 = arith.constant 632 : i32
        %mul3A_652 = arith.muli %arg1, %mul3A_651 : i32
        %mul3A_653 = arith.constant 632 : i32
        %mul3A_654 = arith.muli %arg1, %mul3A_653 : i32
        "tpu.region"() ({
          %run_scoped3A = tpu.sem_alloc : memref<!tpu.dma_semaphore, #tpu.memory_space<semaphore_mem>>
          %dma_start3A_655 = arith.constant 0 : i32
          %dma_start3A_656 = tpu.memref_slice %arg8[%mul3A_654, %dma_start3A_655] : memref<10000x64xf32, #tpu.memory_space<vmem_shared>> -> memref<632x64xf32, #tpu.memory_space<vmem_shared>>
          %dma_start3A_657 = arith.constant 0 : i32
          %dma_start3A_658 = tpu.memref_slice %arg2[%mul3A_652, %dma_start3A_657] : memref<10000x64xf32, #tpu.memory_space<hbm>> -> memref<632x64xf32, #tpu.memory_space<hbm>>
          tpu.enqueue_dma source(%dma_start3A_658 : memref<632x64xf32, #tpu.memory_space<hbm>>) target(%dma_start3A_656 : memref<632x64xf32, #tpu.memory_space<vmem_shared>>) target_semaphore(%run_scoped3A : memref<!tpu.dma_semaphore, #tpu.memory_space<semaphore_mem>>)
          %dma_wait3A_659 = arith.constant 0 : i32
          %dma_wait3A_660 = tpu.memref_slice %arg8[%mul3A_654, %dma_wait3A_659] : memref<10000x64xf32, #tpu.memory_space<vmem_shared>> -> memref<632x64xf32, #tpu.memory_space<vmem_shared>>
          %dma_wait3A_661 = arith.constant 0 : i32
          %dma_wait3A_662 = tpu.memref_slice %arg2[%mul3A_652, %dma_wait3A_661] : memref<10000x64xf32, #tpu.memory_space<hbm>> -> memref<632x64xf32, #tpu.memory_space<hbm>>
          tpu.wait_dma2 semaphore(%run_scoped3A : memref<!tpu.dma_semaphore, #tpu.memory_space<semaphore_mem>>) src(%dma_wait3A_662 : memref<632x64xf32, #tpu.memory_space<hbm>>) dst(%dma_wait3A_660 : memref<632x64xf32, #tpu.memory_space<vmem_shared>>)
          tpu.yield
        }) : () -> ()
      } else {
      }
      %eq3A_646 = arith.constant 15 : i32
      %eq3A_647 = arith.cmpi eq, %arg1, %eq3A_646 : i32
      %convert_element_type3A_648 = arith.extui %eq3A_647 : i1 to i32
      %cond3A_649 = arith.constant 0 : i32
      %cond3A_650 = arith.cmpi ne, %convert_element_type3A_648, %cond3A_649 : i32
      scf.if %cond3A_650 {
        "tpu.region"() ({
          %run_scoped3A = tpu.sem_alloc : memref<!tpu.dma_semaphore, #tpu.memory_space<semaphore_mem>>
          %dma_start3A_651 = arith.constant 9480 : i32
          %dma_start3A_652 = arith.constant 0 : i32
          %dma_start3A_653 = tpu.memref_slice %arg8[%dma_start3A_651, %dma_start3A_652] : memref<10000x64xf32, #tpu.memory_space<vmem_shared>> -> memref<520x64xf32, #tpu.memory_space<vmem_shared>>
          %dma_start3A_654 = arith.constant 9480 : i32
          %dma_start3A_655 = arith.constant 0 : i32
          %dma_start3A_656 = tpu.memref_slice %arg2[%dma_start3A_654, %dma_start3A_655] : memref<10000x64xf32, #tpu.memory_space<hbm>> -> memref<520x64xf32, #tpu.memory_space<hbm>>
          tpu.enqueue_dma source(%dma_start3A_656 : memref<520x64xf32, #tpu.memory_space<hbm>>) target(%dma_start3A_653 : memref<520x64xf32, #tpu.memory_space<vmem_shared>>) target_semaphore(%run_scoped3A : memref<!tpu.dma_semaphore, #tpu.memory_space<semaphore_mem>>)
          %dma_wait3A_657 = arith.constant 9480 : i32
          %dma_wait3A_658 = arith.constant 0 : i32
          %dma_wait3A_659 = tpu.memref_slice %arg8[%dma_wait3A_657, %dma_wait3A_658] : memref<10000x64xf32, #tpu.memory_space<vmem_shared>> -> memref<520x64xf32, #tpu.memory_space<vmem_shared>>
          %dma_wait3A_660 = arith.constant 9480 : i32
          %dma_wait3A_661 = arith.constant 0 : i32
          %dma_wait3A_662 = tpu.memref_slice %arg2[%dma_wait3A_660, %dma_wait3A_661] : memref<10000x64xf32, #tpu.memory_space<hbm>> -> memref<520x64xf32, #tpu.memory_space<hbm>>
          tpu.wait_dma2 semaphore(%run_scoped3A : memref<!tpu.dma_semaphore, #tpu.memory_space<semaphore_mem>>) src(%dma_wait3A_662 : memref<520x64xf32, #tpu.memory_space<hbm>>) dst(%dma_wait3A_659 : memref<520x64xf32, #tpu.memory_space<vmem_shared>>)
          tpu.yield
        }) : () -> ()
      } else {
      }
    } else {
    }
    %eq3A_5 = arith.constant 1 : i32
    %eq3A_6 = arith.cmpi eq, %arg0, %eq3A_5 : i32
    %convert_element_type3A_7 = arith.extui %eq3A_6 : i1 to i32
    %cond3A_8 = arith.constant 0 : i32
    %cond3A_9 = arith.cmpi ne, %convert_element_type3A_7, %cond3A_8 : i32
    scf.if %cond3A_9 {
      %lt3A_641 = arith.constant 15 : i32
      %lt3A_642 = arith.cmpi slt, %arg1, %lt3A_641 : i32
      %convert_element_type3A_643 = arith.extui %lt3A_642 : i1 to i32
      %cond3A_644 = arith.constant 0 : i32
      %cond3A_645 = arith.cmpi ne, %convert_element_type3A_643, %cond3A_644 : i32
      scf.if %cond3A_645 {
        %mul3A_651 = arith.constant 632 : i32
        %mul3A_652 = arith.muli %arg1, %mul3A_651 : i32
        %mul3A_653 = arith.constant 632 : i32
        %mul3A_654 = arith.muli %arg1, %mul3A_653 : i32
        "tpu.region"() ({
          %run_scoped3A = tpu.sem_alloc : memref<!tpu.dma_semaphore, #tpu.memory_space<semaphore_mem>>
          %dma_start3A_655 = arith.constant 0 : i32
          %dma_start3A_656 = tpu.memref_slice %arg8[%mul3A_654, %dma_start3A_655] : memref<10000x64xf32, #tpu.memory_space<vmem_shared>> -> memref<632x64xf32, #tpu.memory_space<vmem_shared>>
          %dma_start3A_657 = arith.constant 0 : i32
          %dma_start3A_658 = tpu.memref_slice %arg3[%mul3A_652, %dma_start3A_657] : memref<10000x64xf32, #tpu.memory_space<hbm>> -> memref<632x64xf32, #tpu.memory_space<hbm>>
          tpu.enqueue_dma source(%dma_start3A_658 : memref<632x64xf32, #tpu.memory_space<hbm>>) target(%dma_start3A_656 : memref<632x64xf32, #tpu.memory_space<vmem_shared>>) target_semaphore(%run_scoped3A : memref<!tpu.dma_semaphore, #tpu.memory_space<semaphore_mem>>)
          %dma_wait3A_659 = arith.constant 0 : i32
          %dma_wait3A_660 = tpu.memref_slice %arg8[%mul3A_654, %dma_wait3A_659] : memref<10000x64xf32, #tpu.memory_space<vmem_shared>> -> memref<632x64xf32, #tpu.memory_space<vmem_shared>>
          %dma_wait3A_661 = arith.constant 0 : i32
          %dma_wait3A_662 = tpu.memref_slice %arg3[%mul3A_652, %dma_wait3A_661] : memref<10000x64xf32, #tpu.memory_space<hbm>> -> memref<632x64xf32, #tpu.memory_space<hbm>>
          tpu.wait_dma2 semaphore(%run_scoped3A : memref<!tpu.dma_semaphore, #tpu.memory_space<semaphore_mem>>) src(%dma_wait3A_662 : memref<632x64xf32, #tpu.memory_space<hbm>>) dst(%dma_wait3A_660 : memref<632x64xf32, #tpu.memory_space<vmem_shared>>)
          tpu.yield
        }) : () -> ()
      } else {
      }
      %eq3A_646 = arith.constant 15 : i32
      %eq3A_647 = arith.cmpi eq, %arg1, %eq3A_646 : i32
      %convert_element_type3A_648 = arith.extui %eq3A_647 : i1 to i32
      %cond3A_649 = arith.constant 0 : i32
      %cond3A_650 = arith.cmpi ne, %convert_element_type3A_648, %cond3A_649 : i32
      scf.if %cond3A_650 {
        "tpu.region"() ({
          %run_scoped3A = tpu.sem_alloc : memref<!tpu.dma_semaphore, #tpu.memory_space<semaphore_mem>>
          %dma_start3A_651 = arith.constant 9480 : i32
          %dma_start3A_652 = arith.constant 0 : i32
          %dma_start3A_653 = tpu.memref_slice %arg8[%dma_start3A_651, %dma_start3A_652] : memref<10000x64xf32, #tpu.memory_space<vmem_shared>> -> memref<520x64xf32, #tpu.memory_space<vmem_shared>>
          %dma_start3A_654 = arith.constant 9480 : i32
          %dma_start3A_655 = arith.constant 0 : i32
          %dma_start3A_656 = tpu.memref_slice %arg3[%dma_start3A_654, %dma_start3A_655] : memref<10000x64xf32, #tpu.memory_space<hbm>> -> memref<520x64xf32, #tpu.memory_space<hbm>>
          tpu.enqueue_dma source(%dma_start3A_656 : memref<520x64xf32, #tpu.memory_space<hbm>>) target(%dma_start3A_653 : memref<520x64xf32, #tpu.memory_space<vmem_shared>>) target_semaphore(%run_scoped3A : memref<!tpu.dma_semaphore, #tpu.memory_space<semaphore_mem>>)
          %dma_wait3A_657 = arith.constant 9480 : i32
          %dma_wait3A_658 = arith.constant 0 : i32
          %dma_wait3A_659 = tpu.memref_slice %arg8[%dma_wait3A_657, %dma_wait3A_658] : memref<10000x64xf32, #tpu.memory_space<vmem_shared>> -> memref<520x64xf32, #tpu.memory_space<vmem_shared>>
          %dma_wait3A_660 = arith.constant 9480 : i32
          %dma_wait3A_661 = arith.constant 0 : i32
          %dma_wait3A_662 = tpu.memref_slice %arg3[%dma_wait3A_660, %dma_wait3A_661] : memref<10000x64xf32, #tpu.memory_space<hbm>> -> memref<520x64xf32, #tpu.memory_space<hbm>>
          tpu.wait_dma2 semaphore(%run_scoped3A : memref<!tpu.dma_semaphore, #tpu.memory_space<semaphore_mem>>) src(%dma_wait3A_662 : memref<520x64xf32, #tpu.memory_space<hbm>>) dst(%dma_wait3A_659 : memref<520x64xf32, #tpu.memory_space<vmem_shared>>)
          tpu.yield
        }) : () -> ()
      } else {
      }
    } else {
    }
    %barrier3A = arith.constant 0 : index
    tpu.barrier barrier_id(%barrier3A)
    %lt3A = arith.constant 4 : i32
    %lt3A_10 = arith.cmpi slt, %arg1, %lt3A : i32
    %convert_element_type3A_11 = arith.extui %lt3A_10 : i1 to i32
    %cond3A_12 = arith.constant 0 : i32
    %cond3A_13 = arith.cmpi ne, %convert_element_type3A_11, %cond3A_12 : i32
    scf.if %cond3A_13 {
      %add3A_641 = arith.constant 2496 : i32
      %add3A_642 = arith.addi %add3A_641, %arg1 : i32
      %dma_start3A_643 = arith.constant 0 : i32
      %dma_start3A_644 = arith.constant 0 : i32
      %dma_start3A_645 = tpu.memref_slice %arg4[%dma_start3A_643, %add3A_642, %dma_start3A_644] : memref<2x2500x128xi32, #tpu.memory_space<hbm>> -> memref<2x1x128xi32, #tpu.memory_space<hbm>>
      %dma_start3A_646 = tpu.memref_squeeze %dma_start3A_645 : memref<2x1x128xi32, #tpu.memory_space<hbm>> -> memref<2x128xi32, #tpu.memory_space<hbm>>
      %dma_start3A_647 = arith.constant 0 : i32
      %dma_start3A_648 = arith.constant 0 : i32
      %dma_start3A_649 = tpu.memref_slice %arg4[%dma_start3A_647, %add3A_642, %dma_start3A_648] : memref<2x2500x128xi32, #tpu.memory_space<hbm>> -> memref<2x1x128xi32, #tpu.memory_space<hbm>>
      %dma_start3A_650 = tpu.memref_squeeze %dma_start3A_649 : memref<2x1x128xi32, #tpu.memory_space<hbm>> -> memref<2x128xi32, #tpu.memory_space<hbm>>
      tpu.enqueue_dma source(%dma_start3A_650 : memref<2x128xi32, #tpu.memory_space<hbm>>) target(%arg9 : memref<2x128xi32, #tpu.memory_space<vmem>>) target_semaphore(%arg29 : memref<!tpu.dma_semaphore, #tpu.memory_space<semaphore_mem>>)
      %dma_wait3A_651 = arith.constant 0 : i32
      %dma_wait3A_652 = arith.constant 0 : i32
      %dma_wait3A_653 = arith.constant 0 : i32
      %dma_wait3A_654 = tpu.memref_slice %arg4[%dma_wait3A_652, %dma_wait3A_651, %dma_wait3A_653] : memref<2x2500x128xi32, #tpu.memory_space<hbm>> -> memref<2x1x128xi32, #tpu.memory_space<hbm>>
      %dma_wait3A_655 = tpu.memref_squeeze %dma_wait3A_654 : memref<2x1x128xi32, #tpu.memory_space<hbm>> -> memref<2x128xi32, #tpu.memory_space<hbm>>
      %dma_wait3A_656 = arith.constant 0 : i32
      %dma_wait3A_657 = arith.constant 0 : i32
      %dma_wait3A_658 = tpu.memref_slice %arg4[%dma_wait3A_656, %dma_wait3A_651, %dma_wait3A_657] : memref<2x2500x128xi32, #tpu.memory_space<hbm>> -> memref<2x1x128xi32, #tpu.memory_space<hbm>>
      %dma_wait3A_659 = tpu.memref_squeeze %dma_wait3A_658 : memref<2x1x128xi32, #tpu.memory_space<hbm>> -> memref<2x128xi32, #tpu.memory_space<hbm>>
      tpu.wait_dma2 semaphore(%arg29 : memref<!tpu.dma_semaphore, #tpu.memory_space<semaphore_mem>>) src(%dma_wait3A_659 : memref<2x128xi32, #tpu.memory_space<hbm>>) dst(%arg9 : memref<2x128xi32, #tpu.memory_space<vmem>>)
      %dma_start3A_660 = arith.constant 1 : i32
      %dma_start3A_661 = arith.constant 0 : i32
      %dma_start3A_662 = tpu.memref_slice %arg9[%dma_start3A_660, %dma_start3A_661] : memref<2x128xi32, #tpu.memory_space<vmem>> -> memref<1x128xi32, #tpu.memory_space<vmem>>
      %dma_start3A_663 = tpu.memref_squeeze %dma_start3A_662 : memref<1x128xi32, #tpu.memory_space<vmem>> -> memref<128xi32, #tpu.memory_space<vmem>>
      %dma_start3A_664 = arith.constant 0 : i32
      %dma_start3A_665 = arith.constant 0 : i32
      %dma_start3A_666 = tpu.memref_slice %arg8[%dma_start3A_664, %dma_start3A_665] : memref<10000x64xf32, #tpu.memory_space<vmem_shared>> -> memref<10000x64xf32, #tpu.memory_space<vmem_shared>>
      tpu.enqueue_indirect_dma source(%dma_start3A_666 : memref<10000x64xf32, #tpu.memory_space<vmem_shared>>) target(%arg17 : memref<128x64xf32, #tpu.memory_space<vmem>>) offsets(%dma_start3A_663 : memref<128xi32, #tpu.memory_space<vmem>>) semaphore(%arg21 : memref<!tpu.dma_semaphore, #tpu.memory_space<semaphore_mem>>)
      %dma_wait3A_667 = arith.constant 0 : i32
      %dma_wait3A_668 = arith.constant 0 : i32
      %dma_wait3A_669 = tpu.memref_slice %arg8[%dma_wait3A_667, %dma_wait3A_668] : memref<10000x64xf32, #tpu.memory_space<vmem_shared>> -> memref<128x64xf32, #tpu.memory_space<vmem_shared>>
      %dma_wait3A_670 = arith.constant 0 : i32
      %dma_wait3A_671 = arith.constant 0 : i32
      %dma_wait3A_672 = tpu.memref_slice %arg8[%dma_wait3A_670, %dma_wait3A_671] : memref<10000x64xf32, #tpu.memory_space<vmem_shared>> -> memref<128x64xf32, #tpu.memory_space<vmem_shared>>
      tpu.wait_dma2 semaphore(%arg21 : memref<!tpu.dma_semaphore, #tpu.memory_space<semaphore_mem>>) src(%dma_wait3A_672 : memref<128x64xf32, #tpu.memory_space<vmem_shared>>) dst(%arg17 : memref<128x64xf32, #tpu.memory_space<vmem>>)
      %run_scoped3A = arith.constant 0 : i32
      "tpu.region"() ({
        %run_scoped3A_673 = tpu.sem_alloc : memref<!tpu.dma_semaphore, #tpu.memory_space<semaphore_mem>>
        %dma_start3A_674 = arith.constant 0 : i32
        %dma_start3A_675 = tpu.memref_slice %arg9[%run_scoped3A, %dma_start3A_674] : memref<2x128xi32, #tpu.memory_space<vmem>> -> memref<1x128xi32, #tpu.memory_space<vmem>>
        %dma_start3A_676 = tpu.memref_squeeze %dma_start3A_675 : memref<1x128xi32, #tpu.memory_space<vmem>> -> memref<128xi32, #tpu.memory_space<vmem>>
        %dma_start3A_677 = arith.constant 0 : i32
        %dma_start3A_678 = arith.constant 0 : i32
        %dma_start3A_679 = tpu.memref_slice %arg7[%dma_start3A_677, %dma_start3A_678] : memref<10112x64xf32, #tpu.memory_space<vmem_shared>> -> memref<10112x64xf32, #tpu.memory_space<vmem_shared>>
        tpu.enqueue_indirect_dma source(%arg17 : memref<128x64xf32, #tpu.memory_space<vmem>>) target(%dma_start3A_679 : memref<10112x64xf32, #tpu.memory_space<vmem_shared>>) offsets(%dma_start3A_676 : memref<128xi32, #tpu.memory_space<vmem>>) semaphore(%run_scoped3A_673 : memref<!tpu.dma_semaphore, #tpu.memory_space<semaphore_mem>>) {add = true}
        %dma_wait3A_680 = arith.constant 0 : i32
        %dma_wait3A_681 = tpu.memref_slice %arg9[%run_scoped3A, %dma_wait3A_680] : memref<2x128xi32, #tpu.memory_space<vmem>> -> memref<1x128xi32, #tpu.memory_space<vmem>>
        %dma_wait3A_682 = tpu.memref_squeeze %dma_wait3A_681 : memref<1x128xi32, #tpu.memory_space<vmem>> -> memref<128xi32, #tpu.memory_space<vmem>>
        %dma_wait3A_683 = arith.constant 0 : i32
        %dma_wait3A_684 = arith.constant 0 : i32
        %dma_wait3A_685 = tpu.memref_slice %arg7[%dma_wait3A_683, %dma_wait3A_684] : memref<10112x64xf32, #tpu.memory_space<vmem_shared>> -> memref<10112x64xf32, #tpu.memory_space<vmem_shared>>
        tpu.wait_indirect_dma semaphore(%run_scoped3A_673 : memref<!tpu.dma_semaphore, #tpu.memory_space<semaphore_mem>>) src(%arg17 : memref<128x64xf32, #tpu.memory_space<vmem>>) dst(%dma_wait3A_685 : memref<10112x64xf32, #tpu.memory_space<vmem_shared>>)
        tpu.yield
      }) : () -> ()
    } else {
    }
    %mul3A_14 = arith.constant 156 : i32
    %mul3A_15 = arith.muli %arg1, %mul3A_14 : i32
    %add3A = arith.constant 0 : i32
    %add3A_16 = arith.addi %mul3A_15, %add3A : i32
    %dma_start3A = arith.constant 0 : i32
    %dma_start3A_17 = arith.constant 0 : i32
    %dma_start3A_18 = tpu.memref_slice %arg4[%dma_start3A, %add3A_16, %dma_start3A_17] : memref<2x2500x128xi32, #tpu.memory_space<hbm>> -> memref<2x1x128xi32, #tpu.memory_space<hbm>>
    %dma_start3A_19 = tpu.memref_squeeze %dma_start3A_18 : memref<2x1x128xi32, #tpu.memory_space<hbm>> -> memref<2x128xi32, #tpu.memory_space<hbm>>
    %dma_start3A_20 = arith.constant 0 : i32
    %dma_start3A_21 = arith.constant 0 : i32
    %dma_start3A_22 = tpu.memref_slice %arg4[%dma_start3A_20, %add3A_16, %dma_start3A_21] : memref<2x2500x128xi32, #tpu.memory_space<hbm>> -> memref<2x1x128xi32, #tpu.memory_space<hbm>>
    %dma_start3A_23 = tpu.memref_squeeze %dma_start3A_22 : memref<2x1x128xi32, #tpu.memory_space<hbm>> -> memref<2x128xi32, #tpu.memory_space<hbm>>
    tpu.enqueue_dma source(%dma_start3A_23 : memref<2x128xi32, #tpu.memory_space<hbm>>) target(%arg9 : memref<2x128xi32, #tpu.memory_space<vmem>>) target_semaphore(%arg29 : memref<!tpu.dma_semaphore, #tpu.memory_space<semaphore_mem>>)
    %add3A_24 = arith.constant 1 : i32
    %add3A_25 = arith.addi %mul3A_15, %add3A_24 : i32
    %dma_start3A_26 = arith.constant 0 : i32
    %dma_start3A_27 = arith.constant 0 : i32
    %dma_start3A_28 = tpu.memref_slice %arg4[%dma_start3A_26, %add3A_25, %dma_start3A_27] : memref<2x2500x128xi32, #tpu.memory_space<hbm>> -> memref<2x1x128xi32, #tpu.memory_space<hbm>>
    %dma_start3A_29 = tpu.memref_squeeze %dma_start3A_28 : memref<2x1x128xi32, #tpu.memory_space<hbm>> -> memref<2x128xi32, #tpu.memory_space<hbm>>
    %dma_start3A_30 = arith.constant 0 : i32
    %dma_start3A_31 = arith.constant 0 : i32
    %dma_start3A_32 = tpu.memref_slice %arg4[%dma_start3A_30, %add3A_25, %dma_start3A_31] : memref<2x2500x128xi32, #tpu.memory_space<hbm>> -> memref<2x1x128xi32, #tpu.memory_space<hbm>>
    %dma_start3A_33 = tpu.memref_squeeze %dma_start3A_32 : memref<2x1x128xi32, #tpu.memory_space<hbm>> -> memref<2x128xi32, #tpu.memory_space<hbm>>
    tpu.enqueue_dma source(%dma_start3A_33 : memref<2x128xi32, #tpu.memory_space<hbm>>) target(%arg10 : memref<2x128xi32, #tpu.memory_space<vmem>>) target_semaphore(%arg30 : memref<!tpu.dma_semaphore, #tpu.memory_space<semaphore_mem>>)
    %add3A_34 = arith.constant 2 : i32
    %add3A_35 = arith.addi %mul3A_15, %add3A_34 : i32
    %dma_start3A_36 = arith.constant 0 : i32
    %dma_start3A_37 = arith.constant 0 : i32
    %dma_start3A_38 = tpu.memref_slice %arg4[%dma_start3A_36, %add3A_35, %dma_start3A_37] : memref<2x2500x128xi32, #tpu.memory_space<hbm>> -> memref<2x1x128xi32, #tpu.memory_space<hbm>>
    %dma_start3A_39 = tpu.memref_squeeze %dma_start3A_38 : memref<2x1x128xi32, #tpu.memory_space<hbm>> -> memref<2x128xi32, #tpu.memory_space<hbm>>
    %dma_start3A_40 = arith.constant 0 : i32
    %dma_start3A_41 = arith.constant 0 : i32
    %dma_start3A_42 = tpu.memref_slice %arg4[%dma_start3A_40, %add3A_35, %dma_start3A_41] : memref<2x2500x128xi32, #tpu.memory_space<hbm>> -> memref<2x1x128xi32, #tpu.memory_space<hbm>>
    %dma_start3A_43 = tpu.memref_squeeze %dma_start3A_42 : memref<2x1x128xi32, #tpu.memory_space<hbm>> -> memref<2x128xi32, #tpu.memory_space<hbm>>
    tpu.enqueue_dma source(%dma_start3A_43 : memref<2x128xi32, #tpu.memory_space<hbm>>) target(%arg11 : memref<2x128xi32, #tpu.memory_space<vmem>>) target_semaphore(%arg31 : memref<!tpu.dma_semaphore, #tpu.memory_space<semaphore_mem>>)
    %add3A_44 = arith.constant 3 : i32
    %add3A_45 = arith.addi %mul3A_15, %add3A_44 : i32
    %dma_start3A_46 = arith.constant 0 : i32
    %dma_start3A_47 = arith.constant 0 : i32
    %dma_start3A_48 = tpu.memref_slice %arg4[%dma_start3A_46, %add3A_45, %dma_start3A_47] : memref<2x2500x128xi32, #tpu.memory_space<hbm>> -> memref<2x1x128xi32, #tpu.memory_space<hbm>>
    %dma_start3A_49 = tpu.memref_squeeze %dma_start3A_48 : memref<2x1x128xi32, #tpu.memory_space<hbm>> -> memref<2x128xi32, #tpu.memory_space<hbm>>
    %dma_start3A_50 = arith.constant 0 : i32
    %dma_start3A_51 = arith.constant 0 : i32
    %dma_start3A_52 = tpu.memref_slice %arg4[%dma_start3A_50, %add3A_45, %dma_start3A_51] : memref<2x2500x128xi32, #tpu.memory_space<hbm>> -> memref<2x1x128xi32, #tpu.memory_space<hbm>>
    %dma_start3A_53 = tpu.memref_squeeze %dma_start3A_52 : memref<2x1x128xi32, #tpu.memory_space<hbm>> -> memref<2x128xi32, #tpu.memory_space<hbm>>
    tpu.enqueue_dma source(%dma_start3A_53 : memref<2x128xi32, #tpu.memory_space<hbm>>) target(%arg12 : memref<2x128xi32, #tpu.memory_space<vmem>>) target_semaphore(%arg32 : memref<!tpu.dma_semaphore, #tpu.memory_space<semaphore_mem>>)
    %add3A_54 = arith.constant 4 : i32
    %add3A_55 = arith.addi %mul3A_15, %add3A_54 : i32
    %dma_start3A_56 = arith.constant 0 : i32
    %dma_start3A_57 = arith.constant 0 : i32
    %dma_start3A_58 = tpu.memref_slice %arg4[%dma_start3A_56, %add3A_55, %dma_start3A_57] : memref<2x2500x128xi32, #tpu.memory_space<hbm>> -> memref<2x1x128xi32, #tpu.memory_space<hbm>>
    %dma_start3A_59 = tpu.memref_squeeze %dma_start3A_58 : memref<2x1x128xi32, #tpu.memory_space<hbm>> -> memref<2x128xi32, #tpu.memory_space<hbm>>
    %dma_start3A_60 = arith.constant 0 : i32
    %dma_start3A_61 = arith.constant 0 : i32
    %dma_start3A_62 = tpu.memref_slice %arg4[%dma_start3A_60, %add3A_55, %dma_start3A_61] : memref<2x2500x128xi32, #tpu.memory_space<hbm>> -> memref<2x1x128xi32, #tpu.memory_space<hbm>>
    %dma_start3A_63 = tpu.memref_squeeze %dma_start3A_62 : memref<2x1x128xi32, #tpu.memory_space<hbm>> -> memref<2x128xi32, #tpu.memory_space<hbm>>
    tpu.enqueue_dma source(%dma_start3A_63 : memref<2x128xi32, #tpu.memory_space<hbm>>) target(%arg13 : memref<2x128xi32, #tpu.memory_space<vmem>>) target_semaphore(%arg33 : memref<!tpu.dma_semaphore, #tpu.memory_space<semaphore_mem>>)
    %add3A_64 = arith.constant 5 : i32
    %add3A_65 = arith.addi %mul3A_15, %add3A_64 : i32
    %dma_start3A_66 = arith.constant 0 : i32
    %dma_start3A_67 = arith.constant 0 : i32
    %dma_start3A_68 = tpu.memref_slice %arg4[%dma_start3A_66, %add3A_65, %dma_start3A_67] : memref<2x2500x128xi32, #tpu.memory_space<hbm>> -> memref<2x1x128xi32, #tpu.memory_space<hbm>>
    %dma_start3A_69 = tpu.memref_squeeze %dma_start3A_68 : memref<2x1x128xi32, #tpu.memory_space<hbm>> -> memref<2x128xi32, #tpu.memory_space<hbm>>
    %dma_start3A_70 = arith.constant 0 : i32
    %dma_start3A_71 = arith.constant 0 : i32
    %dma_start3A_72 = tpu.memref_slice %arg4[%dma_start3A_70, %add3A_65, %dma_start3A_71] : memref<2x2500x128xi32, #tpu.memory_space<hbm>> -> memref<2x1x128xi32, #tpu.memory_space<hbm>>
    %dma_start3A_73 = tpu.memref_squeeze %dma_start3A_72 : memref<2x1x128xi32, #tpu.memory_space<hbm>> -> memref<2x128xi32, #tpu.memory_space<hbm>>
    tpu.enqueue_dma source(%dma_start3A_73 : memref<2x128xi32, #tpu.memory_space<hbm>>) target(%arg14 : memref<2x128xi32, #tpu.memory_space<vmem>>) target_semaphore(%arg34 : memref<!tpu.dma_semaphore, #tpu.memory_space<semaphore_mem>>)
    %dma_wait3A = arith.constant 0 : i32
    %dma_wait3A_74 = arith.constant 0 : i32
    %dma_wait3A_75 = arith.constant 0 : i32
    %dma_wait3A_76 = tpu.memref_slice %arg4[%dma_wait3A_74, %dma_wait3A, %dma_wait3A_75] : memref<2x2500x128xi32, #tpu.memory_space<hbm>> -> memref<2x1x128xi32, #tpu.memory_space<hbm>>
    %dma_wait3A_77 = tpu.memref_squeeze %dma_wait3A_76 : memref<2x1x128xi32, #tpu.memory_space<hbm>> -> memref<2x128xi32, #tpu.memory_space<hbm>>
    %dma_wait3A_78 = arith.constant 0 : i32
    %dma_wait3A_79 = arith.constant 0 : i32
    %dma_wait3A_80 = tpu.memref_slice %arg4[%dma_wait3A_78, %dma_wait3A, %dma_wait3A_79] : memref<2x2500x128xi32, #tpu.memory_space<hbm>> -> memref<2x1x128xi32, #tpu.memory_space<hbm>>
    %dma_wait3A_81 = tpu.memref_squeeze %dma_wait3A_80 : memref<2x1x128xi32, #tpu.memory_space<hbm>> -> memref<2x128xi32, #tpu.memory_space<hbm>>
    tpu.wait_dma2 semaphore(%arg29 : memref<!tpu.dma_semaphore, #tpu.memory_space<semaphore_mem>>) src(%dma_wait3A_81 : memref<2x128xi32, #tpu.memory_space<hbm>>) dst(%arg9 : memref<2x128xi32, #tpu.memory_space<vmem>>)
    %dma_start3A_82 = arith.constant 1 : i32
    %dma_start3A_83 = arith.constant 0 : i32
    %dma_start3A_84 = tpu.memref_slice %arg9[%dma_start3A_82, %dma_start3A_83] : memref<2x128xi32, #tpu.memory_space<vmem>> -> memref<1x128xi32, #tpu.memory_space<vmem>>
    %dma_start3A_85 = tpu.memref_squeeze %dma_start3A_84 : memref<1x128xi32, #tpu.memory_space<vmem>> -> memref<128xi32, #tpu.memory_space<vmem>>
    %dma_start3A_86 = arith.constant 0 : i32
    %dma_start3A_87 = arith.constant 0 : i32
    %dma_start3A_88 = tpu.memref_slice %arg8[%dma_start3A_86, %dma_start3A_87] : memref<10000x64xf32, #tpu.memory_space<vmem_shared>> -> memref<10000x64xf32, #tpu.memory_space<vmem_shared>>
    tpu.enqueue_indirect_dma source(%dma_start3A_88 : memref<10000x64xf32, #tpu.memory_space<vmem_shared>>) target(%arg17 : memref<128x64xf32, #tpu.memory_space<vmem>>) offsets(%dma_start3A_85 : memref<128xi32, #tpu.memory_space<vmem>>) semaphore(%arg21 : memref<!tpu.dma_semaphore, #tpu.memory_space<semaphore_mem>>)
    %dma_wait3A_89 = arith.constant 0 : i32
    %dma_wait3A_90 = arith.constant 0 : i32
    %dma_wait3A_91 = arith.constant 0 : i32
    %dma_wait3A_92 = tpu.memref_slice %arg4[%dma_wait3A_90, %dma_wait3A_89, %dma_wait3A_91] : memref<2x2500x128xi32, #tpu.memory_space<hbm>> -> memref<2x1x128xi32, #tpu.memory_space<hbm>>
    %dma_wait3A_93 = tpu.memref_squeeze %dma_wait3A_92 : memref<2x1x128xi32, #tpu.memory_space<hbm>> -> memref<2x128xi32, #tpu.memory_space<hbm>>
    %dma_wait3A_94 = arith.constant 0 : i32
    %dma_wait3A_95 = arith.constant 0 : i32
    %dma_wait3A_96 = tpu.memref_slice %arg4[%dma_wait3A_94, %dma_wait3A_89, %dma_wait3A_95] : memref<2x2500x128xi32, #tpu.memory_space<hbm>> -> memref<2x1x128xi32, #tpu.memory_space<hbm>>
    %dma_wait3A_97 = tpu.memref_squeeze %dma_wait3A_96 : memref<2x1x128xi32, #tpu.memory_space<hbm>> -> memref<2x128xi32, #tpu.memory_space<hbm>>
    tpu.wait_dma2 semaphore(%arg30 : memref<!tpu.dma_semaphore, #tpu.memory_space<semaphore_mem>>) src(%dma_wait3A_97 : memref<2x128xi32, #tpu.memory_space<hbm>>) dst(%arg10 : memref<2x128xi32, #tpu.memory_space<vmem>>)
    %eq3A_98 = arith.constant 0 : i32
    %eq3A_99 = arith.cmpi eq, %arg0, %eq3A_98 : i32
    %convert_element_type3A_100 = arith.extui %eq3A_99 : i1 to i32
    %cond3A_101 = arith.constant 0 : i32
    %cond3A_102 = arith.cmpi ne, %convert_element_type3A_100, %cond3A_101 : i32
    scf.if %cond3A_102 {
      %dma_start3A_641 = arith.constant 1 : i32
      %dma_start3A_642 = arith.constant 0 : i32
      %dma_start3A_643 = tpu.memref_slice %arg10[%dma_start3A_641, %dma_start3A_642] : memref<2x128xi32, #tpu.memory_space<vmem>> -> memref<1x128xi32, #tpu.memory_space<vmem>>
      %dma_start3A_644 = tpu.memref_squeeze %dma_start3A_643 : memref<1x128xi32, #tpu.memory_space<vmem>> -> memref<128xi32, #tpu.memory_space<vmem>>
      %dma_start3A_645 = arith.constant 0 : i32
      %dma_start3A_646 = arith.constant 0 : i32
      %dma_start3A_647 = tpu.memref_slice %arg2[%dma_start3A_645, %dma_start3A_646] : memref<10000x64xf32, #tpu.memory_space<hbm>> -> memref<10000x64xf32, #tpu.memory_space<hbm>>
      tpu.enqueue_indirect_dma source(%dma_start3A_647 : memref<10000x64xf32, #tpu.memory_space<hbm>>) target(%arg18 : memref<128x64xf32, #tpu.memory_space<vmem>>) offsets(%dma_start3A_644 : memref<128xi32, #tpu.memory_space<vmem>>) semaphore(%arg22 : memref<!tpu.dma_semaphore, #tpu.memory_space<semaphore_mem>>)
    } else {
    }
    %eq3A_103 = arith.constant 1 : i32
    %eq3A_104 = arith.cmpi eq, %arg0, %eq3A_103 : i32
    %convert_element_type3A_105 = arith.extui %eq3A_104 : i1 to i32
    %cond3A_106 = arith.constant 0 : i32
    %cond3A_107 = arith.cmpi ne, %convert_element_type3A_105, %cond3A_106 : i32
    scf.if %cond3A_107 {
      %dma_start3A_641 = arith.constant 1 : i32
      %dma_start3A_642 = arith.constant 0 : i32
      %dma_start3A_643 = tpu.memref_slice %arg10[%dma_start3A_641, %dma_start3A_642] : memref<2x128xi32, #tpu.memory_space<vmem>> -> memref<1x128xi32, #tpu.memory_space<vmem>>
      %dma_start3A_644 = tpu.memref_squeeze %dma_start3A_643 : memref<1x128xi32, #tpu.memory_space<vmem>> -> memref<128xi32, #tpu.memory_space<vmem>>
      %dma_start3A_645 = arith.constant 0 : i32
      %dma_start3A_646 = arith.constant 0 : i32
      %dma_start3A_647 = tpu.memref_slice %arg3[%dma_start3A_645, %dma_start3A_646] : memref<10000x64xf32, #tpu.memory_space<hbm>> -> memref<10000x64xf32, #tpu.memory_space<hbm>>
      tpu.enqueue_indirect_dma source(%dma_start3A_647 : memref<10000x64xf32, #tpu.memory_space<hbm>>) target(%arg18 : memref<128x64xf32, #tpu.memory_space<vmem>>) offsets(%dma_start3A_644 : memref<128xi32, #tpu.memory_space<vmem>>) semaphore(%arg22 : memref<!tpu.dma_semaphore, #tpu.memory_space<semaphore_mem>>)
    } else {
    }
    %dma_wait3A_108 = arith.constant 0 : i32
    %dma_wait3A_109 = arith.constant 0 : i32
    %dma_wait3A_110 = tpu.memref_slice %arg8[%dma_wait3A_108, %dma_wait3A_109] : memref<10000x64xf32, #tpu.memory_space<vmem_shared>> -> memref<128x64xf32, #tpu.memory_space<vmem_shared>>
    %dma_wait3A_111 = arith.constant 0 : i32
    %dma_wait3A_112 = arith.constant 0 : i32
    %dma_wait3A_113 = tpu.memref_slice %arg8[%dma_wait3A_111, %dma_wait3A_112] : memref<10000x64xf32, #tpu.memory_space<vmem_shared>> -> memref<128x64xf32, #tpu.memory_space<vmem_shared>>
    tpu.wait_dma2 semaphore(%arg21 : memref<!tpu.dma_semaphore, #tpu.memory_space<semaphore_mem>>) src(%dma_wait3A_113 : memref<128x64xf32, #tpu.memory_space<vmem_shared>>) dst(%arg17 : memref<128x64xf32, #tpu.memory_space<vmem>>)
    %dma_start3A_114 = arith.constant 0 : i32
    %dma_start3A_115 = arith.constant 0 : i32
    %dma_start3A_116 = tpu.memref_slice %arg9[%dma_start3A_114, %dma_start3A_115] : memref<2x128xi32, #tpu.memory_space<vmem>> -> memref<1x128xi32, #tpu.memory_space<vmem>>
    %dma_start3A_117 = tpu.memref_squeeze %dma_start3A_116 : memref<1x128xi32, #tpu.memory_space<vmem>> -> memref<128xi32, #tpu.memory_space<vmem>>
    %dma_start3A_118 = arith.constant 0 : i32
    %dma_start3A_119 = arith.constant 0 : i32
    %dma_start3A_120 = tpu.memref_slice %arg7[%dma_start3A_118, %dma_start3A_119] : memref<10112x64xf32, #tpu.memory_space<vmem_shared>> -> memref<10112x64xf32, #tpu.memory_space<vmem_shared>>
    tpu.enqueue_indirect_dma source(%arg17 : memref<128x64xf32, #tpu.memory_space<vmem>>) target(%dma_start3A_120 : memref<10112x64xf32, #tpu.memory_space<vmem_shared>>) offsets(%dma_start3A_117 : memref<128xi32, #tpu.memory_space<vmem>>) semaphore(%arg25 : memref<!tpu.dma_semaphore, #tpu.memory_space<semaphore_mem>>) {add = true}
    %dma_wait3A_121 = arith.constant 0 : i32
    %dma_wait3A_122 = arith.constant 0 : i32
    %dma_wait3A_123 = arith.constant 0 : i32
    %dma_wait3A_124 = tpu.memref_slice %arg4[%dma_wait3A_122, %dma_wait3A_121, %dma_wait3A_123] : memref<2x2500x128xi32, #tpu.memory_space<hbm>> -> memref<2x1x128xi32, #tpu.memory_space<hbm>>
    %dma_wait3A_125 = tpu.memref_squeeze %dma_wait3A_124 : memref<2x1x128xi32, #tpu.memory_space<hbm>> -> memref<2x128xi32, #tpu.memory_space<hbm>>
    %dma_wait3A_126 = arith.constant 0 : i32
    %dma_wait3A_127 = arith.constant 0 : i32
    %dma_wait3A_128 = tpu.memref_slice %arg4[%dma_wait3A_126, %dma_wait3A_121, %dma_wait3A_127] : memref<2x2500x128xi32, #tpu.memory_space<hbm>> -> memref<2x1x128xi32, #tpu.memory_space<hbm>>
    %dma_wait3A_129 = tpu.memref_squeeze %dma_wait3A_128 : memref<2x1x128xi32, #tpu.memory_space<hbm>> -> memref<2x128xi32, #tpu.memory_space<hbm>>
    tpu.wait_dma2 semaphore(%arg31 : memref<!tpu.dma_semaphore, #tpu.memory_space<semaphore_mem>>) src(%dma_wait3A_129 : memref<2x128xi32, #tpu.memory_space<hbm>>) dst(%arg11 : memref<2x128xi32, #tpu.memory_space<vmem>>)
    %dma_start3A_130 = arith.constant 1 : i32
    %dma_start3A_131 = arith.constant 0 : i32
    %dma_start3A_132 = tpu.memref_slice %arg11[%dma_start3A_130, %dma_start3A_131] : memref<2x128xi32, #tpu.memory_space<vmem>> -> memref<1x128xi32, #tpu.memory_space<vmem>>
    %dma_start3A_133 = tpu.memref_squeeze %dma_start3A_132 : memref<1x128xi32, #tpu.memory_space<vmem>> -> memref<128xi32, #tpu.memory_space<vmem>>
    %dma_start3A_134 = arith.constant 0 : i32
    %dma_start3A_135 = arith.constant 0 : i32
    %dma_start3A_136 = tpu.memref_slice %arg8[%dma_start3A_134, %dma_start3A_135] : memref<10000x64xf32, #tpu.memory_space<vmem_shared>> -> memref<10000x64xf32, #tpu.memory_space<vmem_shared>>
    tpu.enqueue_indirect_dma source(%dma_start3A_136 : memref<10000x64xf32, #tpu.memory_space<vmem_shared>>) target(%arg19 : memref<128x64xf32, #tpu.memory_space<vmem>>) offsets(%dma_start3A_133 : memref<128xi32, #tpu.memory_space<vmem>>) semaphore(%arg23 : memref<!tpu.dma_semaphore, #tpu.memory_space<semaphore_mem>>)
    %add3A_137 = arith.constant 0 : i32
    %add3A_138 = arith.addi %mul3A_15, %add3A_137 : i32
    %add3A_139 = arith.constant 6 : i32
    %add3A_140 = arith.addi %add3A_138, %add3A_139 : i32
    %dma_start3A_141 = arith.constant 0 : i32
    %dma_start3A_142 = arith.constant 0 : i32
    %dma_start3A_143 = tpu.memref_slice %arg4[%dma_start3A_141, %add3A_140, %dma_start3A_142] : memref<2x2500x128xi32, #tpu.memory_space<hbm>> -> memref<2x1x128xi32, #tpu.memory_space<hbm>>
    %dma_start3A_144 = tpu.memref_squeeze %dma_start3A_143 : memref<2x1x128xi32, #tpu.memory_space<hbm>> -> memref<2x128xi32, #tpu.memory_space<hbm>>
    %dma_start3A_145 = arith.constant 0 : i32
    %dma_start3A_146 = arith.constant 0 : i32
    %dma_start3A_147 = tpu.memref_slice %arg4[%dma_start3A_145, %add3A_140, %dma_start3A_146] : memref<2x2500x128xi32, #tpu.memory_space<hbm>> -> memref<2x1x128xi32, #tpu.memory_space<hbm>>
    %dma_start3A_148 = tpu.memref_squeeze %dma_start3A_147 : memref<2x1x128xi32, #tpu.memory_space<hbm>> -> memref<2x128xi32, #tpu.memory_space<hbm>>
    tpu.enqueue_dma source(%dma_start3A_148 : memref<2x128xi32, #tpu.memory_space<hbm>>) target(%arg15 : memref<2x128xi32, #tpu.memory_space<vmem>>) target_semaphore(%arg35 : memref<!tpu.dma_semaphore, #tpu.memory_space<semaphore_mem>>)
    %dma_wait3A_149 = arith.constant 0 : i32
    %dma_wait3A_150 = arith.constant 0 : i32
    %dma_wait3A_151 = tpu.memref_slice %arg2[%dma_wait3A_149, %dma_wait3A_150] : memref<10000x64xf32, #tpu.memory_space<hbm>> -> memref<128x64xf32, #tpu.memory_space<hbm>>
    %dma_wait3A_152 = arith.constant 0 : i32
    %dma_wait3A_153 = arith.constant 0 : i32
    %dma_wait3A_154 = tpu.memref_slice %arg2[%dma_wait3A_152, %dma_wait3A_153] : memref<10000x64xf32, #tpu.memory_space<hbm>> -> memref<128x64xf32, #tpu.memory_space<hbm>>
    tpu.wait_dma2 semaphore(%arg22 : memref<!tpu.dma_semaphore, #tpu.memory_space<semaphore_mem>>) src(%dma_wait3A_154 : memref<128x64xf32, #tpu.memory_space<hbm>>) dst(%arg18 : memref<128x64xf32, #tpu.memory_space<vmem>>)
    %dma_start3A_155 = arith.constant 0 : i32
    %dma_start3A_156 = arith.constant 0 : i32
    %dma_start3A_157 = tpu.memref_slice %arg10[%dma_start3A_155, %dma_start3A_156] : memref<2x128xi32, #tpu.memory_space<vmem>> -> memref<1x128xi32, #tpu.memory_space<vmem>>
    %dma_start3A_158 = tpu.memref_squeeze %dma_start3A_157 : memref<1x128xi32, #tpu.memory_space<vmem>> -> memref<128xi32, #tpu.memory_space<vmem>>
    %dma_start3A_159 = arith.constant 0 : i32
    %dma_start3A_160 = arith.constant 0 : i32
    %dma_start3A_161 = tpu.memref_slice %arg7[%dma_start3A_159, %dma_start3A_160] : memref<10112x64xf32, #tpu.memory_space<vmem_shared>> -> memref<10112x64xf32, #tpu.memory_space<vmem_shared>>
    tpu.enqueue_indirect_dma source(%arg18 : memref<128x64xf32, #tpu.memory_space<vmem>>) target(%dma_start3A_161 : memref<10112x64xf32, #tpu.memory_space<vmem_shared>>) offsets(%dma_start3A_158 : memref<128xi32, #tpu.memory_space<vmem>>) semaphore(%arg26 : memref<!tpu.dma_semaphore, #tpu.memory_space<semaphore_mem>>) {add = true}
    %dma_wait3A_162 = arith.constant 0 : i32
    %dma_wait3A_163 = arith.constant 0 : i32
    %dma_wait3A_164 = arith.constant 0 : i32
    %dma_wait3A_165 = tpu.memref_slice %arg4[%dma_wait3A_163, %dma_wait3A_162, %dma_wait3A_164] : memref<2x2500x128xi32, #tpu.memory_space<hbm>> -> memref<2x1x128xi32, #tpu.memory_space<hbm>>
    %dma_wait3A_166 = tpu.memref_squeeze %dma_wait3A_165 : memref<2x1x128xi32, #tpu.memory_space<hbm>> -> memref<2x128xi32, #tpu.memory_space<hbm>>
    %dma_wait3A_167 = arith.constant 0 : i32
    %dma_wait3A_168 = arith.constant 0 : i32
    %dma_wait3A_169 = tpu.memref_slice %arg4[%dma_wait3A_167, %dma_wait3A_162, %dma_wait3A_168] : memref<2x2500x128xi32, #tpu.memory_space<hbm>> -> memref<2x1x128xi32, #tpu.memory_space<hbm>>
    %dma_wait3A_170 = tpu.memref_squeeze %dma_wait3A_169 : memref<2x1x128xi32, #tpu.memory_space<hbm>> -> memref<2x128xi32, #tpu.memory_space<hbm>>
    tpu.wait_dma2 semaphore(%arg32 : memref<!tpu.dma_semaphore, #tpu.memory_space<semaphore_mem>>) src(%dma_wait3A_170 : memref<2x128xi32, #tpu.memory_space<hbm>>) dst(%arg12 : memref<2x128xi32, #tpu.memory_space<vmem>>)
    %eq3A_171 = arith.constant 0 : i32
    %eq3A_172 = arith.cmpi eq, %arg0, %eq3A_171 : i32
    %convert_element_type3A_173 = arith.extui %eq3A_172 : i1 to i32
    %cond3A_174 = arith.constant 0 : i32
    %cond3A_175 = arith.cmpi ne, %convert_element_type3A_173, %cond3A_174 : i32
    scf.if %cond3A_175 {
      %dma_start3A_641 = arith.constant 1 : i32
      %dma_start3A_642 = arith.constant 0 : i32
      %dma_start3A_643 = tpu.memref_slice %arg12[%dma_start3A_641, %dma_start3A_642] : memref<2x128xi32, #tpu.memory_space<vmem>> -> memref<1x128xi32, #tpu.memory_space<vmem>>
      %dma_start3A_644 = tpu.memref_squeeze %dma_start3A_643 : memref<1x128xi32, #tpu.memory_space<vmem>> -> memref<128xi32, #tpu.memory_space<vmem>>
      %dma_start3A_645 = arith.constant 0 : i32
      %dma_start3A_646 = arith.constant 0 : i32
      %dma_start3A_647 = tpu.memref_slice %arg2[%dma_start3A_645, %dma_start3A_646] : memref<10000x64xf32, #tpu.memory_space<hbm>> -> memref<10000x64xf32, #tpu.memory_space<hbm>>
      tpu.enqueue_indirect_dma source(%dma_start3A_647 : memref<10000x64xf32, #tpu.memory_space<hbm>>) target(%arg20 : memref<128x64xf32, #tpu.memory_space<vmem>>) offsets(%dma_start3A_644 : memref<128xi32, #tpu.memory_space<vmem>>) semaphore(%arg24 : memref<!tpu.dma_semaphore, #tpu.memory_space<semaphore_mem>>)
    } else {
    }
    %eq3A_176 = arith.constant 1 : i32
    %eq3A_177 = arith.cmpi eq, %arg0, %eq3A_176 : i32
    %convert_element_type3A_178 = arith.extui %eq3A_177 : i1 to i32
    %cond3A_179 = arith.constant 0 : i32
    %cond3A_180 = arith.cmpi ne, %convert_element_type3A_178, %cond3A_179 : i32
    scf.if %cond3A_180 {
      %dma_start3A_641 = arith.constant 1 : i32
      %dma_start3A_642 = arith.constant 0 : i32
      %dma_start3A_643 = tpu.memref_slice %arg12[%dma_start3A_641, %dma_start3A_642] : memref<2x128xi32, #tpu.memory_space<vmem>> -> memref<1x128xi32, #tpu.memory_space<vmem>>
      %dma_start3A_644 = tpu.memref_squeeze %dma_start3A_643 : memref<1x128xi32, #tpu.memory_space<vmem>> -> memref<128xi32, #tpu.memory_space<vmem>>
      %dma_start3A_645 = arith.constant 0 : i32
      %dma_start3A_646 = arith.constant 0 : i32
      %dma_start3A_647 = tpu.memref_slice %arg3[%dma_start3A_645, %dma_start3A_646] : memref<10000x64xf32, #tpu.memory_space<hbm>> -> memref<10000x64xf32, #tpu.memory_space<hbm>>
      tpu.enqueue_indirect_dma source(%dma_start3A_647 : memref<10000x64xf32, #tpu.memory_space<hbm>>) target(%arg20 : memref<128x64xf32, #tpu.memory_space<vmem>>) offsets(%dma_start3A_644 : memref<128xi32, #tpu.memory_space<vmem>>) semaphore(%arg24 : memref<!tpu.dma_semaphore, #tpu.memory_space<semaphore_mem>>)
    } else {
    }
    %add3A_181 = arith.constant 1 : i32
    %add3A_182 = arith.addi %mul3A_15, %add3A_181 : i32
    %add3A_183 = arith.constant 6 : i32
    %add3A_184 = arith.addi %add3A_182, %add3A_183 : i32
    %dma_start3A_185 = arith.constant 0 : i32
    %dma_start3A_186 = arith.constant 0 : i32
    %dma_start3A_187 = tpu.memref_slice %arg4[%dma_start3A_185, %add3A_184, %dma_start3A_186] : memref<2x2500x128xi32, #tpu.memory_space<hbm>> -> memref<2x1x128xi32, #tpu.memory_space<hbm>>
    %dma_start3A_188 = tpu.memref_squeeze %dma_start3A_187 : memref<2x1x128xi32, #tpu.memory_space<hbm>> -> memref<2x128xi32, #tpu.memory_space<hbm>>
    %dma_start3A_189 = arith.constant 0 : i32
    %dma_start3A_190 = arith.constant 0 : i32
    %dma_start3A_191 = tpu.memref_slice %arg4[%dma_start3A_189, %add3A_184, %dma_start3A_190] : memref<2x2500x128xi32, #tpu.memory_space<hbm>> -> memref<2x1x128xi32, #tpu.memory_space<hbm>>
    %dma_start3A_192 = tpu.memref_squeeze %dma_start3A_191 : memref<2x1x128xi32, #tpu.memory_space<hbm>> -> memref<2x128xi32, #tpu.memory_space<hbm>>
    tpu.enqueue_dma source(%dma_start3A_192 : memref<2x128xi32, #tpu.memory_space<hbm>>) target(%arg16 : memref<2x128xi32, #tpu.memory_space<vmem>>) target_semaphore(%arg36 : memref<!tpu.dma_semaphore, #tpu.memory_space<semaphore_mem>>)
    %dma_wait3A_193 = arith.constant 0 : i32
    %dma_wait3A_194 = arith.constant 0 : i32
    %dma_wait3A_195 = tpu.memref_slice %arg8[%dma_wait3A_193, %dma_wait3A_194] : memref<10000x64xf32, #tpu.memory_space<vmem_shared>> -> memref<128x64xf32, #tpu.memory_space<vmem_shared>>
    %dma_wait3A_196 = arith.constant 0 : i32
    %dma_wait3A_197 = arith.constant 0 : i32
    %dma_wait3A_198 = tpu.memref_slice %arg8[%dma_wait3A_196, %dma_wait3A_197] : memref<10000x64xf32, #tpu.memory_space<vmem_shared>> -> memref<128x64xf32, #tpu.memory_space<vmem_shared>>
    tpu.wait_dma2 semaphore(%arg23 : memref<!tpu.dma_semaphore, #tpu.memory_space<semaphore_mem>>) src(%dma_wait3A_198 : memref<128x64xf32, #tpu.memory_space<vmem_shared>>) dst(%arg19 : memref<128x64xf32, #tpu.memory_space<vmem>>)
    %dma_start3A_199 = arith.constant 0 : i32
    %dma_start3A_200 = arith.constant 0 : i32
    %dma_start3A_201 = tpu.memref_slice %arg11[%dma_start3A_199, %dma_start3A_200] : memref<2x128xi32, #tpu.memory_space<vmem>> -> memref<1x128xi32, #tpu.memory_space<vmem>>
    %dma_start3A_202 = tpu.memref_squeeze %dma_start3A_201 : memref<1x128xi32, #tpu.memory_space<vmem>> -> memref<128xi32, #tpu.memory_space<vmem>>
    %dma_start3A_203 = arith.constant 0 : i32
    %dma_start3A_204 = arith.constant 0 : i32
    %dma_start3A_205 = tpu.memref_slice %arg7[%dma_start3A_203, %dma_start3A_204] : memref<10112x64xf32, #tpu.memory_space<vmem_shared>> -> memref<10112x64xf32, #tpu.memory_space<vmem_shared>>
    tpu.enqueue_indirect_dma source(%arg19 : memref<128x64xf32, #tpu.memory_space<vmem>>) target(%dma_start3A_205 : memref<10112x64xf32, #tpu.memory_space<vmem_shared>>) offsets(%dma_start3A_202 : memref<128xi32, #tpu.memory_space<vmem>>) semaphore(%arg27 : memref<!tpu.dma_semaphore, #tpu.memory_space<semaphore_mem>>) {add = true}
    %dma_wait3A_206 = arith.constant 0 : i32
    %dma_wait3A_207 = arith.constant 0 : i32
    %dma_wait3A_208 = arith.constant 0 : i32
    %dma_wait3A_209 = tpu.memref_slice %arg4[%dma_wait3A_207, %dma_wait3A_206, %dma_wait3A_208] : memref<2x2500x128xi32, #tpu.memory_space<hbm>> -> memref<2x1x128xi32, #tpu.memory_space<hbm>>
    %dma_wait3A_210 = tpu.memref_squeeze %dma_wait3A_209 : memref<2x1x128xi32, #tpu.memory_space<hbm>> -> memref<2x128xi32, #tpu.memory_space<hbm>>
    %dma_wait3A_211 = arith.constant 0 : i32
    %dma_wait3A_212 = arith.constant 0 : i32
    %dma_wait3A_213 = tpu.memref_slice %arg4[%dma_wait3A_211, %dma_wait3A_206, %dma_wait3A_212] : memref<2x2500x128xi32, #tpu.memory_space<hbm>> -> memref<2x1x128xi32, #tpu.memory_space<hbm>>
    %dma_wait3A_214 = tpu.memref_squeeze %dma_wait3A_213 : memref<2x1x128xi32, #tpu.memory_space<hbm>> -> memref<2x128xi32, #tpu.memory_space<hbm>>
    tpu.wait_dma2 semaphore(%arg33 : memref<!tpu.dma_semaphore, #tpu.memory_space<semaphore_mem>>) src(%dma_wait3A_214 : memref<2x128xi32, #tpu.memory_space<hbm>>) dst(%arg13 : memref<2x128xi32, #tpu.memory_space<vmem>>)
    %dma_wait3A_215 = arith.constant 0 : i32
    %dma_wait3A_216 = arith.constant 0 : i32
    %dma_wait3A_217 = tpu.memref_slice %arg7[%dma_wait3A_215, %dma_wait3A_216] : memref<10112x64xf32, #tpu.memory_space<vmem_shared>> -> memref<128x64xf32, #tpu.memory_space<vmem_shared>>
    %dma_wait3A_218 = arith.constant 0 : i32
    %dma_wait3A_219 = arith.constant 0 : i32
    %dma_wait3A_220 = tpu.memref_slice %arg7[%dma_wait3A_218, %dma_wait3A_219] : memref<10112x64xf32, #tpu.memory_space<vmem_shared>> -> memref<128x64xf32, #tpu.memory_space<vmem_shared>>
    tpu.wait_dma2 semaphore(%arg25 : memref<!tpu.dma_semaphore, #tpu.memory_space<semaphore_mem>>) src(%arg17 : memref<128x64xf32, #tpu.memory_space<vmem>>) dst(%dma_wait3A_220 : memref<128x64xf32, #tpu.memory_space<vmem_shared>>)
    %dma_start3A_221 = arith.constant 1 : i32
    %dma_start3A_222 = arith.constant 0 : i32
    %dma_start3A_223 = tpu.memref_slice %arg13[%dma_start3A_221, %dma_start3A_222] : memref<2x128xi32, #tpu.memory_space<vmem>> -> memref<1x128xi32, #tpu.memory_space<vmem>>
    %dma_start3A_224 = tpu.memref_squeeze %dma_start3A_223 : memref<1x128xi32, #tpu.memory_space<vmem>> -> memref<128xi32, #tpu.memory_space<vmem>>
    %dma_start3A_225 = arith.constant 0 : i32
    %dma_start3A_226 = arith.constant 0 : i32
    %dma_start3A_227 = tpu.memref_slice %arg8[%dma_start3A_225, %dma_start3A_226] : memref<10000x64xf32, #tpu.memory_space<vmem_shared>> -> memref<10000x64xf32, #tpu.memory_space<vmem_shared>>
    tpu.enqueue_indirect_dma source(%dma_start3A_227 : memref<10000x64xf32, #tpu.memory_space<vmem_shared>>) target(%arg17 : memref<128x64xf32, #tpu.memory_space<vmem>>) offsets(%dma_start3A_224 : memref<128xi32, #tpu.memory_space<vmem>>) semaphore(%arg21 : memref<!tpu.dma_semaphore, #tpu.memory_space<semaphore_mem>>)
    %add3A_228 = arith.constant 2 : i32
    %add3A_229 = arith.addi %mul3A_15, %add3A_228 : i32
    %add3A_230 = arith.constant 6 : i32
    %add3A_231 = arith.addi %add3A_229, %add3A_230 : i32
    %dma_start3A_232 = arith.constant 0 : i32
    %dma_start3A_233 = arith.constant 0 : i32
    %dma_start3A_234 = tpu.memref_slice %arg4[%dma_start3A_232, %add3A_231, %dma_start3A_233] : memref<2x2500x128xi32, #tpu.memory_space<hbm>> -> memref<2x1x128xi32, #tpu.memory_space<hbm>>
    %dma_start3A_235 = tpu.memref_squeeze %dma_start3A_234 : memref<2x1x128xi32, #tpu.memory_space<hbm>> -> memref<2x128xi32, #tpu.memory_space<hbm>>
    %dma_start3A_236 = arith.constant 0 : i32
    %dma_start3A_237 = arith.constant 0 : i32
    %dma_start3A_238 = tpu.memref_slice %arg4[%dma_start3A_236, %add3A_231, %dma_start3A_237] : memref<2x2500x128xi32, #tpu.memory_space<hbm>> -> memref<2x1x128xi32, #tpu.memory_space<hbm>>
    %dma_start3A_239 = tpu.memref_squeeze %dma_start3A_238 : memref<2x1x128xi32, #tpu.memory_space<hbm>> -> memref<2x128xi32, #tpu.memory_space<hbm>>
    tpu.enqueue_dma source(%dma_start3A_239 : memref<2x128xi32, #tpu.memory_space<hbm>>) target(%arg9 : memref<2x128xi32, #tpu.memory_space<vmem>>) target_semaphore(%arg29 : memref<!tpu.dma_semaphore, #tpu.memory_space<semaphore_mem>>)
    %dma_wait3A_240 = arith.constant 0 : i32
    %dma_wait3A_241 = arith.constant 0 : i32
    %dma_wait3A_242 = tpu.memref_slice %arg2[%dma_wait3A_240, %dma_wait3A_241] : memref<10000x64xf32, #tpu.memory_space<hbm>> -> memref<128x64xf32, #tpu.memory_space<hbm>>
    %dma_wait3A_243 = arith.constant 0 : i32
    %dma_wait3A_244 = arith.constant 0 : i32
    %dma_wait3A_245 = tpu.memref_slice %arg2[%dma_wait3A_243, %dma_wait3A_244] : memref<10000x64xf32, #tpu.memory_space<hbm>> -> memref<128x64xf32, #tpu.memory_space<hbm>>
    tpu.wait_dma2 semaphore(%arg24 : memref<!tpu.dma_semaphore, #tpu.memory_space<semaphore_mem>>) src(%dma_wait3A_245 : memref<128x64xf32, #tpu.memory_space<hbm>>) dst(%arg20 : memref<128x64xf32, #tpu.memory_space<vmem>>)
    %dma_start3A_246 = arith.constant 0 : i32
    %dma_start3A_247 = arith.constant 0 : i32
    %dma_start3A_248 = tpu.memref_slice %arg12[%dma_start3A_246, %dma_start3A_247] : memref<2x128xi32, #tpu.memory_space<vmem>> -> memref<1x128xi32, #tpu.memory_space<vmem>>
    %dma_start3A_249 = tpu.memref_squeeze %dma_start3A_248 : memref<1x128xi32, #tpu.memory_space<vmem>> -> memref<128xi32, #tpu.memory_space<vmem>>
    %dma_start3A_250 = arith.constant 0 : i32
    %dma_start3A_251 = arith.constant 0 : i32
    %dma_start3A_252 = tpu.memref_slice %arg7[%dma_start3A_250, %dma_start3A_251] : memref<10112x64xf32, #tpu.memory_space<vmem_shared>> -> memref<10112x64xf32, #tpu.memory_space<vmem_shared>>
    tpu.enqueue_indirect_dma source(%arg20 : memref<128x64xf32, #tpu.memory_space<vmem>>) target(%dma_start3A_252 : memref<10112x64xf32, #tpu.memory_space<vmem_shared>>) offsets(%dma_start3A_249 : memref<128xi32, #tpu.memory_space<vmem>>) semaphore(%arg28 : memref<!tpu.dma_semaphore, #tpu.memory_space<semaphore_mem>>) {add = true}
    %dma_wait3A_253 = arith.constant 0 : i32
    %dma_wait3A_254 = arith.constant 0 : i32
    %dma_wait3A_255 = arith.constant 0 : i32
    %dma_wait3A_256 = tpu.memref_slice %arg4[%dma_wait3A_254, %dma_wait3A_253, %dma_wait3A_255] : memref<2x2500x128xi32, #tpu.memory_space<hbm>> -> memref<2x1x128xi32, #tpu.memory_space<hbm>>
    %dma_wait3A_257 = tpu.memref_squeeze %dma_wait3A_256 : memref<2x1x128xi32, #tpu.memory_space<hbm>> -> memref<2x128xi32, #tpu.memory_space<hbm>>
    %dma_wait3A_258 = arith.constant 0 : i32
    %dma_wait3A_259 = arith.constant 0 : i32
    %dma_wait3A_260 = tpu.memref_slice %arg4[%dma_wait3A_258, %dma_wait3A_253, %dma_wait3A_259] : memref<2x2500x128xi32, #tpu.memory_space<hbm>> -> memref<2x1x128xi32, #tpu.memory_space<hbm>>
    %dma_wait3A_261 = tpu.memref_squeeze %dma_wait3A_260 : memref<2x1x128xi32, #tpu.memory_space<hbm>> -> memref<2x128xi32, #tpu.memory_space<hbm>>
    tpu.wait_dma2 semaphore(%arg34 : memref<!tpu.dma_semaphore, #tpu.memory_space<semaphore_mem>>) src(%dma_wait3A_261 : memref<2x128xi32, #tpu.memory_space<hbm>>) dst(%arg14 : memref<2x128xi32, #tpu.memory_space<vmem>>)
    %dma_wait3A_262 = arith.constant 0 : i32
    %dma_wait3A_263 = arith.constant 0 : i32
    %dma_wait3A_264 = tpu.memref_slice %arg7[%dma_wait3A_262, %dma_wait3A_263] : memref<10112x64xf32, #tpu.memory_space<vmem_shared>> -> memref<128x64xf32, #tpu.memory_space<vmem_shared>>
    %dma_wait3A_265 = arith.constant 0 : i32
    %dma_wait3A_266 = arith.constant 0 : i32
    %dma_wait3A_267 = tpu.memref_slice %arg7[%dma_wait3A_265, %dma_wait3A_266] : memref<10112x64xf32, #tpu.memory_space<vmem_shared>> -> memref<128x64xf32, #tpu.memory_space<vmem_shared>>
    tpu.wait_dma2 semaphore(%arg26 : memref<!tpu.dma_semaphore, #tpu.memory_space<semaphore_mem>>) src(%arg18 : memref<128x64xf32, #tpu.memory_space<vmem>>) dst(%dma_wait3A_267 : memref<128x64xf32, #tpu.memory_space<vmem_shared>>)
    %eq3A_268 = arith.constant 0 : i32
    %eq3A_269 = arith.cmpi eq, %arg0, %eq3A_268 : i32
    %convert_element_type3A_270 = arith.extui %eq3A_269 : i1 to i32
    %cond3A_271 = arith.constant 0 : i32
    %cond3A_272 = arith.cmpi ne, %convert_element_type3A_270, %cond3A_271 : i32
    scf.if %cond3A_272 {
      %dma_start3A_641 = arith.constant 1 : i32
      %dma_start3A_642 = arith.constant 0 : i32
      %dma_start3A_643 = tpu.memref_slice %arg14[%dma_start3A_641, %dma_start3A_642] : memref<2x128xi32, #tpu.memory_space<vmem>> -> memref<1x128xi32, #tpu.memory_space<vmem>>
      %dma_start3A_644 = tpu.memref_squeeze %dma_start3A_643 : memref<1x128xi32, #tpu.memory_space<vmem>> -> memref<128xi32, #tpu.memory_space<vmem>>
      %dma_start3A_645 = arith.constant 0 : i32
      %dma_start3A_646 = arith.constant 0 : i32
      %dma_start3A_647 = tpu.memref_slice %arg2[%dma_start3A_645, %dma_start3A_646] : memref<10000x64xf32, #tpu.memory_space<hbm>> -> memref<10000x64xf32, #tpu.memory_space<hbm>>
      tpu.enqueue_indirect_dma source(%dma_start3A_647 : memref<10000x64xf32, #tpu.memory_space<hbm>>) target(%arg18 : memref<128x64xf32, #tpu.memory_space<vmem>>) offsets(%dma_start3A_644 : memref<128xi32, #tpu.memory_space<vmem>>) semaphore(%arg22 : memref<!tpu.dma_semaphore, #tpu.memory_space<semaphore_mem>>)
    } else {
    }
    %eq3A_273 = arith.constant 1 : i32
    %eq3A_274 = arith.cmpi eq, %arg0, %eq3A_273 : i32
    %convert_element_type3A_275 = arith.extui %eq3A_274 : i1 to i32
    %cond3A_276 = arith.constant 0 : i32
    %cond3A_277 = arith.cmpi ne, %convert_element_type3A_275, %cond3A_276 : i32
    scf.if %cond3A_277 {
      %dma_start3A_641 = arith.constant 1 : i32
      %dma_start3A_642 = arith.constant 0 : i32
      %dma_start3A_643 = tpu.memref_slice %arg14[%dma_start3A_641, %dma_start3A_642] : memref<2x128xi32, #tpu.memory_space<vmem>> -> memref<1x128xi32, #tpu.memory_space<vmem>>
      %dma_start3A_644 = tpu.memref_squeeze %dma_start3A_643 : memref<1x128xi32, #tpu.memory_space<vmem>> -> memref<128xi32, #tpu.memory_space<vmem>>
      %dma_start3A_645 = arith.constant 0 : i32
      %dma_start3A_646 = arith.constant 0 : i32
      %dma_start3A_647 = tpu.memref_slice %arg3[%dma_start3A_645, %dma_start3A_646] : memref<10000x64xf32, #tpu.memory_space<hbm>> -> memref<10000x64xf32, #tpu.memory_space<hbm>>
      tpu.enqueue_indirect_dma source(%dma_start3A_647 : memref<10000x64xf32, #tpu.memory_space<hbm>>) target(%arg18 : memref<128x64xf32, #tpu.memory_space<vmem>>) offsets(%dma_start3A_644 : memref<128xi32, #tpu.memory_space<vmem>>) semaphore(%arg22 : memref<!tpu.dma_semaphore, #tpu.memory_space<semaphore_mem>>)
    } else {
    }
    %add3A_278 = arith.constant 3 : i32
    %add3A_279 = arith.addi %mul3A_15, %add3A_278 : i32
    %add3A_280 = arith.constant 6 : i32
    %add3A_281 = arith.addi %add3A_279, %add3A_280 : i32
    %dma_start3A_282 = arith.constant 0 : i32
    %dma_start3A_283 = arith.constant 0 : i32
    %dma_start3A_284 = tpu.memref_slice %arg4[%dma_start3A_282, %add3A_281, %dma_start3A_283] : memref<2x2500x128xi32, #tpu.memory_space<hbm>> -> memref<2x1x128xi32, #tpu.memory_space<hbm>>
    %dma_start3A_285 = tpu.memref_squeeze %dma_start3A_284 : memref<2x1x128xi32, #tpu.memory_space<hbm>> -> memref<2x128xi32, #tpu.memory_space<hbm>>
    %dma_start3A_286 = arith.constant 0 : i32
    %dma_start3A_287 = arith.constant 0 : i32
    %dma_start3A_288 = tpu.memref_slice %arg4[%dma_start3A_286, %add3A_281, %dma_start3A_287] : memref<2x2500x128xi32, #tpu.memory_space<hbm>> -> memref<2x1x128xi32, #tpu.memory_space<hbm>>
    %dma_start3A_289 = tpu.memref_squeeze %dma_start3A_288 : memref<2x1x128xi32, #tpu.memory_space<hbm>> -> memref<2x128xi32, #tpu.memory_space<hbm>>
    tpu.enqueue_dma source(%dma_start3A_289 : memref<2x128xi32, #tpu.memory_space<hbm>>) target(%arg10 : memref<2x128xi32, #tpu.memory_space<vmem>>) target_semaphore(%arg30 : memref<!tpu.dma_semaphore, #tpu.memory_space<semaphore_mem>>)
    %dma_wait3A_290 = arith.constant 0 : i32
    %dma_wait3A_291 = arith.constant 0 : i32
    %dma_wait3A_292 = tpu.memref_slice %arg8[%dma_wait3A_290, %dma_wait3A_291] : memref<10000x64xf32, #tpu.memory_space<vmem_shared>> -> memref<128x64xf32, #tpu.memory_space<vmem_shared>>
    %dma_wait3A_293 = arith.constant 0 : i32
    %dma_wait3A_294 = arith.constant 0 : i32
    %dma_wait3A_295 = tpu.memref_slice %arg8[%dma_wait3A_293, %dma_wait3A_294] : memref<10000x64xf32, #tpu.memory_space<vmem_shared>> -> memref<128x64xf32, #tpu.memory_space<vmem_shared>>
    tpu.wait_dma2 semaphore(%arg21 : memref<!tpu.dma_semaphore, #tpu.memory_space<semaphore_mem>>) src(%dma_wait3A_295 : memref<128x64xf32, #tpu.memory_space<vmem_shared>>) dst(%arg17 : memref<128x64xf32, #tpu.memory_space<vmem>>)
    %dma_start3A_296 = arith.constant 0 : i32
    %dma_start3A_297 = arith.constant 0 : i32
    %dma_start3A_298 = tpu.memref_slice %arg13[%dma_start3A_296, %dma_start3A_297] : memref<2x128xi32, #tpu.memory_space<vmem>> -> memref<1x128xi32, #tpu.memory_space<vmem>>
    %dma_start3A_299 = tpu.memref_squeeze %dma_start3A_298 : memref<1x128xi32, #tpu.memory_space<vmem>> -> memref<128xi32, #tpu.memory_space<vmem>>
    %dma_start3A_300 = arith.constant 0 : i32
    %dma_start3A_301 = arith.constant 0 : i32
    %dma_start3A_302 = tpu.memref_slice %arg7[%dma_start3A_300, %dma_start3A_301] : memref<10112x64xf32, #tpu.memory_space<vmem_shared>> -> memref<10112x64xf32, #tpu.memory_space<vmem_shared>>
    tpu.enqueue_indirect_dma source(%arg17 : memref<128x64xf32, #tpu.memory_space<vmem>>) target(%dma_start3A_302 : memref<10112x64xf32, #tpu.memory_space<vmem_shared>>) offsets(%dma_start3A_299 : memref<128xi32, #tpu.memory_space<vmem>>) semaphore(%arg25 : memref<!tpu.dma_semaphore, #tpu.memory_space<semaphore_mem>>) {add = true}
    %dma_wait3A_303 = arith.constant 0 : i32
    %dma_wait3A_304 = arith.constant 0 : i32
    %dma_wait3A_305 = arith.constant 0 : i32
    %dma_wait3A_306 = tpu.memref_slice %arg4[%dma_wait3A_304, %dma_wait3A_303, %dma_wait3A_305] : memref<2x2500x128xi32, #tpu.memory_space<hbm>> -> memref<2x1x128xi32, #tpu.memory_space<hbm>>
    %dma_wait3A_307 = tpu.memref_squeeze %dma_wait3A_306 : memref<2x1x128xi32, #tpu.memory_space<hbm>> -> memref<2x128xi32, #tpu.memory_space<hbm>>
    %dma_wait3A_308 = arith.constant 0 : i32
    %dma_wait3A_309 = arith.constant 0 : i32
    %dma_wait3A_310 = tpu.memref_slice %arg4[%dma_wait3A_308, %dma_wait3A_303, %dma_wait3A_309] : memref<2x2500x128xi32, #tpu.memory_space<hbm>> -> memref<2x1x128xi32, #tpu.memory_space<hbm>>
    %dma_wait3A_311 = tpu.memref_squeeze %dma_wait3A_310 : memref<2x1x128xi32, #tpu.memory_space<hbm>> -> memref<2x128xi32, #tpu.memory_space<hbm>>
    tpu.wait_dma2 semaphore(%arg35 : memref<!tpu.dma_semaphore, #tpu.memory_space<semaphore_mem>>) src(%dma_wait3A_311 : memref<2x128xi32, #tpu.memory_space<hbm>>) dst(%arg15 : memref<2x128xi32, #tpu.memory_space<vmem>>)
    %dma_wait3A_312 = arith.constant 0 : i32
    %dma_wait3A_313 = arith.constant 0 : i32
    %dma_wait3A_314 = tpu.memref_slice %arg7[%dma_wait3A_312, %dma_wait3A_313] : memref<10112x64xf32, #tpu.memory_space<vmem_shared>> -> memref<128x64xf32, #tpu.memory_space<vmem_shared>>
    %dma_wait3A_315 = arith.constant 0 : i32
    %dma_wait3A_316 = arith.constant 0 : i32
    %dma_wait3A_317 = tpu.memref_slice %arg7[%dma_wait3A_315, %dma_wait3A_316] : memref<10112x64xf32, #tpu.memory_space<vmem_shared>> -> memref<128x64xf32, #tpu.memory_space<vmem_shared>>
    tpu.wait_dma2 semaphore(%arg27 : memref<!tpu.dma_semaphore, #tpu.memory_space<semaphore_mem>>) src(%arg19 : memref<128x64xf32, #tpu.memory_space<vmem>>) dst(%dma_wait3A_317 : memref<128x64xf32, #tpu.memory_space<vmem_shared>>)
    %dma_start3A_318 = arith.constant 1 : i32
    %dma_start3A_319 = arith.constant 0 : i32
    %dma_start3A_320 = tpu.memref_slice %arg15[%dma_start3A_318, %dma_start3A_319] : memref<2x128xi32, #tpu.memory_space<vmem>> -> memref<1x128xi32, #tpu.memory_space<vmem>>
    %dma_start3A_321 = tpu.memref_squeeze %dma_start3A_320 : memref<1x128xi32, #tpu.memory_space<vmem>> -> memref<128xi32, #tpu.memory_space<vmem>>
    %dma_start3A_322 = arith.constant 0 : i32
    %dma_start3A_323 = arith.constant 0 : i32
    %dma_start3A_324 = tpu.memref_slice %arg8[%dma_start3A_322, %dma_start3A_323] : memref<10000x64xf32, #tpu.memory_space<vmem_shared>> -> memref<10000x64xf32, #tpu.memory_space<vmem_shared>>
    tpu.enqueue_indirect_dma source(%dma_start3A_324 : memref<10000x64xf32, #tpu.memory_space<vmem_shared>>) target(%arg19 : memref<128x64xf32, #tpu.memory_space<vmem>>) offsets(%dma_start3A_321 : memref<128xi32, #tpu.memory_space<vmem>>) semaphore(%arg23 : memref<!tpu.dma_semaphore, #tpu.memory_space<semaphore_mem>>)
    %add3A_325 = arith.constant 4 : i32
    %add3A_326 = arith.addi %mul3A_15, %add3A_325 : i32
    %add3A_327 = arith.constant 6 : i32
    %add3A_328 = arith.addi %add3A_326, %add3A_327 : i32
    %dma_start3A_329 = arith.constant 0 : i32
    %dma_start3A_330 = arith.constant 0 : i32
    %dma_start3A_331 = tpu.memref_slice %arg4[%dma_start3A_329, %add3A_328, %dma_start3A_330] : memref<2x2500x128xi32, #tpu.memory_space<hbm>> -> memref<2x1x128xi32, #tpu.memory_space<hbm>>
    %dma_start3A_332 = tpu.memref_squeeze %dma_start3A_331 : memref<2x1x128xi32, #tpu.memory_space<hbm>> -> memref<2x128xi32, #tpu.memory_space<hbm>>
    %dma_start3A_333 = arith.constant 0 : i32
    %dma_start3A_334 = arith.constant 0 : i32
    %dma_start3A_335 = tpu.memref_slice %arg4[%dma_start3A_333, %add3A_328, %dma_start3A_334] : memref<2x2500x128xi32, #tpu.memory_space<hbm>> -> memref<2x1x128xi32, #tpu.memory_space<hbm>>
    %dma_start3A_336 = tpu.memref_squeeze %dma_start3A_335 : memref<2x1x128xi32, #tpu.memory_space<hbm>> -> memref<2x128xi32, #tpu.memory_space<hbm>>
    tpu.enqueue_dma source(%dma_start3A_336 : memref<2x128xi32, #tpu.memory_space<hbm>>) target(%arg11 : memref<2x128xi32, #tpu.memory_space<vmem>>) target_semaphore(%arg31 : memref<!tpu.dma_semaphore, #tpu.memory_space<semaphore_mem>>)
    %dma_wait3A_337 = arith.constant 0 : i32
    %dma_wait3A_338 = arith.constant 0 : i32
    %dma_wait3A_339 = tpu.memref_slice %arg2[%dma_wait3A_337, %dma_wait3A_338] : memref<10000x64xf32, #tpu.memory_space<hbm>> -> memref<128x64xf32, #tpu.memory_space<hbm>>
    %dma_wait3A_340 = arith.constant 0 : i32
    %dma_wait3A_341 = arith.constant 0 : i32
    %dma_wait3A_342 = tpu.memref_slice %arg2[%dma_wait3A_340, %dma_wait3A_341] : memref<10000x64xf32, #tpu.memory_space<hbm>> -> memref<128x64xf32, #tpu.memory_space<hbm>>
    tpu.wait_dma2 semaphore(%arg22 : memref<!tpu.dma_semaphore, #tpu.memory_space<semaphore_mem>>) src(%dma_wait3A_342 : memref<128x64xf32, #tpu.memory_space<hbm>>) dst(%arg18 : memref<128x64xf32, #tpu.memory_space<vmem>>)
    %dma_start3A_343 = arith.constant 0 : i32
    %dma_start3A_344 = arith.constant 0 : i32
    %dma_start3A_345 = tpu.memref_slice %arg14[%dma_start3A_343, %dma_start3A_344] : memref<2x128xi32, #tpu.memory_space<vmem>> -> memref<1x128xi32, #tpu.memory_space<vmem>>
    %dma_start3A_346 = tpu.memref_squeeze %dma_start3A_345 : memref<1x128xi32, #tpu.memory_space<vmem>> -> memref<128xi32, #tpu.memory_space<vmem>>
    %dma_start3A_347 = arith.constant 0 : i32
    %dma_start3A_348 = arith.constant 0 : i32
    %dma_start3A_349 = tpu.memref_slice %arg7[%dma_start3A_347, %dma_start3A_348] : memref<10112x64xf32, #tpu.memory_space<vmem_shared>> -> memref<10112x64xf32, #tpu.memory_space<vmem_shared>>
    tpu.enqueue_indirect_dma source(%arg18 : memref<128x64xf32, #tpu.memory_space<vmem>>) target(%dma_start3A_349 : memref<10112x64xf32, #tpu.memory_space<vmem_shared>>) offsets(%dma_start3A_346 : memref<128xi32, #tpu.memory_space<vmem>>) semaphore(%arg26 : memref<!tpu.dma_semaphore, #tpu.memory_space<semaphore_mem>>) {add = true}
    %dma_wait3A_350 = arith.constant 0 : i32
    %dma_wait3A_351 = arith.constant 0 : i32
    %dma_wait3A_352 = arith.constant 0 : i32
    %dma_wait3A_353 = tpu.memref_slice %arg4[%dma_wait3A_351, %dma_wait3A_350, %dma_wait3A_352] : memref<2x2500x128xi32, #tpu.memory_space<hbm>> -> memref<2x1x128xi32, #tpu.memory_space<hbm>>
    %dma_wait3A_354 = tpu.memref_squeeze %dma_wait3A_353 : memref<2x1x128xi32, #tpu.memory_space<hbm>> -> memref<2x128xi32, #tpu.memory_space<hbm>>
    %dma_wait3A_355 = arith.constant 0 : i32
    %dma_wait3A_356 = arith.constant 0 : i32
    %dma_wait3A_357 = tpu.memref_slice %arg4[%dma_wait3A_355, %dma_wait3A_350, %dma_wait3A_356] : memref<2x2500x128xi32, #tpu.memory_space<hbm>> -> memref<2x1x128xi32, #tpu.memory_space<hbm>>
    %dma_wait3A_358 = tpu.memref_squeeze %dma_wait3A_357 : memref<2x1x128xi32, #tpu.memory_space<hbm>> -> memref<2x128xi32, #tpu.memory_space<hbm>>
    tpu.wait_dma2 semaphore(%arg36 : memref<!tpu.dma_semaphore, #tpu.memory_space<semaphore_mem>>) src(%dma_wait3A_358 : memref<2x128xi32, #tpu.memory_space<hbm>>) dst(%arg16 : memref<2x128xi32, #tpu.memory_space<vmem>>)
    %dma_wait3A_359 = arith.constant 0 : i32
    %dma_wait3A_360 = arith.constant 0 : i32
    %dma_wait3A_361 = tpu.memref_slice %arg7[%dma_wait3A_359, %dma_wait3A_360] : memref<10112x64xf32, #tpu.memory_space<vmem_shared>> -> memref<128x64xf32, #tpu.memory_space<vmem_shared>>
    %dma_wait3A_362 = arith.constant 0 : i32
    %dma_wait3A_363 = arith.constant 0 : i32
    %dma_wait3A_364 = tpu.memref_slice %arg7[%dma_wait3A_362, %dma_wait3A_363] : memref<10112x64xf32, #tpu.memory_space<vmem_shared>> -> memref<128x64xf32, #tpu.memory_space<vmem_shared>>
    tpu.wait_dma2 semaphore(%arg28 : memref<!tpu.dma_semaphore, #tpu.memory_space<semaphore_mem>>) src(%arg20 : memref<128x64xf32, #tpu.memory_space<vmem>>) dst(%dma_wait3A_364 : memref<128x64xf32, #tpu.memory_space<vmem_shared>>)
    %eq3A_365 = arith.constant 0 : i32
    %eq3A_366 = arith.cmpi eq, %arg0, %eq3A_365 : i32
    %convert_element_type3A_367 = arith.extui %eq3A_366 : i1 to i32
    %cond3A_368 = arith.constant 0 : i32
    %cond3A_369 = arith.cmpi ne, %convert_element_type3A_367, %cond3A_368 : i32
    scf.if %cond3A_369 {
      %dma_start3A_641 = arith.constant 1 : i32
      %dma_start3A_642 = arith.constant 0 : i32
      %dma_start3A_643 = tpu.memref_slice %arg16[%dma_start3A_641, %dma_start3A_642] : memref<2x128xi32, #tpu.memory_space<vmem>> -> memref<1x128xi32, #tpu.memory_space<vmem>>
      %dma_start3A_644 = tpu.memref_squeeze %dma_start3A_643 : memref<1x128xi32, #tpu.memory_space<vmem>> -> memref<128xi32, #tpu.memory_space<vmem>>
      %dma_start3A_645 = arith.constant 0 : i32
      %dma_start3A_646 = arith.constant 0 : i32
      %dma_start3A_647 = tpu.memref_slice %arg2[%dma_start3A_645, %dma_start3A_646] : memref<10000x64xf32, #tpu.memory_space<hbm>> -> memref<10000x64xf32, #tpu.memory_space<hbm>>
      tpu.enqueue_indirect_dma source(%dma_start3A_647 : memref<10000x64xf32, #tpu.memory_space<hbm>>) target(%arg20 : memref<128x64xf32, #tpu.memory_space<vmem>>) offsets(%dma_start3A_644 : memref<128xi32, #tpu.memory_space<vmem>>) semaphore(%arg24 : memref<!tpu.dma_semaphore, #tpu.memory_space<semaphore_mem>>)
    } else {
    }
    %eq3A_370 = arith.constant 1 : i32
    %eq3A_371 = arith.cmpi eq, %arg0, %eq3A_370 : i32
    %convert_element_type3A_372 = arith.extui %eq3A_371 : i1 to i32
    %cond3A_373 = arith.constant 0 : i32
    %cond3A_374 = arith.cmpi ne, %convert_element_type3A_372, %cond3A_373 : i32
    scf.if %cond3A_374 {
      %dma_start3A_641 = arith.constant 1 : i32
      %dma_start3A_642 = arith.constant 0 : i32
      %dma_start3A_643 = tpu.memref_slice %arg16[%dma_start3A_641, %dma_start3A_642] : memref<2x128xi32, #tpu.memory_space<vmem>> -> memref<1x128xi32, #tpu.memory_space<vmem>>
      %dma_start3A_644 = tpu.memref_squeeze %dma_start3A_643 : memref<1x128xi32, #tpu.memory_space<vmem>> -> memref<128xi32, #tpu.memory_space<vmem>>
      %dma_start3A_645 = arith.constant 0 : i32
      %dma_start3A_646 = arith.constant 0 : i32
      %dma_start3A_647 = tpu.memref_slice %arg3[%dma_start3A_645, %dma_start3A_646] : memref<10000x64xf32, #tpu.memory_space<hbm>> -> memref<10000x64xf32, #tpu.memory_space<hbm>>
      tpu.enqueue_indirect_dma source(%dma_start3A_647 : memref<10000x64xf32, #tpu.memory_space<hbm>>) target(%arg20 : memref<128x64xf32, #tpu.memory_space<vmem>>) offsets(%dma_start3A_644 : memref<128xi32, #tpu.memory_space<vmem>>) semaphore(%arg24 : memref<!tpu.dma_semaphore, #tpu.memory_space<semaphore_mem>>)
    } else {
    }
    %add3A_375 = arith.constant 5 : i32
    %add3A_376 = arith.addi %mul3A_15, %add3A_375 : i32
    %add3A_377 = arith.constant 6 : i32
    %add3A_378 = arith.addi %add3A_376, %add3A_377 : i32
    %dma_start3A_379 = arith.constant 0 : i32
    %dma_start3A_380 = arith.constant 0 : i32
    %dma_start3A_381 = tpu.memref_slice %arg4[%dma_start3A_379, %add3A_378, %dma_start3A_380] : memref<2x2500x128xi32, #tpu.memory_space<hbm>> -> memref<2x1x128xi32, #tpu.memory_space<hbm>>
    %dma_start3A_382 = tpu.memref_squeeze %dma_start3A_381 : memref<2x1x128xi32, #tpu.memory_space<hbm>> -> memref<2x128xi32, #tpu.memory_space<hbm>>
    %dma_start3A_383 = arith.constant 0 : i32
    %dma_start3A_384 = arith.constant 0 : i32
    %dma_start3A_385 = tpu.memref_slice %arg4[%dma_start3A_383, %add3A_378, %dma_start3A_384] : memref<2x2500x128xi32, #tpu.memory_space<hbm>> -> memref<2x1x128xi32, #tpu.memory_space<hbm>>
    %dma_start3A_386 = tpu.memref_squeeze %dma_start3A_385 : memref<2x1x128xi32, #tpu.memory_space<hbm>> -> memref<2x128xi32, #tpu.memory_space<hbm>>
    tpu.enqueue_dma source(%dma_start3A_386 : memref<2x128xi32, #tpu.memory_space<hbm>>) target(%arg12 : memref<2x128xi32, #tpu.memory_space<vmem>>) target_semaphore(%arg32 : memref<!tpu.dma_semaphore, #tpu.memory_space<semaphore_mem>>)
    %dma_wait3A_387 = arith.constant 0 : i32
    %dma_wait3A_388 = arith.constant 0 : i32
    %dma_wait3A_389 = tpu.memref_slice %arg8[%dma_wait3A_387, %dma_wait3A_388] : memref<10000x64xf32, #tpu.memory_space<vmem_shared>> -> memref<128x64xf32, #tpu.memory_space<vmem_shared>>
    %dma_wait3A_390 = arith.constant 0 : i32
    %dma_wait3A_391 = arith.constant 0 : i32
    %dma_wait3A_392 = tpu.memref_slice %arg8[%dma_wait3A_390, %dma_wait3A_391] : memref<10000x64xf32, #tpu.memory_space<vmem_shared>> -> memref<128x64xf32, #tpu.memory_space<vmem_shared>>
    tpu.wait_dma2 semaphore(%arg23 : memref<!tpu.dma_semaphore, #tpu.memory_space<semaphore_mem>>) src(%dma_wait3A_392 : memref<128x64xf32, #tpu.memory_space<vmem_shared>>) dst(%arg19 : memref<128x64xf32, #tpu.memory_space<vmem>>)
    %dma_start3A_393 = arith.constant 0 : i32
    %dma_start3A_394 = arith.constant 0 : i32
    %dma_start3A_395 = tpu.memref_slice %arg15[%dma_start3A_393, %dma_start3A_394] : memref<2x128xi32, #tpu.memory_space<vmem>> -> memref<1x128xi32, #tpu.memory_space<vmem>>
    %dma_start3A_396 = tpu.memref_squeeze %dma_start3A_395 : memref<1x128xi32, #tpu.memory_space<vmem>> -> memref<128xi32, #tpu.memory_space<vmem>>
    %dma_start3A_397 = arith.constant 0 : i32
    %dma_start3A_398 = arith.constant 0 : i32
    %dma_start3A_399 = tpu.memref_slice %arg7[%dma_start3A_397, %dma_start3A_398] : memref<10112x64xf32, #tpu.memory_space<vmem_shared>> -> memref<10112x64xf32, #tpu.memory_space<vmem_shared>>
    tpu.enqueue_indirect_dma source(%arg19 : memref<128x64xf32, #tpu.memory_space<vmem>>) target(%dma_start3A_399 : memref<10112x64xf32, #tpu.memory_space<vmem_shared>>) offsets(%dma_start3A_396 : memref<128xi32, #tpu.memory_space<vmem>>) semaphore(%arg27 : memref<!tpu.dma_semaphore, #tpu.memory_space<semaphore_mem>>) {add = true}
    %dma_wait3A_400 = arith.constant 0 : i32
    %dma_wait3A_401 = arith.constant 0 : i32
    %dma_wait3A_402 = arith.constant 0 : i32
    %dma_wait3A_403 = tpu.memref_slice %arg4[%dma_wait3A_401, %dma_wait3A_400, %dma_wait3A_402] : memref<2x2500x128xi32, #tpu.memory_space<hbm>> -> memref<2x1x128xi32, #tpu.memory_space<hbm>>
    %dma_wait3A_404 = tpu.memref_squeeze %dma_wait3A_403 : memref<2x1x128xi32, #tpu.memory_space<hbm>> -> memref<2x128xi32, #tpu.memory_space<hbm>>
    %dma_wait3A_405 = arith.constant 0 : i32
    %dma_wait3A_406 = arith.constant 0 : i32
    %dma_wait3A_407 = tpu.memref_slice %arg4[%dma_wait3A_405, %dma_wait3A_400, %dma_wait3A_406] : memref<2x2500x128xi32, #tpu.memory_space<hbm>> -> memref<2x1x128xi32, #tpu.memory_space<hbm>>
    %dma_wait3A_408 = tpu.memref_squeeze %dma_wait3A_407 : memref<2x1x128xi32, #tpu.memory_space<hbm>> -> memref<2x128xi32, #tpu.memory_space<hbm>>
    tpu.wait_dma2 semaphore(%arg29 : memref<!tpu.dma_semaphore, #tpu.memory_space<semaphore_mem>>) src(%dma_wait3A_408 : memref<2x128xi32, #tpu.memory_space<hbm>>) dst(%arg9 : memref<2x128xi32, #tpu.memory_space<vmem>>)
    %dma_wait3A_409 = arith.constant 0 : i32
    %dma_wait3A_410 = arith.constant 0 : i32
    %dma_wait3A_411 = tpu.memref_slice %arg7[%dma_wait3A_409, %dma_wait3A_410] : memref<10112x64xf32, #tpu.memory_space<vmem_shared>> -> memref<128x64xf32, #tpu.memory_space<vmem_shared>>
    %dma_wait3A_412 = arith.constant 0 : i32
    %dma_wait3A_413 = arith.constant 0 : i32
    %dma_wait3A_414 = tpu.memref_slice %arg7[%dma_wait3A_412, %dma_wait3A_413] : memref<10112x64xf32, #tpu.memory_space<vmem_shared>> -> memref<128x64xf32, #tpu.memory_space<vmem_shared>>
    tpu.wait_dma2 semaphore(%arg25 : memref<!tpu.dma_semaphore, #tpu.memory_space<semaphore_mem>>) src(%arg17 : memref<128x64xf32, #tpu.memory_space<vmem>>) dst(%dma_wait3A_414 : memref<128x64xf32, #tpu.memory_space<vmem_shared>>)
    %dma_start3A_415 = arith.constant 1 : i32
    %dma_start3A_416 = arith.constant 0 : i32
    %dma_start3A_417 = tpu.memref_slice %arg9[%dma_start3A_415, %dma_start3A_416] : memref<2x128xi32, #tpu.memory_space<vmem>> -> memref<1x128xi32, #tpu.memory_space<vmem>>
    %dma_start3A_418 = tpu.memref_squeeze %dma_start3A_417 : memref<1x128xi32, #tpu.memory_space<vmem>> -> memref<128xi32, #tpu.memory_space<vmem>>
    %dma_start3A_419 = arith.constant 0 : i32
    %dma_start3A_420 = arith.constant 0 : i32
    %dma_start3A_421 = tpu.memref_slice %arg8[%dma_start3A_419, %dma_start3A_420] : memref<10000x64xf32, #tpu.memory_space<vmem_shared>> -> memref<10000x64xf32, #tpu.memory_space<vmem_shared>>
    tpu.enqueue_indirect_dma source(%dma_start3A_421 : memref<10000x64xf32, #tpu.memory_space<vmem_shared>>) target(%arg17 : memref<128x64xf32, #tpu.memory_space<vmem>>) offsets(%dma_start3A_418 : memref<128xi32, #tpu.memory_space<vmem>>) semaphore(%arg21 : memref<!tpu.dma_semaphore, #tpu.memory_space<semaphore_mem>>)
    %add3A_422 = arith.constant 6 : i32
    %add3A_423 = arith.addi %mul3A_15, %add3A_422 : i32
    %add3A_424 = arith.constant 6 : i32
    %add3A_425 = arith.addi %add3A_423, %add3A_424 : i32
    %dma_start3A_426 = arith.constant 0 : i32
    %dma_start3A_427 = arith.constant 0 : i32
    %dma_start3A_428 = tpu.memref_slice %arg4[%dma_start3A_426, %add3A_425, %dma_start3A_427] : memref<2x2500x128xi32, #tpu.memory_space<hbm>> -> memref<2x1x128xi32, #tpu.memory_space<hbm>>
    %dma_start3A_429 = tpu.memref_squeeze %dma_start3A_428 : memref<2x1x128xi32, #tpu.memory_space<hbm>> -> memref<2x128xi32, #tpu.memory_space<hbm>>
    %dma_start3A_430 = arith.constant 0 : i32
    %dma_start3A_431 = arith.constant 0 : i32
    %dma_start3A_432 = tpu.memref_slice %arg4[%dma_start3A_430, %add3A_425, %dma_start3A_431] : memref<2x2500x128xi32, #tpu.memory_space<hbm>> -> memref<2x1x128xi32, #tpu.memory_space<hbm>>
    %dma_start3A_433 = tpu.memref_squeeze %dma_start3A_432 : memref<2x1x128xi32, #tpu.memory_space<hbm>> -> memref<2x128xi32, #tpu.memory_space<hbm>>
    tpu.enqueue_dma source(%dma_start3A_433 : memref<2x128xi32, #tpu.memory_space<hbm>>) target(%arg13 : memref<2x128xi32, #tpu.memory_space<vmem>>) target_semaphore(%arg33 : memref<!tpu.dma_semaphore, #tpu.memory_space<semaphore_mem>>)
    %dma_wait3A_434 = arith.constant 0 : i32
    %dma_wait3A_435 = arith.constant 0 : i32
    %dma_wait3A_436 = tpu.memref_slice %arg2[%dma_wait3A_434, %dma_wait3A_435] : memref<10000x64xf32, #tpu.memory_space<hbm>> -> memref<128x64xf32, #tpu.memory_space<hbm>>
    %dma_wait3A_437 = arith.constant 0 : i32
    %dma_wait3A_438 = arith.constant 0 : i32
    %dma_wait3A_439 = tpu.memref_slice %arg2[%dma_wait3A_437, %dma_wait3A_438] : memref<10000x64xf32, #tpu.memory_space<hbm>> -> memref<128x64xf32, #tpu.memory_space<hbm>>
    tpu.wait_dma2 semaphore(%arg24 : memref<!tpu.dma_semaphore, #tpu.memory_space<semaphore_mem>>) src(%dma_wait3A_439 : memref<128x64xf32, #tpu.memory_space<hbm>>) dst(%arg20 : memref<128x64xf32, #tpu.memory_space<vmem>>)
    %dma_start3A_440 = arith.constant 0 : i32
    %dma_start3A_441 = arith.constant 0 : i32
    %dma_start3A_442 = tpu.memref_slice %arg16[%dma_start3A_440, %dma_start3A_441] : memref<2x128xi32, #tpu.memory_space<vmem>> -> memref<1x128xi32, #tpu.memory_space<vmem>>
    %dma_start3A_443 = tpu.memref_squeeze %dma_start3A_442 : memref<1x128xi32, #tpu.memory_space<vmem>> -> memref<128xi32, #tpu.memory_space<vmem>>
    %dma_start3A_444 = arith.constant 0 : i32
    %dma_start3A_445 = arith.constant 0 : i32
    %dma_start3A_446 = tpu.memref_slice %arg7[%dma_start3A_444, %dma_start3A_445] : memref<10112x64xf32, #tpu.memory_space<vmem_shared>> -> memref<10112x64xf32, #tpu.memory_space<vmem_shared>>
    tpu.enqueue_indirect_dma source(%arg20 : memref<128x64xf32, #tpu.memory_space<vmem>>) target(%dma_start3A_446 : memref<10112x64xf32, #tpu.memory_space<vmem_shared>>) offsets(%dma_start3A_443 : memref<128xi32, #tpu.memory_space<vmem>>) semaphore(%arg28 : memref<!tpu.dma_semaphore, #tpu.memory_space<semaphore_mem>>) {add = true}
    %dma_wait3A_447 = arith.constant 0 : i32
    %dma_wait3A_448 = arith.constant 0 : i32
    %dma_wait3A_449 = arith.constant 0 : i32
    %dma_wait3A_450 = tpu.memref_slice %arg4[%dma_wait3A_448, %dma_wait3A_447, %dma_wait3A_449] : memref<2x2500x128xi32, #tpu.memory_space<hbm>> -> memref<2x1x128xi32, #tpu.memory_space<hbm>>
    %dma_wait3A_451 = tpu.memref_squeeze %dma_wait3A_450 : memref<2x1x128xi32, #tpu.memory_space<hbm>> -> memref<2x128xi32, #tpu.memory_space<hbm>>
    %dma_wait3A_452 = arith.constant 0 : i32
    %dma_wait3A_453 = arith.constant 0 : i32
    %dma_wait3A_454 = tpu.memref_slice %arg4[%dma_wait3A_452, %dma_wait3A_447, %dma_wait3A_453] : memref<2x2500x128xi32, #tpu.memory_space<hbm>> -> memref<2x1x128xi32, #tpu.memory_space<hbm>>
    %dma_wait3A_455 = tpu.memref_squeeze %dma_wait3A_454 : memref<2x1x128xi32, #tpu.memory_space<hbm>> -> memref<2x128xi32, #tpu.memory_space<hbm>>
    tpu.wait_dma2 semaphore(%arg30 : memref<!tpu.dma_semaphore, #tpu.memory_space<semaphore_mem>>) src(%dma_wait3A_455 : memref<2x128xi32, #tpu.memory_space<hbm>>) dst(%arg10 : memref<2x128xi32, #tpu.memory_space<vmem>>)
    %dma_wait3A_456 = arith.constant 0 : i32
    %dma_wait3A_457 = arith.constant 0 : i32
    %dma_wait3A_458 = tpu.memref_slice %arg7[%dma_wait3A_456, %dma_wait3A_457] : memref<10112x64xf32, #tpu.memory_space<vmem_shared>> -> memref<128x64xf32, #tpu.memory_space<vmem_shared>>
    %dma_wait3A_459 = arith.constant 0 : i32
    %dma_wait3A_460 = arith.constant 0 : i32
    %dma_wait3A_461 = tpu.memref_slice %arg7[%dma_wait3A_459, %dma_wait3A_460] : memref<10112x64xf32, #tpu.memory_space<vmem_shared>> -> memref<128x64xf32, #tpu.memory_space<vmem_shared>>
    tpu.wait_dma2 semaphore(%arg26 : memref<!tpu.dma_semaphore, #tpu.memory_space<semaphore_mem>>) src(%arg18 : memref<128x64xf32, #tpu.memory_space<vmem>>) dst(%dma_wait3A_461 : memref<128x64xf32, #tpu.memory_space<vmem_shared>>)
    %eq3A_462 = arith.constant 0 : i32
    %eq3A_463 = arith.cmpi eq, %arg0, %eq3A_462 : i32
    %convert_element_type3A_464 = arith.extui %eq3A_463 : i1 to i32
    %cond3A_465 = arith.constant 0 : i32
    %cond3A_466 = arith.cmpi ne, %convert_element_type3A_464, %cond3A_465 : i32
    scf.if %cond3A_466 {
      %dma_start3A_641 = arith.constant 1 : i32
      %dma_start3A_642 = arith.constant 0 : i32
      %dma_start3A_643 = tpu.memref_slice %arg10[%dma_start3A_641, %dma_start3A_642] : memref<2x128xi32, #tpu.memory_space<vmem>> -> memref<1x128xi32, #tpu.memory_space<vmem>>
      %dma_start3A_644 = tpu.memref_squeeze %dma_start3A_643 : memref<1x128xi32, #tpu.memory_space<vmem>> -> memref<128xi32, #tpu.memory_space<vmem>>
      %dma_start3A_645 = arith.constant 0 : i32
      %dma_start3A_646 = arith.constant 0 : i32
      %dma_start3A_647 = tpu.memref_slice %arg2[%dma_start3A_645, %dma_start3A_646] : memref<10000x64xf32, #tpu.memory_space<hbm>> -> memref<10000x64xf32, #tpu.memory_space<hbm>>
      tpu.enqueue_indirect_dma source(%dma_start3A_647 : memref<10000x64xf32, #tpu.memory_space<hbm>>) target(%arg18 : memref<128x64xf32, #tpu.memory_space<vmem>>) offsets(%dma_start3A_644 : memref<128xi32, #tpu.memory_space<vmem>>) semaphore(%arg22 : memref<!tpu.dma_semaphore, #tpu.memory_space<semaphore_mem>>)
    } else {
    }
    %eq3A_467 = arith.constant 1 : i32
    %eq3A_468 = arith.cmpi eq, %arg0, %eq3A_467 : i32
    %convert_element_type3A_469 = arith.extui %eq3A_468 : i1 to i32
    %cond3A_470 = arith.constant 0 : i32
    %cond3A_471 = arith.cmpi ne, %convert_element_type3A_469, %cond3A_470 : i32
    scf.if %cond3A_471 {
      %dma_start3A_641 = arith.constant 1 : i32
      %dma_start3A_642 = arith.constant 0 : i32
      %dma_start3A_643 = tpu.memref_slice %arg10[%dma_start3A_641, %dma_start3A_642] : memref<2x128xi32, #tpu.memory_space<vmem>> -> memref<1x128xi32, #tpu.memory_space<vmem>>
      %dma_start3A_644 = tpu.memref_squeeze %dma_start3A_643 : memref<1x128xi32, #tpu.memory_space<vmem>> -> memref<128xi32, #tpu.memory_space<vmem>>
      %dma_start3A_645 = arith.constant 0 : i32
      %dma_start3A_646 = arith.constant 0 : i32
      %dma_start3A_647 = tpu.memref_slice %arg3[%dma_start3A_645, %dma_start3A_646] : memref<10000x64xf32, #tpu.memory_space<hbm>> -> memref<10000x64xf32, #tpu.memory_space<hbm>>
      tpu.enqueue_indirect_dma source(%dma_start3A_647 : memref<10000x64xf32, #tpu.memory_space<hbm>>) target(%arg18 : memref<128x64xf32, #tpu.memory_space<vmem>>) offsets(%dma_start3A_644 : memref<128xi32, #tpu.memory_space<vmem>>) semaphore(%arg22 : memref<!tpu.dma_semaphore, #tpu.memory_space<semaphore_mem>>)
    } else {
    }
    %add3A_472 = arith.constant 7 : i32
    %add3A_473 = arith.addi %mul3A_15, %add3A_472 : i32
    %add3A_474 = arith.constant 6 : i32
    %add3A_475 = arith.addi %add3A_473, %add3A_474 : i32
    %dma_start3A_476 = arith.constant 0 : i32
    %dma_start3A_477 = arith.constant 0 : i32
    %dma_start3A_478 = tpu.memref_slice %arg4[%dma_start3A_476, %add3A_475, %dma_start3A_477] : memref<2x2500x128xi32, #tpu.memory_space<hbm>> -> memref<2x1x128xi32, #tpu.memory_space<hbm>>
    %dma_start3A_479 = tpu.memref_squeeze %dma_start3A_478 : memref<2x1x128xi32, #tpu.memory_space<hbm>> -> memref<2x128xi32, #tpu.memory_space<hbm>>
    %dma_start3A_480 = arith.constant 0 : i32
    %dma_start3A_481 = arith.constant 0 : i32
    %dma_start3A_482 = tpu.memref_slice %arg4[%dma_start3A_480, %add3A_475, %dma_start3A_481] : memref<2x2500x128xi32, #tpu.memory_space<hbm>> -> memref<2x1x128xi32, #tpu.memory_space<hbm>>
    %dma_start3A_483 = tpu.memref_squeeze %dma_start3A_482 : memref<2x1x128xi32, #tpu.memory_space<hbm>> -> memref<2x128xi32, #tpu.memory_space<hbm>>
    tpu.enqueue_dma source(%dma_start3A_483 : memref<2x128xi32, #tpu.memory_space<hbm>>) target(%arg14 : memref<2x128xi32, #tpu.memory_space<vmem>>) target_semaphore(%arg34 : memref<!tpu.dma_semaphore, #tpu.memory_space<semaphore_mem>>)
    %scan3A = arith.constant 0 : i32
    %scan3A_484 = arith.constant 1 : i32
    %scan3A_485 = arith.constant 18 : i32
    %scan3A_486 = arith.addi %scan3A_484, %scan3A_485 : i32
    %scan3A_487 = arith.constant 1 : i32
    scf.for %scan3A_641 = %scan3A_484 to %scan3A_486 step %scan3A_487  : i32 {
      %mul3A_642 = arith.constant 8 : i32
      %mul3A_643 = arith.muli %mul3A_642, %scan3A_641 : i32
      %add3A_644 = arith.constant 0 : i32
      %add3A_645 = arith.addi %mul3A_643, %add3A_644 : i32
      %dma_wait3A_646 = arith.constant 0 : i32
      %dma_wait3A_647 = arith.constant 0 : i32
      %dma_wait3A_648 = tpu.memref_slice %arg8[%dma_wait3A_646, %dma_wait3A_647] : memref<10000x64xf32, #tpu.memory_space<vmem_shared>> -> memref<128x64xf32, #tpu.memory_space<vmem_shared>>
      %dma_wait3A_649 = arith.constant 0 : i32
      %dma_wait3A_650 = arith.constant 0 : i32
      %dma_wait3A_651 = tpu.memref_slice %arg8[%dma_wait3A_649, %dma_wait3A_650] : memref<10000x64xf32, #tpu.memory_space<vmem_shared>> -> memref<128x64xf32, #tpu.memory_space<vmem_shared>>
      tpu.wait_dma2 semaphore(%arg21 : memref<!tpu.dma_semaphore, #tpu.memory_space<semaphore_mem>>) src(%dma_wait3A_651 : memref<128x64xf32, #tpu.memory_space<vmem_shared>>) dst(%arg17 : memref<128x64xf32, #tpu.memory_space<vmem>>)
      %dma_start3A_652 = arith.constant 0 : i32
      %dma_start3A_653 = arith.constant 0 : i32
      %dma_start3A_654 = tpu.memref_slice %arg9[%dma_start3A_652, %dma_start3A_653] : memref<2x128xi32, #tpu.memory_space<vmem>> -> memref<1x128xi32, #tpu.memory_space<vmem>>
      %dma_start3A_655 = tpu.memref_squeeze %dma_start3A_654 : memref<1x128xi32, #tpu.memory_space<vmem>> -> memref<128xi32, #tpu.memory_space<vmem>>
      %dma_start3A_656 = arith.constant 0 : i32
      %dma_start3A_657 = arith.constant 0 : i32
      %dma_start3A_658 = tpu.memref_slice %arg7[%dma_start3A_656, %dma_start3A_657] : memref<10112x64xf32, #tpu.memory_space<vmem_shared>> -> memref<10112x64xf32, #tpu.memory_space<vmem_shared>>
      tpu.enqueue_indirect_dma source(%arg17 : memref<128x64xf32, #tpu.memory_space<vmem>>) target(%dma_start3A_658 : memref<10112x64xf32, #tpu.memory_space<vmem_shared>>) offsets(%dma_start3A_655 : memref<128xi32, #tpu.memory_space<vmem>>) semaphore(%arg25 : memref<!tpu.dma_semaphore, #tpu.memory_space<semaphore_mem>>) {add = true}
      %dma_wait3A_659 = arith.constant 0 : i32
      %dma_wait3A_660 = arith.constant 0 : i32
      %dma_wait3A_661 = arith.constant 0 : i32
      %dma_wait3A_662 = tpu.memref_slice %arg4[%dma_wait3A_660, %dma_wait3A_659, %dma_wait3A_661] : memref<2x2500x128xi32, #tpu.memory_space<hbm>> -> memref<2x1x128xi32, #tpu.memory_space<hbm>>
      %dma_wait3A_663 = tpu.memref_squeeze %dma_wait3A_662 : memref<2x1x128xi32, #tpu.memory_space<hbm>> -> memref<2x128xi32, #tpu.memory_space<hbm>>
      %dma_wait3A_664 = arith.constant 0 : i32
      %dma_wait3A_665 = arith.constant 0 : i32
      %dma_wait3A_666 = tpu.memref_slice %arg4[%dma_wait3A_664, %dma_wait3A_659, %dma_wait3A_665] : memref<2x2500x128xi32, #tpu.memory_space<hbm>> -> memref<2x1x128xi32, #tpu.memory_space<hbm>>
      %dma_wait3A_667 = tpu.memref_squeeze %dma_wait3A_666 : memref<2x1x128xi32, #tpu.memory_space<hbm>> -> memref<2x128xi32, #tpu.memory_space<hbm>>
      tpu.wait_dma2 semaphore(%arg31 : memref<!tpu.dma_semaphore, #tpu.memory_space<semaphore_mem>>) src(%dma_wait3A_667 : memref<2x128xi32, #tpu.memory_space<hbm>>) dst(%arg11 : memref<2x128xi32, #tpu.memory_space<vmem>>)
      %dma_wait3A_668 = arith.constant 0 : i32
      %dma_wait3A_669 = arith.constant 0 : i32
      %dma_wait3A_670 = tpu.memref_slice %arg7[%dma_wait3A_668, %dma_wait3A_669] : memref<10112x64xf32, #tpu.memory_space<vmem_shared>> -> memref<128x64xf32, #tpu.memory_space<vmem_shared>>
      %dma_wait3A_671 = arith.constant 0 : i32
      %dma_wait3A_672 = arith.constant 0 : i32
      %dma_wait3A_673 = tpu.memref_slice %arg7[%dma_wait3A_671, %dma_wait3A_672] : memref<10112x64xf32, #tpu.memory_space<vmem_shared>> -> memref<128x64xf32, #tpu.memory_space<vmem_shared>>
      tpu.wait_dma2 semaphore(%arg27 : memref<!tpu.dma_semaphore, #tpu.memory_space<semaphore_mem>>) src(%arg19 : memref<128x64xf32, #tpu.memory_space<vmem>>) dst(%dma_wait3A_673 : memref<128x64xf32, #tpu.memory_space<vmem_shared>>)
      %dma_start3A_674 = arith.constant 1 : i32
      %dma_start3A_675 = arith.constant 0 : i32
      %dma_start3A_676 = tpu.memref_slice %arg11[%dma_start3A_674, %dma_start3A_675] : memref<2x128xi32, #tpu.memory_space<vmem>> -> memref<1x128xi32, #tpu.memory_space<vmem>>
      %dma_start3A_677 = tpu.memref_squeeze %dma_start3A_676 : memref<1x128xi32, #tpu.memory_space<vmem>> -> memref<128xi32, #tpu.memory_space<vmem>>
      %dma_start3A_678 = arith.constant 0 : i32
      %dma_start3A_679 = arith.constant 0 : i32
      %dma_start3A_680 = tpu.memref_slice %arg8[%dma_start3A_678, %dma_start3A_679] : memref<10000x64xf32, #tpu.memory_space<vmem_shared>> -> memref<10000x64xf32, #tpu.memory_space<vmem_shared>>
      tpu.enqueue_indirect_dma source(%dma_start3A_680 : memref<10000x64xf32, #tpu.memory_space<vmem_shared>>) target(%arg19 : memref<128x64xf32, #tpu.memory_space<vmem>>) offsets(%dma_start3A_677 : memref<128xi32, #tpu.memory_space<vmem>>) semaphore(%arg23 : memref<!tpu.dma_semaphore, #tpu.memory_space<semaphore_mem>>)
      %add3A_681 = arith.addi %mul3A_15, %add3A_645 : i32
      %add3A_682 = arith.constant 6 : i32
      %add3A_683 = arith.addi %add3A_681, %add3A_682 : i32
      %dma_start3A_684 = arith.constant 0 : i32
      %dma_start3A_685 = arith.constant 0 : i32
      %dma_start3A_686 = tpu.memref_slice %arg4[%dma_start3A_684, %add3A_683, %dma_start3A_685] : memref<2x2500x128xi32, #tpu.memory_space<hbm>> -> memref<2x1x128xi32, #tpu.memory_space<hbm>>
      %dma_start3A_687 = tpu.memref_squeeze %dma_start3A_686 : memref<2x1x128xi32, #tpu.memory_space<hbm>> -> memref<2x128xi32, #tpu.memory_space<hbm>>
      %dma_start3A_688 = arith.constant 0 : i32
      %dma_start3A_689 = arith.constant 0 : i32
      %dma_start3A_690 = tpu.memref_slice %arg4[%dma_start3A_688, %add3A_683, %dma_start3A_689] : memref<2x2500x128xi32, #tpu.memory_space<hbm>> -> memref<2x1x128xi32, #tpu.memory_space<hbm>>
      %dma_start3A_691 = tpu.memref_squeeze %dma_start3A_690 : memref<2x1x128xi32, #tpu.memory_space<hbm>> -> memref<2x128xi32, #tpu.memory_space<hbm>>
      tpu.enqueue_dma source(%dma_start3A_691 : memref<2x128xi32, #tpu.memory_space<hbm>>) target(%arg15 : memref<2x128xi32, #tpu.memory_space<vmem>>) target_semaphore(%arg35 : memref<!tpu.dma_semaphore, #tpu.memory_space<semaphore_mem>>)
      %mul3A_692 = arith.constant 8 : i32
      %mul3A_693 = arith.muli %mul3A_692, %scan3A_641 : i32
      %add3A_694 = arith.constant 1 : i32
      %add3A_695 = arith.addi %mul3A_693, %add3A_694 : i32
      %dma_wait3A_696 = arith.constant 0 : i32
      %dma_wait3A_697 = arith.constant 0 : i32
      %dma_wait3A_698 = tpu.memref_slice %arg2[%dma_wait3A_696, %dma_wait3A_697] : memref<10000x64xf32, #tpu.memory_space<hbm>> -> memref<128x64xf32, #tpu.memory_space<hbm>>
      %dma_wait3A_699 = arith.constant 0 : i32
      %dma_wait3A_700 = arith.constant 0 : i32
      %dma_wait3A_701 = tpu.memref_slice %arg2[%dma_wait3A_699, %dma_wait3A_700] : memref<10000x64xf32, #tpu.memory_space<hbm>> -> memref<128x64xf32, #tpu.memory_space<hbm>>
      tpu.wait_dma2 semaphore(%arg22 : memref<!tpu.dma_semaphore, #tpu.memory_space<semaphore_mem>>) src(%dma_wait3A_701 : memref<128x64xf32, #tpu.memory_space<hbm>>) dst(%arg18 : memref<128x64xf32, #tpu.memory_space<vmem>>)
      %dma_start3A_702 = arith.constant 0 : i32
      %dma_start3A_703 = arith.constant 0 : i32
      %dma_start3A_704 = tpu.memref_slice %arg10[%dma_start3A_702, %dma_start3A_703] : memref<2x128xi32, #tpu.memory_space<vmem>> -> memref<1x128xi32, #tpu.memory_space<vmem>>
      %dma_start3A_705 = tpu.memref_squeeze %dma_start3A_704 : memref<1x128xi32, #tpu.memory_space<vmem>> -> memref<128xi32, #tpu.memory_space<vmem>>
      %dma_start3A_706 = arith.constant 0 : i32
      %dma_start3A_707 = arith.constant 0 : i32
      %dma_start3A_708 = tpu.memref_slice %arg7[%dma_start3A_706, %dma_start3A_707] : memref<10112x64xf32, #tpu.memory_space<vmem_shared>> -> memref<10112x64xf32, #tpu.memory_space<vmem_shared>>
      tpu.enqueue_indirect_dma source(%arg18 : memref<128x64xf32, #tpu.memory_space<vmem>>) target(%dma_start3A_708 : memref<10112x64xf32, #tpu.memory_space<vmem_shared>>) offsets(%dma_start3A_705 : memref<128xi32, #tpu.memory_space<vmem>>) semaphore(%arg26 : memref<!tpu.dma_semaphore, #tpu.memory_space<semaphore_mem>>) {add = true}
      %dma_wait3A_709 = arith.constant 0 : i32
      %dma_wait3A_710 = arith.constant 0 : i32
      %dma_wait3A_711 = arith.constant 0 : i32
      %dma_wait3A_712 = tpu.memref_slice %arg4[%dma_wait3A_710, %dma_wait3A_709, %dma_wait3A_711] : memref<2x2500x128xi32, #tpu.memory_space<hbm>> -> memref<2x1x128xi32, #tpu.memory_space<hbm>>
      %dma_wait3A_713 = tpu.memref_squeeze %dma_wait3A_712 : memref<2x1x128xi32, #tpu.memory_space<hbm>> -> memref<2x128xi32, #tpu.memory_space<hbm>>
      %dma_wait3A_714 = arith.constant 0 : i32
      %dma_wait3A_715 = arith.constant 0 : i32
      %dma_wait3A_716 = tpu.memref_slice %arg4[%dma_wait3A_714, %dma_wait3A_709, %dma_wait3A_715] : memref<2x2500x128xi32, #tpu.memory_space<hbm>> -> memref<2x1x128xi32, #tpu.memory_space<hbm>>
      %dma_wait3A_717 = tpu.memref_squeeze %dma_wait3A_716 : memref<2x1x128xi32, #tpu.memory_space<hbm>> -> memref<2x128xi32, #tpu.memory_space<hbm>>
      tpu.wait_dma2 semaphore(%arg32 : memref<!tpu.dma_semaphore, #tpu.memory_space<semaphore_mem>>) src(%dma_wait3A_717 : memref<2x128xi32, #tpu.memory_space<hbm>>) dst(%arg12 : memref<2x128xi32, #tpu.memory_space<vmem>>)
      %dma_wait3A_718 = arith.constant 0 : i32
      %dma_wait3A_719 = arith.constant 0 : i32
      %dma_wait3A_720 = tpu.memref_slice %arg7[%dma_wait3A_718, %dma_wait3A_719] : memref<10112x64xf32, #tpu.memory_space<vmem_shared>> -> memref<128x64xf32, #tpu.memory_space<vmem_shared>>
      %dma_wait3A_721 = arith.constant 0 : i32
      %dma_wait3A_722 = arith.constant 0 : i32
      %dma_wait3A_723 = tpu.memref_slice %arg7[%dma_wait3A_721, %dma_wait3A_722] : memref<10112x64xf32, #tpu.memory_space<vmem_shared>> -> memref<128x64xf32, #tpu.memory_space<vmem_shared>>
      tpu.wait_dma2 semaphore(%arg28 : memref<!tpu.dma_semaphore, #tpu.memory_space<semaphore_mem>>) src(%arg20 : memref<128x64xf32, #tpu.memory_space<vmem>>) dst(%dma_wait3A_723 : memref<128x64xf32, #tpu.memory_space<vmem_shared>>)
      %eq3A_724 = arith.constant 0 : i32
      %eq3A_725 = arith.cmpi eq, %arg0, %eq3A_724 : i32
      %convert_element_type3A_726 = arith.extui %eq3A_725 : i1 to i32
      %cond3A_727 = arith.constant 0 : i32
      %cond3A_728 = arith.cmpi ne, %convert_element_type3A_726, %cond3A_727 : i32
      scf.if %cond3A_728 {
        %dma_start3A_1054 = arith.constant 1 : i32
        %dma_start3A_1055 = arith.constant 0 : i32
        %dma_start3A_1056 = tpu.memref_slice %arg12[%dma_start3A_1054, %dma_start3A_1055] : memref<2x128xi32, #tpu.memory_space<vmem>> -> memref<1x128xi32, #tpu.memory_space<vmem>>
        %dma_start3A_1057 = tpu.memref_squeeze %dma_start3A_1056 : memref<1x128xi32, #tpu.memory_space<vmem>> -> memref<128xi32, #tpu.memory_space<vmem>>
        %dma_start3A_1058 = arith.constant 0 : i32
        %dma_start3A_1059 = arith.constant 0 : i32
        %dma_start3A_1060 = tpu.memref_slice %arg2[%dma_start3A_1058, %dma_start3A_1059] : memref<10000x64xf32, #tpu.memory_space<hbm>> -> memref<10000x64xf32, #tpu.memory_space<hbm>>
        tpu.enqueue_indirect_dma source(%dma_start3A_1060 : memref<10000x64xf32, #tpu.memory_space<hbm>>) target(%arg20 : memref<128x64xf32, #tpu.memory_space<vmem>>) offsets(%dma_start3A_1057 : memref<128xi32, #tpu.memory_space<vmem>>) semaphore(%arg24 : memref<!tpu.dma_semaphore, #tpu.memory_space<semaphore_mem>>)
      } else {
      }
      %eq3A_729 = arith.constant 1 : i32
      %eq3A_730 = arith.cmpi eq, %arg0, %eq3A_729 : i32
      %convert_element_type3A_731 = arith.extui %eq3A_730 : i1 to i32
      %cond3A_732 = arith.constant 0 : i32
      %cond3A_733 = arith.cmpi ne, %convert_element_type3A_731, %cond3A_732 : i32
      scf.if %cond3A_733 {
        %dma_start3A_1054 = arith.constant 1 : i32
        %dma_start3A_1055 = arith.constant 0 : i32
        %dma_start3A_1056 = tpu.memref_slice %arg12[%dma_start3A_1054, %dma_start3A_1055] : memref<2x128xi32, #tpu.memory_space<vmem>> -> memref<1x128xi32, #tpu.memory_space<vmem>>
        %dma_start3A_1057 = tpu.memref_squeeze %dma_start3A_1056 : memref<1x128xi32, #tpu.memory_space<vmem>> -> memref<128xi32, #tpu.memory_space<vmem>>
        %dma_start3A_1058 = arith.constant 0 : i32
        %dma_start3A_1059 = arith.constant 0 : i32
        %dma_start3A_1060 = tpu.memref_slice %arg3[%dma_start3A_1058, %dma_start3A_1059] : memref<10000x64xf32, #tpu.memory_space<hbm>> -> memref<10000x64xf32, #tpu.memory_space<hbm>>
        tpu.enqueue_indirect_dma source(%dma_start3A_1060 : memref<10000x64xf32, #tpu.memory_space<hbm>>) target(%arg20 : memref<128x64xf32, #tpu.memory_space<vmem>>) offsets(%dma_start3A_1057 : memref<128xi32, #tpu.memory_space<vmem>>) semaphore(%arg24 : memref<!tpu.dma_semaphore, #tpu.memory_space<semaphore_mem>>)
      } else {
      }
      %add3A_734 = arith.addi %mul3A_15, %add3A_695 : i32
      %add3A_735 = arith.constant 6 : i32
      %add3A_736 = arith.addi %add3A_734, %add3A_735 : i32
      %dma_start3A_737 = arith.constant 0 : i32
      %dma_start3A_738 = arith.constant 0 : i32
      %dma_start3A_739 = tpu.memref_slice %arg4[%dma_start3A_737, %add3A_736, %dma_start3A_738] : memref<2x2500x128xi32, #tpu.memory_space<hbm>> -> memref<2x1x128xi32, #tpu.memory_space<hbm>>
      %dma_start3A_740 = tpu.memref_squeeze %dma_start3A_739 : memref<2x1x128xi32, #tpu.memory_space<hbm>> -> memref<2x128xi32, #tpu.memory_space<hbm>>
      %dma_start3A_741 = arith.constant 0 : i32
      %dma_start3A_742 = arith.constant 0 : i32
      %dma_start3A_743 = tpu.memref_slice %arg4[%dma_start3A_741, %add3A_736, %dma_start3A_742] : memref<2x2500x128xi32, #tpu.memory_space<hbm>> -> memref<2x1x128xi32, #tpu.memory_space<hbm>>
      %dma_start3A_744 = tpu.memref_squeeze %dma_start3A_743 : memref<2x1x128xi32, #tpu.memory_space<hbm>> -> memref<2x128xi32, #tpu.memory_space<hbm>>
      tpu.enqueue_dma source(%dma_start3A_744 : memref<2x128xi32, #tpu.memory_space<hbm>>) target(%arg16 : memref<2x128xi32, #tpu.memory_space<vmem>>) target_semaphore(%arg36 : memref<!tpu.dma_semaphore, #tpu.memory_space<semaphore_mem>>)
      %mul3A_745 = arith.constant 8 : i32
      %mul3A_746 = arith.muli %mul3A_745, %scan3A_641 : i32
      %add3A_747 = arith.constant 2 : i32
      %add3A_748 = arith.addi %mul3A_746, %add3A_747 : i32
      %dma_wait3A_749 = arith.constant 0 : i32
      %dma_wait3A_750 = arith.constant 0 : i32
      %dma_wait3A_751 = tpu.memref_slice %arg8[%dma_wait3A_749, %dma_wait3A_750] : memref<10000x64xf32, #tpu.memory_space<vmem_shared>> -> memref<128x64xf32, #tpu.memory_space<vmem_shared>>
      %dma_wait3A_752 = arith.constant 0 : i32
      %dma_wait3A_753 = arith.constant 0 : i32
      %dma_wait3A_754 = tpu.memref_slice %arg8[%dma_wait3A_752, %dma_wait3A_753] : memref<10000x64xf32, #tpu.memory_space<vmem_shared>> -> memref<128x64xf32, #tpu.memory_space<vmem_shared>>
      tpu.wait_dma2 semaphore(%arg23 : memref<!tpu.dma_semaphore, #tpu.memory_space<semaphore_mem>>) src(%dma_wait3A_754 : memref<128x64xf32, #tpu.memory_space<vmem_shared>>) dst(%arg19 : memref<128x64xf32, #tpu.memory_space<vmem>>)
      %dma_start3A_755 = arith.constant 0 : i32
      %dma_start3A_756 = arith.constant 0 : i32
      %dma_start3A_757 = tpu.memref_slice %arg11[%dma_start3A_755, %dma_start3A_756] : memref<2x128xi32, #tpu.memory_space<vmem>> -> memref<1x128xi32, #tpu.memory_space<vmem>>
      %dma_start3A_758 = tpu.memref_squeeze %dma_start3A_757 : memref<1x128xi32, #tpu.memory_space<vmem>> -> memref<128xi32, #tpu.memory_space<vmem>>
      %dma_start3A_759 = arith.constant 0 : i32
      %dma_start3A_760 = arith.constant 0 : i32
      %dma_start3A_761 = tpu.memref_slice %arg7[%dma_start3A_759, %dma_start3A_760] : memref<10112x64xf32, #tpu.memory_space<vmem_shared>> -> memref<10112x64xf32, #tpu.memory_space<vmem_shared>>
      tpu.enqueue_indirect_dma source(%arg19 : memref<128x64xf32, #tpu.memory_space<vmem>>) target(%dma_start3A_761 : memref<10112x64xf32, #tpu.memory_space<vmem_shared>>) offsets(%dma_start3A_758 : memref<128xi32, #tpu.memory_space<vmem>>) semaphore(%arg27 : memref<!tpu.dma_semaphore, #tpu.memory_space<semaphore_mem>>) {add = true}
      %dma_wait3A_762 = arith.constant 0 : i32
      %dma_wait3A_763 = arith.constant 0 : i32
      %dma_wait3A_764 = arith.constant 0 : i32
      %dma_wait3A_765 = tpu.memref_slice %arg4[%dma_wait3A_763, %dma_wait3A_762, %dma_wait3A_764] : memref<2x2500x128xi32, #tpu.memory_space<hbm>> -> memref<2x1x128xi32, #tpu.memory_space<hbm>>
      %dma_wait3A_766 = tpu.memref_squeeze %dma_wait3A_765 : memref<2x1x128xi32, #tpu.memory_space<hbm>> -> memref<2x128xi32, #tpu.memory_space<hbm>>
      %dma_wait3A_767 = arith.constant 0 : i32
      %dma_wait3A_768 = arith.constant 0 : i32
      %dma_wait3A_769 = tpu.memref_slice %arg4[%dma_wait3A_767, %dma_wait3A_762, %dma_wait3A_768] : memref<2x2500x128xi32, #tpu.memory_space<hbm>> -> memref<2x1x128xi32, #tpu.memory_space<hbm>>
      %dma_wait3A_770 = tpu.memref_squeeze %dma_wait3A_769 : memref<2x1x128xi32, #tpu.memory_space<hbm>> -> memref<2x128xi32, #tpu.memory_space<hbm>>
      tpu.wait_dma2 semaphore(%arg33 : memref<!tpu.dma_semaphore, #tpu.memory_space<semaphore_mem>>) src(%dma_wait3A_770 : memref<2x128xi32, #tpu.memory_space<hbm>>) dst(%arg13 : memref<2x128xi32, #tpu.memory_space<vmem>>)
      %dma_wait3A_771 = arith.constant 0 : i32
      %dma_wait3A_772 = arith.constant 0 : i32
      %dma_wait3A_773 = tpu.memref_slice %arg7[%dma_wait3A_771, %dma_wait3A_772] : memref<10112x64xf32, #tpu.memory_space<vmem_shared>> -> memref<128x64xf32, #tpu.memory_space<vmem_shared>>
      %dma_wait3A_774 = arith.constant 0 : i32
      %dma_wait3A_775 = arith.constant 0 : i32
      %dma_wait3A_776 = tpu.memref_slice %arg7[%dma_wait3A_774, %dma_wait3A_775] : memref<10112x64xf32, #tpu.memory_space<vmem_shared>> -> memref<128x64xf32, #tpu.memory_space<vmem_shared>>
      tpu.wait_dma2 semaphore(%arg25 : memref<!tpu.dma_semaphore, #tpu.memory_space<semaphore_mem>>) src(%arg17 : memref<128x64xf32, #tpu.memory_space<vmem>>) dst(%dma_wait3A_776 : memref<128x64xf32, #tpu.memory_space<vmem_shared>>)
      %dma_start3A_777 = arith.constant 1 : i32
      %dma_start3A_778 = arith.constant 0 : i32
      %dma_start3A_779 = tpu.memref_slice %arg13[%dma_start3A_777, %dma_start3A_778] : memref<2x128xi32, #tpu.memory_space<vmem>> -> memref<1x128xi32, #tpu.memory_space<vmem>>
      %dma_start3A_780 = tpu.memref_squeeze %dma_start3A_779 : memref<1x128xi32, #tpu.memory_space<vmem>> -> memref<128xi32, #tpu.memory_space<vmem>>
      %dma_start3A_781 = arith.constant 0 : i32
      %dma_start3A_782 = arith.constant 0 : i32
      %dma_start3A_783 = tpu.memref_slice %arg8[%dma_start3A_781, %dma_start3A_782] : memref<10000x64xf32, #tpu.memory_space<vmem_shared>> -> memref<10000x64xf32, #tpu.memory_space<vmem_shared>>
      tpu.enqueue_indirect_dma source(%dma_start3A_783 : memref<10000x64xf32, #tpu.memory_space<vmem_shared>>) target(%arg17 : memref<128x64xf32, #tpu.memory_space<vmem>>) offsets(%dma_start3A_780 : memref<128xi32, #tpu.memory_space<vmem>>) semaphore(%arg21 : memref<!tpu.dma_semaphore, #tpu.memory_space<semaphore_mem>>)
      %add3A_784 = arith.addi %mul3A_15, %add3A_748 : i32
      %add3A_785 = arith.constant 6 : i32
      %add3A_786 = arith.addi %add3A_784, %add3A_785 : i32
      %dma_start3A_787 = arith.constant 0 : i32
      %dma_start3A_788 = arith.constant 0 : i32
      %dma_start3A_789 = tpu.memref_slice %arg4[%dma_start3A_787, %add3A_786, %dma_start3A_788] : memref<2x2500x128xi32, #tpu.memory_space<hbm>> -> memref<2x1x128xi32, #tpu.memory_space<hbm>>
      %dma_start3A_790 = tpu.memref_squeeze %dma_start3A_789 : memref<2x1x128xi32, #tpu.memory_space<hbm>> -> memref<2x128xi32, #tpu.memory_space<hbm>>
      %dma_start3A_791 = arith.constant 0 : i32
      %dma_start3A_792 = arith.constant 0 : i32
      %dma_start3A_793 = tpu.memref_slice %arg4[%dma_start3A_791, %add3A_786, %dma_start3A_792] : memref<2x2500x128xi32, #tpu.memory_space<hbm>> -> memref<2x1x128xi32, #tpu.memory_space<hbm>>
      %dma_start3A_794 = tpu.memref_squeeze %dma_start3A_793 : memref<2x1x128xi32, #tpu.memory_space<hbm>> -> memref<2x128xi32, #tpu.memory_space<hbm>>
      tpu.enqueue_dma source(%dma_start3A_794 : memref<2x128xi32, #tpu.memory_space<hbm>>) target(%arg9 : memref<2x128xi32, #tpu.memory_space<vmem>>) target_semaphore(%arg29 : memref<!tpu.dma_semaphore, #tpu.memory_space<semaphore_mem>>)
      %mul3A_795 = arith.constant 8 : i32
      %mul3A_796 = arith.muli %mul3A_795, %scan3A_641 : i32
      %add3A_797 = arith.constant 3 : i32
      %add3A_798 = arith.addi %mul3A_796, %add3A_797 : i32
      %dma_wait3A_799 = arith.constant 0 : i32
      %dma_wait3A_800 = arith.constant 0 : i32
      %dma_wait3A_801 = tpu.memref_slice %arg2[%dma_wait3A_799, %dma_wait3A_800] : memref<10000x64xf32, #tpu.memory_space<hbm>> -> memref<128x64xf32, #tpu.memory_space<hbm>>
      %dma_wait3A_802 = arith.constant 0 : i32
      %dma_wait3A_803 = arith.constant 0 : i32
      %dma_wait3A_804 = tpu.memref_slice %arg2[%dma_wait3A_802, %dma_wait3A_803] : memref<10000x64xf32, #tpu.memory_space<hbm>> -> memref<128x64xf32, #tpu.memory_space<hbm>>
      tpu.wait_dma2 semaphore(%arg24 : memref<!tpu.dma_semaphore, #tpu.memory_space<semaphore_mem>>) src(%dma_wait3A_804 : memref<128x64xf32, #tpu.memory_space<hbm>>) dst(%arg20 : memref<128x64xf32, #tpu.memory_space<vmem>>)
      %dma_start3A_805 = arith.constant 0 : i32
      %dma_start3A_806 = arith.constant 0 : i32
      %dma_start3A_807 = tpu.memref_slice %arg12[%dma_start3A_805, %dma_start3A_806] : memref<2x128xi32, #tpu.memory_space<vmem>> -> memref<1x128xi32, #tpu.memory_space<vmem>>
      %dma_start3A_808 = tpu.memref_squeeze %dma_start3A_807 : memref<1x128xi32, #tpu.memory_space<vmem>> -> memref<128xi32, #tpu.memory_space<vmem>>
      %dma_start3A_809 = arith.constant 0 : i32
      %dma_start3A_810 = arith.constant 0 : i32
      %dma_start3A_811 = tpu.memref_slice %arg7[%dma_start3A_809, %dma_start3A_810] : memref<10112x64xf32, #tpu.memory_space<vmem_shared>> -> memref<10112x64xf32, #tpu.memory_space<vmem_shared>>
      tpu.enqueue_indirect_dma source(%arg20 : memref<128x64xf32, #tpu.memory_space<vmem>>) target(%dma_start3A_811 : memref<10112x64xf32, #tpu.memory_space<vmem_shared>>) offsets(%dma_start3A_808 : memref<128xi32, #tpu.memory_space<vmem>>) semaphore(%arg28 : memref<!tpu.dma_semaphore, #tpu.memory_space<semaphore_mem>>) {add = true}
      %dma_wait3A_812 = arith.constant 0 : i32
      %dma_wait3A_813 = arith.constant 0 : i32
      %dma_wait3A_814 = arith.constant 0 : i32
      %dma_wait3A_815 = tpu.memref_slice %arg4[%dma_wait3A_813, %dma_wait3A_812, %dma_wait3A_814] : memref<2x2500x128xi32, #tpu.memory_space<hbm>> -> memref<2x1x128xi32, #tpu.memory_space<hbm>>
      %dma_wait3A_816 = tpu.memref_squeeze %dma_wait3A_815 : memref<2x1x128xi32, #tpu.memory_space<hbm>> -> memref<2x128xi32, #tpu.memory_space<hbm>>
      %dma_wait3A_817 = arith.constant 0 : i32
      %dma_wait3A_818 = arith.constant 0 : i32
      %dma_wait3A_819 = tpu.memref_slice %arg4[%dma_wait3A_817, %dma_wait3A_812, %dma_wait3A_818] : memref<2x2500x128xi32, #tpu.memory_space<hbm>> -> memref<2x1x128xi32, #tpu.memory_space<hbm>>
      %dma_wait3A_820 = tpu.memref_squeeze %dma_wait3A_819 : memref<2x1x128xi32, #tpu.memory_space<hbm>> -> memref<2x128xi32, #tpu.memory_space<hbm>>
      tpu.wait_dma2 semaphore(%arg34 : memref<!tpu.dma_semaphore, #tpu.memory_space<semaphore_mem>>) src(%dma_wait3A_820 : memref<2x128xi32, #tpu.memory_space<hbm>>) dst(%arg14 : memref<2x128xi32, #tpu.memory_space<vmem>>)
      %dma_wait3A_821 = arith.constant 0 : i32
      %dma_wait3A_822 = arith.constant 0 : i32
      %dma_wait3A_823 = tpu.memref_slice %arg7[%dma_wait3A_821, %dma_wait3A_822] : memref<10112x64xf32, #tpu.memory_space<vmem_shared>> -> memref<128x64xf32, #tpu.memory_space<vmem_shared>>
      %dma_wait3A_824 = arith.constant 0 : i32
      %dma_wait3A_825 = arith.constant 0 : i32
      %dma_wait3A_826 = tpu.memref_slice %arg7[%dma_wait3A_824, %dma_wait3A_825] : memref<10112x64xf32, #tpu.memory_space<vmem_shared>> -> memref<128x64xf32, #tpu.memory_space<vmem_shared>>
      tpu.wait_dma2 semaphore(%arg26 : memref<!tpu.dma_semaphore, #tpu.memory_space<semaphore_mem>>) src(%arg18 : memref<128x64xf32, #tpu.memory_space<vmem>>) dst(%dma_wait3A_826 : memref<128x64xf32, #tpu.memory_space<vmem_shared>>)
      %eq3A_827 = arith.constant 0 : i32
      %eq3A_828 = arith.cmpi eq, %arg0, %eq3A_827 : i32
      %convert_element_type3A_829 = arith.extui %eq3A_828 : i1 to i32
      %cond3A_830 = arith.constant 0 : i32
      %cond3A_831 = arith.cmpi ne, %convert_element_type3A_829, %cond3A_830 : i32
      scf.if %cond3A_831 {
        %dma_start3A_1054 = arith.constant 1 : i32
        %dma_start3A_1055 = arith.constant 0 : i32
        %dma_start3A_1056 = tpu.memref_slice %arg14[%dma_start3A_1054, %dma_start3A_1055] : memref<2x128xi32, #tpu.memory_space<vmem>> -> memref<1x128xi32, #tpu.memory_space<vmem>>
        %dma_start3A_1057 = tpu.memref_squeeze %dma_start3A_1056 : memref<1x128xi32, #tpu.memory_space<vmem>> -> memref<128xi32, #tpu.memory_space<vmem>>
        %dma_start3A_1058 = arith.constant 0 : i32
        %dma_start3A_1059 = arith.constant 0 : i32
        %dma_start3A_1060 = tpu.memref_slice %arg2[%dma_start3A_1058, %dma_start3A_1059] : memref<10000x64xf32, #tpu.memory_space<hbm>> -> memref<10000x64xf32, #tpu.memory_space<hbm>>
        tpu.enqueue_indirect_dma source(%dma_start3A_1060 : memref<10000x64xf32, #tpu.memory_space<hbm>>) target(%arg18 : memref<128x64xf32, #tpu.memory_space<vmem>>) offsets(%dma_start3A_1057 : memref<128xi32, #tpu.memory_space<vmem>>) semaphore(%arg22 : memref<!tpu.dma_semaphore, #tpu.memory_space<semaphore_mem>>)
      } else {
      }
      %eq3A_832 = arith.constant 1 : i32
      %eq3A_833 = arith.cmpi eq, %arg0, %eq3A_832 : i32
      %convert_element_type3A_834 = arith.extui %eq3A_833 : i1 to i32
      %cond3A_835 = arith.constant 0 : i32
      %cond3A_836 = arith.cmpi ne, %convert_element_type3A_834, %cond3A_835 : i32
      scf.if %cond3A_836 {
        %dma_start3A_1054 = arith.constant 1 : i32
        %dma_start3A_1055 = arith.constant 0 : i32
        %dma_start3A_1056 = tpu.memref_slice %arg14[%dma_start3A_1054, %dma_start3A_1055] : memref<2x128xi32, #tpu.memory_space<vmem>> -> memref<1x128xi32, #tpu.memory_space<vmem>>
        %dma_start3A_1057 = tpu.memref_squeeze %dma_start3A_1056 : memref<1x128xi32, #tpu.memory_space<vmem>> -> memref<128xi32, #tpu.memory_space<vmem>>
        %dma_start3A_1058 = arith.constant 0 : i32
        %dma_start3A_1059 = arith.constant 0 : i32
        %dma_start3A_1060 = tpu.memref_slice %arg3[%dma_start3A_1058, %dma_start3A_1059] : memref<10000x64xf32, #tpu.memory_space<hbm>> -> memref<10000x64xf32, #tpu.memory_space<hbm>>
        tpu.enqueue_indirect_dma source(%dma_start3A_1060 : memref<10000x64xf32, #tpu.memory_space<hbm>>) target(%arg18 : memref<128x64xf32, #tpu.memory_space<vmem>>) offsets(%dma_start3A_1057 : memref<128xi32, #tpu.memory_space<vmem>>) semaphore(%arg22 : memref<!tpu.dma_semaphore, #tpu.memory_space<semaphore_mem>>)
      } else {
      }
      %add3A_837 = arith.addi %mul3A_15, %add3A_798 : i32
      %add3A_838 = arith.constant 6 : i32
      %add3A_839 = arith.addi %add3A_837, %add3A_838 : i32
      %dma_start3A_840 = arith.constant 0 : i32
      %dma_start3A_841 = arith.constant 0 : i32
      %dma_start3A_842 = tpu.memref_slice %arg4[%dma_start3A_840, %add3A_839, %dma_start3A_841] : memref<2x2500x128xi32, #tpu.memory_space<hbm>> -> memref<2x1x128xi32, #tpu.memory_space<hbm>>
      %dma_start3A_843 = tpu.memref_squeeze %dma_start3A_842 : memref<2x1x128xi32, #tpu.memory_space<hbm>> -> memref<2x128xi32, #tpu.memory_space<hbm>>
      %dma_start3A_844 = arith.constant 0 : i32
      %dma_start3A_845 = arith.constant 0 : i32
      %dma_start3A_846 = tpu.memref_slice %arg4[%dma_start3A_844, %add3A_839, %dma_start3A_845] : memref<2x2500x128xi32, #tpu.memory_space<hbm>> -> memref<2x1x128xi32, #tpu.memory_space<hbm>>
      %dma_start3A_847 = tpu.memref_squeeze %dma_start3A_846 : memref<2x1x128xi32, #tpu.memory_space<hbm>> -> memref<2x128xi32, #tpu.memory_space<hbm>>
      tpu.enqueue_dma source(%dma_start3A_847 : memref<2x128xi32, #tpu.memory_space<hbm>>) target(%arg10 : memref<2x128xi32, #tpu.memory_space<vmem>>) target_semaphore(%arg30 : memref<!tpu.dma_semaphore, #tpu.memory_space<semaphore_mem>>)
      %mul3A_848 = arith.constant 8 : i32
      %mul3A_849 = arith.muli %mul3A_848, %scan3A_641 : i32
      %add3A_850 = arith.constant 4 : i32
      %add3A_851 = arith.addi %mul3A_849, %add3A_850 : i32
      %dma_wait3A_852 = arith.constant 0 : i32
      %dma_wait3A_853 = arith.constant 0 : i32
      %dma_wait3A_854 = tpu.memref_slice %arg8[%dma_wait3A_852, %dma_wait3A_853] : memref<10000x64xf32, #tpu.memory_space<vmem_shared>> -> memref<128x64xf32, #tpu.memory_space<vmem_shared>>
      %dma_wait3A_855 = arith.constant 0 : i32
      %dma_wait3A_856 = arith.constant 0 : i32
      %dma_wait3A_857 = tpu.memref_slice %arg8[%dma_wait3A_855, %dma_wait3A_856] : memref<10000x64xf32, #tpu.memory_space<vmem_shared>> -> memref<128x64xf32, #tpu.memory_space<vmem_shared>>
      tpu.wait_dma2 semaphore(%arg21 : memref<!tpu.dma_semaphore, #tpu.memory_space<semaphore_mem>>) src(%dma_wait3A_857 : memref<128x64xf32, #tpu.memory_space<vmem_shared>>) dst(%arg17 : memref<128x64xf32, #tpu.memory_space<vmem>>)
      %dma_start3A_858 = arith.constant 0 : i32
      %dma_start3A_859 = arith.constant 0 : i32
      %dma_start3A_860 = tpu.memref_slice %arg13[%dma_start3A_858, %dma_start3A_859] : memref<2x128xi32, #tpu.memory_space<vmem>> -> memref<1x128xi32, #tpu.memory_space<vmem>>
      %dma_start3A_861 = tpu.memref_squeeze %dma_start3A_860 : memref<1x128xi32, #tpu.memory_space<vmem>> -> memref<128xi32, #tpu.memory_space<vmem>>
      %dma_start3A_862 = arith.constant 0 : i32
      %dma_start3A_863 = arith.constant 0 : i32
      %dma_start3A_864 = tpu.memref_slice %arg7[%dma_start3A_862, %dma_start3A_863] : memref<10112x64xf32, #tpu.memory_space<vmem_shared>> -> memref<10112x64xf32, #tpu.memory_space<vmem_shared>>
      tpu.enqueue_indirect_dma source(%arg17 : memref<128x64xf32, #tpu.memory_space<vmem>>) target(%dma_start3A_864 : memref<10112x64xf32, #tpu.memory_space<vmem_shared>>) offsets(%dma_start3A_861 : memref<128xi32, #tpu.memory_space<vmem>>) semaphore(%arg25 : memref<!tpu.dma_semaphore, #tpu.memory_space<semaphore_mem>>) {add = true}
      %dma_wait3A_865 = arith.constant 0 : i32
      %dma_wait3A_866 = arith.constant 0 : i32
      %dma_wait3A_867 = arith.constant 0 : i32
      %dma_wait3A_868 = tpu.memref_slice %arg4[%dma_wait3A_866, %dma_wait3A_865, %dma_wait3A_867] : memref<2x2500x128xi32, #tpu.memory_space<hbm>> -> memref<2x1x128xi32, #tpu.memory_space<hbm>>
      %dma_wait3A_869 = tpu.memref_squeeze %dma_wait3A_868 : memref<2x1x128xi32, #tpu.memory_space<hbm>> -> memref<2x128xi32, #tpu.memory_space<hbm>>
      %dma_wait3A_870 = arith.constant 0 : i32
      %dma_wait3A_871 = arith.constant 0 : i32
      %dma_wait3A_872 = tpu.memref_slice %arg4[%dma_wait3A_870, %dma_wait3A_865, %dma_wait3A_871] : memref<2x2500x128xi32, #tpu.memory_space<hbm>> -> memref<2x1x128xi32, #tpu.memory_space<hbm>>
      %dma_wait3A_873 = tpu.memref_squeeze %dma_wait3A_872 : memref<2x1x128xi32, #tpu.memory_space<hbm>> -> memref<2x128xi32, #tpu.memory_space<hbm>>
      tpu.wait_dma2 semaphore(%arg35 : memref<!tpu.dma_semaphore, #tpu.memory_space<semaphore_mem>>) src(%dma_wait3A_873 : memref<2x128xi32, #tpu.memory_space<hbm>>) dst(%arg15 : memref<2x128xi32, #tpu.memory_space<vmem>>)
      %dma_wait3A_874 = arith.constant 0 : i32
      %dma_wait3A_875 = arith.constant 0 : i32
      %dma_wait3A_876 = tpu.memref_slice %arg7[%dma_wait3A_874, %dma_wait3A_875] : memref<10112x64xf32, #tpu.memory_space<vmem_shared>> -> memref<128x64xf32, #tpu.memory_space<vmem_shared>>
      %dma_wait3A_877 = arith.constant 0 : i32
      %dma_wait3A_878 = arith.constant 0 : i32
      %dma_wait3A_879 = tpu.memref_slice %arg7[%dma_wait3A_877, %dma_wait3A_878] : memref<10112x64xf32, #tpu.memory_space<vmem_shared>> -> memref<128x64xf32, #tpu.memory_space<vmem_shared>>
      tpu.wait_dma2 semaphore(%arg27 : memref<!tpu.dma_semaphore, #tpu.memory_space<semaphore_mem>>) src(%arg19 : memref<128x64xf32, #tpu.memory_space<vmem>>) dst(%dma_wait3A_879 : memref<128x64xf32, #tpu.memory_space<vmem_shared>>)
      %dma_start3A_880 = arith.constant 1 : i32
      %dma_start3A_881 = arith.constant 0 : i32
      %dma_start3A_882 = tpu.memref_slice %arg15[%dma_start3A_880, %dma_start3A_881] : memref<2x128xi32, #tpu.memory_space<vmem>> -> memref<1x128xi32, #tpu.memory_space<vmem>>
      %dma_start3A_883 = tpu.memref_squeeze %dma_start3A_882 : memref<1x128xi32, #tpu.memory_space<vmem>> -> memref<128xi32, #tpu.memory_space<vmem>>
      %dma_start3A_884 = arith.constant 0 : i32
      %dma_start3A_885 = arith.constant 0 : i32
      %dma_start3A_886 = tpu.memref_slice %arg8[%dma_start3A_884, %dma_start3A_885] : memref<10000x64xf32, #tpu.memory_space<vmem_shared>> -> memref<10000x64xf32, #tpu.memory_space<vmem_shared>>
      tpu.enqueue_indirect_dma source(%dma_start3A_886 : memref<10000x64xf32, #tpu.memory_space<vmem_shared>>) target(%arg19 : memref<128x64xf32, #tpu.memory_space<vmem>>) offsets(%dma_start3A_883 : memref<128xi32, #tpu.memory_space<vmem>>) semaphore(%arg23 : memref<!tpu.dma_semaphore, #tpu.memory_space<semaphore_mem>>)
      %add3A_887 = arith.addi %mul3A_15, %add3A_851 : i32
      %add3A_888 = arith.constant 6 : i32
      %add3A_889 = arith.addi %add3A_887, %add3A_888 : i32
      %dma_start3A_890 = arith.constant 0 : i32
      %dma_start3A_891 = arith.constant 0 : i32
      %dma_start3A_892 = tpu.memref_slice %arg4[%dma_start3A_890, %add3A_889, %dma_start3A_891] : memref<2x2500x128xi32, #tpu.memory_space<hbm>> -> memref<2x1x128xi32, #tpu.memory_space<hbm>>
      %dma_start3A_893 = tpu.memref_squeeze %dma_start3A_892 : memref<2x1x128xi32, #tpu.memory_space<hbm>> -> memref<2x128xi32, #tpu.memory_space<hbm>>
      %dma_start3A_894 = arith.constant 0 : i32
      %dma_start3A_895 = arith.constant 0 : i32
      %dma_start3A_896 = tpu.memref_slice %arg4[%dma_start3A_894, %add3A_889, %dma_start3A_895] : memref<2x2500x128xi32, #tpu.memory_space<hbm>> -> memref<2x1x128xi32, #tpu.memory_space<hbm>>
      %dma_start3A_897 = tpu.memref_squeeze %dma_start3A_896 : memref<2x1x128xi32, #tpu.memory_space<hbm>> -> memref<2x128xi32, #tpu.memory_space<hbm>>
      tpu.enqueue_dma source(%dma_start3A_897 : memref<2x128xi32, #tpu.memory_space<hbm>>) target(%arg11 : memref<2x128xi32, #tpu.memory_space<vmem>>) target_semaphore(%arg31 : memref<!tpu.dma_semaphore, #tpu.memory_space<semaphore_mem>>)
      %mul3A_898 = arith.constant 8 : i32
      %mul3A_899 = arith.muli %mul3A_898, %scan3A_641 : i32
      %add3A_900 = arith.constant 5 : i32
      %add3A_901 = arith.addi %mul3A_899, %add3A_900 : i32
      %dma_wait3A_902 = arith.constant 0 : i32
      %dma_wait3A_903 = arith.constant 0 : i32
      %dma_wait3A_904 = tpu.memref_slice %arg2[%dma_wait3A_902, %dma_wait3A_903] : memref<10000x64xf32, #tpu.memory_space<hbm>> -> memref<128x64xf32, #tpu.memory_space<hbm>>
      %dma_wait3A_905 = arith.constant 0 : i32
      %dma_wait3A_906 = arith.constant 0 : i32
      %dma_wait3A_907 = tpu.memref_slice %arg2[%dma_wait3A_905, %dma_wait3A_906] : memref<10000x64xf32, #tpu.memory_space<hbm>> -> memref<128x64xf32, #tpu.memory_space<hbm>>
      tpu.wait_dma2 semaphore(%arg22 : memref<!tpu.dma_semaphore, #tpu.memory_space<semaphore_mem>>) src(%dma_wait3A_907 : memref<128x64xf32, #tpu.memory_space<hbm>>) dst(%arg18 : memref<128x64xf32, #tpu.memory_space<vmem>>)
      %dma_start3A_908 = arith.constant 0 : i32
      %dma_start3A_909 = arith.constant 0 : i32
      %dma_start3A_910 = tpu.memref_slice %arg14[%dma_start3A_908, %dma_start3A_909] : memref<2x128xi32, #tpu.memory_space<vmem>> -> memref<1x128xi32, #tpu.memory_space<vmem>>
      %dma_start3A_911 = tpu.memref_squeeze %dma_start3A_910 : memref<1x128xi32, #tpu.memory_space<vmem>> -> memref<128xi32, #tpu.memory_space<vmem>>
      %dma_start3A_912 = arith.constant 0 : i32
      %dma_start3A_913 = arith.constant 0 : i32
      %dma_start3A_914 = tpu.memref_slice %arg7[%dma_start3A_912, %dma_start3A_913] : memref<10112x64xf32, #tpu.memory_space<vmem_shared>> -> memref<10112x64xf32, #tpu.memory_space<vmem_shared>>
      tpu.enqueue_indirect_dma source(%arg18 : memref<128x64xf32, #tpu.memory_space<vmem>>) target(%dma_start3A_914 : memref<10112x64xf32, #tpu.memory_space<vmem_shared>>) offsets(%dma_start3A_911 : memref<128xi32, #tpu.memory_space<vmem>>) semaphore(%arg26 : memref<!tpu.dma_semaphore, #tpu.memory_space<semaphore_mem>>) {add = true}
      %dma_wait3A_915 = arith.constant 0 : i32
      %dma_wait3A_916 = arith.constant 0 : i32
      %dma_wait3A_917 = arith.constant 0 : i32
      %dma_wait3A_918 = tpu.memref_slice %arg4[%dma_wait3A_916, %dma_wait3A_915, %dma_wait3A_917] : memref<2x2500x128xi32, #tpu.memory_space<hbm>> -> memref<2x1x128xi32, #tpu.memory_space<hbm>>
      %dma_wait3A_919 = tpu.memref_squeeze %dma_wait3A_918 : memref<2x1x128xi32, #tpu.memory_space<hbm>> -> memref<2x128xi32, #tpu.memory_space<hbm>>
      %dma_wait3A_920 = arith.constant 0 : i32
      %dma_wait3A_921 = arith.constant 0 : i32
      %dma_wait3A_922 = tpu.memref_slice %arg4[%dma_wait3A_920, %dma_wait3A_915, %dma_wait3A_921] : memref<2x2500x128xi32, #tpu.memory_space<hbm>> -> memref<2x1x128xi32, #tpu.memory_space<hbm>>
      %dma_wait3A_923 = tpu.memref_squeeze %dma_wait3A_922 : memref<2x1x128xi32, #tpu.memory_space<hbm>> -> memref<2x128xi32, #tpu.memory_space<hbm>>
      tpu.wait_dma2 semaphore(%arg36 : memref<!tpu.dma_semaphore, #tpu.memory_space<semaphore_mem>>) src(%dma_wait3A_923 : memref<2x128xi32, #tpu.memory_space<hbm>>) dst(%arg16 : memref<2x128xi32, #tpu.memory_space<vmem>>)
      %dma_wait3A_924 = arith.constant 0 : i32
      %dma_wait3A_925 = arith.constant 0 : i32
      %dma_wait3A_926 = tpu.memref_slice %arg7[%dma_wait3A_924, %dma_wait3A_925] : memref<10112x64xf32, #tpu.memory_space<vmem_shared>> -> memref<128x64xf32, #tpu.memory_space<vmem_shared>>
      %dma_wait3A_927 = arith.constant 0 : i32
      %dma_wait3A_928 = arith.constant 0 : i32
      %dma_wait3A_929 = tpu.memref_slice %arg7[%dma_wait3A_927, %dma_wait3A_928] : memref<10112x64xf32, #tpu.memory_space<vmem_shared>> -> memref<128x64xf32, #tpu.memory_space<vmem_shared>>
      tpu.wait_dma2 semaphore(%arg28 : memref<!tpu.dma_semaphore, #tpu.memory_space<semaphore_mem>>) src(%arg20 : memref<128x64xf32, #tpu.memory_space<vmem>>) dst(%dma_wait3A_929 : memref<128x64xf32, #tpu.memory_space<vmem_shared>>)
      %eq3A_930 = arith.constant 0 : i32
      %eq3A_931 = arith.cmpi eq, %arg0, %eq3A_930 : i32
      %convert_element_type3A_932 = arith.extui %eq3A_931 : i1 to i32
      %cond3A_933 = arith.constant 0 : i32
      %cond3A_934 = arith.cmpi ne, %convert_element_type3A_932, %cond3A_933 : i32
      scf.if %cond3A_934 {
        %dma_start3A_1054 = arith.constant 1 : i32
        %dma_start3A_1055 = arith.constant 0 : i32
        %dma_start3A_1056 = tpu.memref_slice %arg16[%dma_start3A_1054, %dma_start3A_1055] : memref<2x128xi32, #tpu.memory_space<vmem>> -> memref<1x128xi32, #tpu.memory_space<vmem>>
        %dma_start3A_1057 = tpu.memref_squeeze %dma_start3A_1056 : memref<1x128xi32, #tpu.memory_space<vmem>> -> memref<128xi32, #tpu.memory_space<vmem>>
        %dma_start3A_1058 = arith.constant 0 : i32
        %dma_start3A_1059 = arith.constant 0 : i32
        %dma_start3A_1060 = tpu.memref_slice %arg2[%dma_start3A_1058, %dma_start3A_1059] : memref<10000x64xf32, #tpu.memory_space<hbm>> -> memref<10000x64xf32, #tpu.memory_space<hbm>>
        tpu.enqueue_indirect_dma source(%dma_start3A_1060 : memref<10000x64xf32, #tpu.memory_space<hbm>>) target(%arg20 : memref<128x64xf32, #tpu.memory_space<vmem>>) offsets(%dma_start3A_1057 : memref<128xi32, #tpu.memory_space<vmem>>) semaphore(%arg24 : memref<!tpu.dma_semaphore, #tpu.memory_space<semaphore_mem>>)
      } else {
      }
      %eq3A_935 = arith.constant 1 : i32
      %eq3A_936 = arith.cmpi eq, %arg0, %eq3A_935 : i32
      %convert_element_type3A_937 = arith.extui %eq3A_936 : i1 to i32
      %cond3A_938 = arith.constant 0 : i32
      %cond3A_939 = arith.cmpi ne, %convert_element_type3A_937, %cond3A_938 : i32
      scf.if %cond3A_939 {
        %dma_start3A_1054 = arith.constant 1 : i32
        %dma_start3A_1055 = arith.constant 0 : i32
        %dma_start3A_1056 = tpu.memref_slice %arg16[%dma_start3A_1054, %dma_start3A_1055] : memref<2x128xi32, #tpu.memory_space<vmem>> -> memref<1x128xi32, #tpu.memory_space<vmem>>
        %dma_start3A_1057 = tpu.memref_squeeze %dma_start3A_1056 : memref<1x128xi32, #tpu.memory_space<vmem>> -> memref<128xi32, #tpu.memory_space<vmem>>
        %dma_start3A_1058 = arith.constant 0 : i32
        %dma_start3A_1059 = arith.constant 0 : i32
        %dma_start3A_1060 = tpu.memref_slice %arg3[%dma_start3A_1058, %dma_start3A_1059] : memref<10000x64xf32, #tpu.memory_space<hbm>> -> memref<10000x64xf32, #tpu.memory_space<hbm>>
        tpu.enqueue_indirect_dma source(%dma_start3A_1060 : memref<10000x64xf32, #tpu.memory_space<hbm>>) target(%arg20 : memref<128x64xf32, #tpu.memory_space<vmem>>) offsets(%dma_start3A_1057 : memref<128xi32, #tpu.memory_space<vmem>>) semaphore(%arg24 : memref<!tpu.dma_semaphore, #tpu.memory_space<semaphore_mem>>)
      } else {
      }
      %add3A_940 = arith.addi %mul3A_15, %add3A_901 : i32
      %add3A_941 = arith.constant 6 : i32
      %add3A_942 = arith.addi %add3A_940, %add3A_941 : i32
      %dma_start3A_943 = arith.constant 0 : i32
      %dma_start3A_944 = arith.constant 0 : i32
      %dma_start3A_945 = tpu.memref_slice %arg4[%dma_start3A_943, %add3A_942, %dma_start3A_944] : memref<2x2500x128xi32, #tpu.memory_space<hbm>> -> memref<2x1x128xi32, #tpu.memory_space<hbm>>
      %dma_start3A_946 = tpu.memref_squeeze %dma_start3A_945 : memref<2x1x128xi32, #tpu.memory_space<hbm>> -> memref<2x128xi32, #tpu.memory_space<hbm>>
      %dma_start3A_947 = arith.constant 0 : i32
      %dma_start3A_948 = arith.constant 0 : i32
      %dma_start3A_949 = tpu.memref_slice %arg4[%dma_start3A_947, %add3A_942, %dma_start3A_948] : memref<2x2500x128xi32, #tpu.memory_space<hbm>> -> memref<2x1x128xi32, #tpu.memory_space<hbm>>
      %dma_start3A_950 = tpu.memref_squeeze %dma_start3A_949 : memref<2x1x128xi32, #tpu.memory_space<hbm>> -> memref<2x128xi32, #tpu.memory_space<hbm>>
      tpu.enqueue_dma source(%dma_start3A_950 : memref<2x128xi32, #tpu.memory_space<hbm>>) target(%arg12 : memref<2x128xi32, #tpu.memory_space<vmem>>) target_semaphore(%arg32 : memref<!tpu.dma_semaphore, #tpu.memory_space<semaphore_mem>>)
      %mul3A_951 = arith.constant 8 : i32
      %mul3A_952 = arith.muli %mul3A_951, %scan3A_641 : i32
      %add3A_953 = arith.constant 6 : i32
      %add3A_954 = arith.addi %mul3A_952, %add3A_953 : i32
      %dma_wait3A_955 = arith.constant 0 : i32
      %dma_wait3A_956 = arith.constant 0 : i32
      %dma_wait3A_957 = tpu.memref_slice %arg8[%dma_wait3A_955, %dma_wait3A_956] : memref<10000x64xf32, #tpu.memory_space<vmem_shared>> -> memref<128x64xf32, #tpu.memory_space<vmem_shared>>
      %dma_wait3A_958 = arith.constant 0 : i32
      %dma_wait3A_959 = arith.constant 0 : i32
      %dma_wait3A_960 = tpu.memref_slice %arg8[%dma_wait3A_958, %dma_wait3A_959] : memref<10000x64xf32, #tpu.memory_space<vmem_shared>> -> memref<128x64xf32, #tpu.memory_space<vmem_shared>>
      tpu.wait_dma2 semaphore(%arg23 : memref<!tpu.dma_semaphore, #tpu.memory_space<semaphore_mem>>) src(%dma_wait3A_960 : memref<128x64xf32, #tpu.memory_space<vmem_shared>>) dst(%arg19 : memref<128x64xf32, #tpu.memory_space<vmem>>)
      %dma_start3A_961 = arith.constant 0 : i32
      %dma_start3A_962 = arith.constant 0 : i32
      %dma_start3A_963 = tpu.memref_slice %arg15[%dma_start3A_961, %dma_start3A_962] : memref<2x128xi32, #tpu.memory_space<vmem>> -> memref<1x128xi32, #tpu.memory_space<vmem>>
      %dma_start3A_964 = tpu.memref_squeeze %dma_start3A_963 : memref<1x128xi32, #tpu.memory_space<vmem>> -> memref<128xi32, #tpu.memory_space<vmem>>
      %dma_start3A_965 = arith.constant 0 : i32
      %dma_start3A_966 = arith.constant 0 : i32
      %dma_start3A_967 = tpu.memref_slice %arg7[%dma_start3A_965, %dma_start3A_966] : memref<10112x64xf32, #tpu.memory_space<vmem_shared>> -> memref<10112x64xf32, #tpu.memory_space<vmem_shared>>
      tpu.enqueue_indirect_dma source(%arg19 : memref<128x64xf32, #tpu.memory_space<vmem>>) target(%dma_start3A_967 : memref<10112x64xf32, #tpu.memory_space<vmem_shared>>) offsets(%dma_start3A_964 : memref<128xi32, #tpu.memory_space<vmem>>) semaphore(%arg27 : memref<!tpu.dma_semaphore, #tpu.memory_space<semaphore_mem>>) {add = true}
      %dma_wait3A_968 = arith.constant 0 : i32
      %dma_wait3A_969 = arith.constant 0 : i32
      %dma_wait3A_970 = arith.constant 0 : i32
      %dma_wait3A_971 = tpu.memref_slice %arg4[%dma_wait3A_969, %dma_wait3A_968, %dma_wait3A_970] : memref<2x2500x128xi32, #tpu.memory_space<hbm>> -> memref<2x1x128xi32, #tpu.memory_space<hbm>>
      %dma_wait3A_972 = tpu.memref_squeeze %dma_wait3A_971 : memref<2x1x128xi32, #tpu.memory_space<hbm>> -> memref<2x128xi32, #tpu.memory_space<hbm>>
      %dma_wait3A_973 = arith.constant 0 : i32
      %dma_wait3A_974 = arith.constant 0 : i32
      %dma_wait3A_975 = tpu.memref_slice %arg4[%dma_wait3A_973, %dma_wait3A_968, %dma_wait3A_974] : memref<2x2500x128xi32, #tpu.memory_space<hbm>> -> memref<2x1x128xi32, #tpu.memory_space<hbm>>
      %dma_wait3A_976 = tpu.memref_squeeze %dma_wait3A_975 : memref<2x1x128xi32, #tpu.memory_space<hbm>> -> memref<2x128xi32, #tpu.memory_space<hbm>>
      tpu.wait_dma2 semaphore(%arg29 : memref<!tpu.dma_semaphore, #tpu.memory_space<semaphore_mem>>) src(%dma_wait3A_976 : memref<2x128xi32, #tpu.memory_space<hbm>>) dst(%arg9 : memref<2x128xi32, #tpu.memory_space<vmem>>)
      %dma_wait3A_977 = arith.constant 0 : i32
      %dma_wait3A_978 = arith.constant 0 : i32
      %dma_wait3A_979 = tpu.memref_slice %arg7[%dma_wait3A_977, %dma_wait3A_978] : memref<10112x64xf32, #tpu.memory_space<vmem_shared>> -> memref<128x64xf32, #tpu.memory_space<vmem_shared>>
      %dma_wait3A_980 = arith.constant 0 : i32
      %dma_wait3A_981 = arith.constant 0 : i32
      %dma_wait3A_982 = tpu.memref_slice %arg7[%dma_wait3A_980, %dma_wait3A_981] : memref<10112x64xf32, #tpu.memory_space<vmem_shared>> -> memref<128x64xf32, #tpu.memory_space<vmem_shared>>
      tpu.wait_dma2 semaphore(%arg25 : memref<!tpu.dma_semaphore, #tpu.memory_space<semaphore_mem>>) src(%arg17 : memref<128x64xf32, #tpu.memory_space<vmem>>) dst(%dma_wait3A_982 : memref<128x64xf32, #tpu.memory_space<vmem_shared>>)
      %dma_start3A_983 = arith.constant 1 : i32
      %dma_start3A_984 = arith.constant 0 : i32
      %dma_start3A_985 = tpu.memref_slice %arg9[%dma_start3A_983, %dma_start3A_984] : memref<2x128xi32, #tpu.memory_space<vmem>> -> memref<1x128xi32, #tpu.memory_space<vmem>>
      %dma_start3A_986 = tpu.memref_squeeze %dma_start3A_985 : memref<1x128xi32, #tpu.memory_space<vmem>> -> memref<128xi32, #tpu.memory_space<vmem>>
      %dma_start3A_987 = arith.constant 0 : i32
      %dma_start3A_988 = arith.constant 0 : i32
      %dma_start3A_989 = tpu.memref_slice %arg8[%dma_start3A_987, %dma_start3A_988] : memref<10000x64xf32, #tpu.memory_space<vmem_shared>> -> memref<10000x64xf32, #tpu.memory_space<vmem_shared>>
      tpu.enqueue_indirect_dma source(%dma_start3A_989 : memref<10000x64xf32, #tpu.memory_space<vmem_shared>>) target(%arg17 : memref<128x64xf32, #tpu.memory_space<vmem>>) offsets(%dma_start3A_986 : memref<128xi32, #tpu.memory_space<vmem>>) semaphore(%arg21 : memref<!tpu.dma_semaphore, #tpu.memory_space<semaphore_mem>>)
      %add3A_990 = arith.addi %mul3A_15, %add3A_954 : i32
      %add3A_991 = arith.constant 6 : i32
      %add3A_992 = arith.addi %add3A_990, %add3A_991 : i32
      %dma_start3A_993 = arith.constant 0 : i32
      %dma_start3A_994 = arith.constant 0 : i32
      %dma_start3A_995 = tpu.memref_slice %arg4[%dma_start3A_993, %add3A_992, %dma_start3A_994] : memref<2x2500x128xi32, #tpu.memory_space<hbm>> -> memref<2x1x128xi32, #tpu.memory_space<hbm>>
      %dma_start3A_996 = tpu.memref_squeeze %dma_start3A_995 : memref<2x1x128xi32, #tpu.memory_space<hbm>> -> memref<2x128xi32, #tpu.memory_space<hbm>>
      %dma_start3A_997 = arith.constant 0 : i32
      %dma_start3A_998 = arith.constant 0 : i32
      %dma_start3A_999 = tpu.memref_slice %arg4[%dma_start3A_997, %add3A_992, %dma_start3A_998] : memref<2x2500x128xi32, #tpu.memory_space<hbm>> -> memref<2x1x128xi32, #tpu.memory_space<hbm>>
      %dma_start3A_1000 = tpu.memref_squeeze %dma_start3A_999 : memref<2x1x128xi32, #tpu.memory_space<hbm>> -> memref<2x128xi32, #tpu.memory_space<hbm>>
      tpu.enqueue_dma source(%dma_start3A_1000 : memref<2x128xi32, #tpu.memory_space<hbm>>) target(%arg13 : memref<2x128xi32, #tpu.memory_space<vmem>>) target_semaphore(%arg33 : memref<!tpu.dma_semaphore, #tpu.memory_space<semaphore_mem>>)
      %mul3A_1001 = arith.constant 8 : i32
      %mul3A_1002 = arith.muli %mul3A_1001, %scan3A_641 : i32
      %add3A_1003 = arith.constant 7 : i32
      %add3A_1004 = arith.addi %mul3A_1002, %add3A_1003 : i32
      %dma_wait3A_1005 = arith.constant 0 : i32
      %dma_wait3A_1006 = arith.constant 0 : i32
      %dma_wait3A_1007 = tpu.memref_slice %arg2[%dma_wait3A_1005, %dma_wait3A_1006] : memref<10000x64xf32, #tpu.memory_space<hbm>> -> memref<128x64xf32, #tpu.memory_space<hbm>>
      %dma_wait3A_1008 = arith.constant 0 : i32
      %dma_wait3A_1009 = arith.constant 0 : i32
      %dma_wait3A_1010 = tpu.memref_slice %arg2[%dma_wait3A_1008, %dma_wait3A_1009] : memref<10000x64xf32, #tpu.memory_space<hbm>> -> memref<128x64xf32, #tpu.memory_space<hbm>>
      tpu.wait_dma2 semaphore(%arg24 : memref<!tpu.dma_semaphore, #tpu.memory_space<semaphore_mem>>) src(%dma_wait3A_1010 : memref<128x64xf32, #tpu.memory_space<hbm>>) dst(%arg20 : memref<128x64xf32, #tpu.memory_space<vmem>>)
      %dma_start3A_1011 = arith.constant 0 : i32
      %dma_start3A_1012 = arith.constant 0 : i32
      %dma_start3A_1013 = tpu.memref_slice %arg16[%dma_start3A_1011, %dma_start3A_1012] : memref<2x128xi32, #tpu.memory_space<vmem>> -> memref<1x128xi32, #tpu.memory_space<vmem>>
      %dma_start3A_1014 = tpu.memref_squeeze %dma_start3A_1013 : memref<1x128xi32, #tpu.memory_space<vmem>> -> memref<128xi32, #tpu.memory_space<vmem>>
      %dma_start3A_1015 = arith.constant 0 : i32
      %dma_start3A_1016 = arith.constant 0 : i32
      %dma_start3A_1017 = tpu.memref_slice %arg7[%dma_start3A_1015, %dma_start3A_1016] : memref<10112x64xf32, #tpu.memory_space<vmem_shared>> -> memref<10112x64xf32, #tpu.memory_space<vmem_shared>>
      tpu.enqueue_indirect_dma source(%arg20 : memref<128x64xf32, #tpu.memory_space<vmem>>) target(%dma_start3A_1017 : memref<10112x64xf32, #tpu.memory_space<vmem_shared>>) offsets(%dma_start3A_1014 : memref<128xi32, #tpu.memory_space<vmem>>) semaphore(%arg28 : memref<!tpu.dma_semaphore, #tpu.memory_space<semaphore_mem>>) {add = true}
      %dma_wait3A_1018 = arith.constant 0 : i32
      %dma_wait3A_1019 = arith.constant 0 : i32
      %dma_wait3A_1020 = arith.constant 0 : i32
      %dma_wait3A_1021 = tpu.memref_slice %arg4[%dma_wait3A_1019, %dma_wait3A_1018, %dma_wait3A_1020] : memref<2x2500x128xi32, #tpu.memory_space<hbm>> -> memref<2x1x128xi32, #tpu.memory_space<hbm>>
      %dma_wait3A_1022 = tpu.memref_squeeze %dma_wait3A_1021 : memref<2x1x128xi32, #tpu.memory_space<hbm>> -> memref<2x128xi32, #tpu.memory_space<hbm>>
      %dma_wait3A_1023 = arith.constant 0 : i32
      %dma_wait3A_1024 = arith.constant 0 : i32
      %dma_wait3A_1025 = tpu.memref_slice %arg4[%dma_wait3A_1023, %dma_wait3A_1018, %dma_wait3A_1024] : memref<2x2500x128xi32, #tpu.memory_space<hbm>> -> memref<2x1x128xi32, #tpu.memory_space<hbm>>
      %dma_wait3A_1026 = tpu.memref_squeeze %dma_wait3A_1025 : memref<2x1x128xi32, #tpu.memory_space<hbm>> -> memref<2x128xi32, #tpu.memory_space<hbm>>
      tpu.wait_dma2 semaphore(%arg30 : memref<!tpu.dma_semaphore, #tpu.memory_space<semaphore_mem>>) src(%dma_wait3A_1026 : memref<2x128xi32, #tpu.memory_space<hbm>>) dst(%arg10 : memref<2x128xi32, #tpu.memory_space<vmem>>)
      %dma_wait3A_1027 = arith.constant 0 : i32
      %dma_wait3A_1028 = arith.constant 0 : i32
      %dma_wait3A_1029 = tpu.memref_slice %arg7[%dma_wait3A_1027, %dma_wait3A_1028] : memref<10112x64xf32, #tpu.memory_space<vmem_shared>> -> memref<128x64xf32, #tpu.memory_space<vmem_shared>>
      %dma_wait3A_1030 = arith.constant 0 : i32
      %dma_wait3A_1031 = arith.constant 0 : i32
      %dma_wait3A_1032 = tpu.memref_slice %arg7[%dma_wait3A_1030, %dma_wait3A_1031] : memref<10112x64xf32, #tpu.memory_space<vmem_shared>> -> memref<128x64xf32, #tpu.memory_space<vmem_shared>>
      tpu.wait_dma2 semaphore(%arg26 : memref<!tpu.dma_semaphore, #tpu.memory_space<semaphore_mem>>) src(%arg18 : memref<128x64xf32, #tpu.memory_space<vmem>>) dst(%dma_wait3A_1032 : memref<128x64xf32, #tpu.memory_space<vmem_shared>>)
      %eq3A_1033 = arith.constant 0 : i32
      %eq3A_1034 = arith.cmpi eq, %arg0, %eq3A_1033 : i32
      %convert_element_type3A_1035 = arith.extui %eq3A_1034 : i1 to i32
      %cond3A_1036 = arith.constant 0 : i32
      %cond3A_1037 = arith.cmpi ne, %convert_element_type3A_1035, %cond3A_1036 : i32
      scf.if %cond3A_1037 {
        %dma_start3A_1054 = arith.constant 1 : i32
        %dma_start3A_1055 = arith.constant 0 : i32
        %dma_start3A_1056 = tpu.memref_slice %arg10[%dma_start3A_1054, %dma_start3A_1055] : memref<2x128xi32, #tpu.memory_space<vmem>> -> memref<1x128xi32, #tpu.memory_space<vmem>>
        %dma_start3A_1057 = tpu.memref_squeeze %dma_start3A_1056 : memref<1x128xi32, #tpu.memory_space<vmem>> -> memref<128xi32, #tpu.memory_space<vmem>>
        %dma_start3A_1058 = arith.constant 0 : i32
        %dma_start3A_1059 = arith.constant 0 : i32
        %dma_start3A_1060 = tpu.memref_slice %arg2[%dma_start3A_1058, %dma_start3A_1059] : memref<10000x64xf32, #tpu.memory_space<hbm>> -> memref<10000x64xf32, #tpu.memory_space<hbm>>
        tpu.enqueue_indirect_dma source(%dma_start3A_1060 : memref<10000x64xf32, #tpu.memory_space<hbm>>) target(%arg18 : memref<128x64xf32, #tpu.memory_space<vmem>>) offsets(%dma_start3A_1057 : memref<128xi32, #tpu.memory_space<vmem>>) semaphore(%arg22 : memref<!tpu.dma_semaphore, #tpu.memory_space<semaphore_mem>>)
      } else {
      }
      %eq3A_1038 = arith.constant 1 : i32
      %eq3A_1039 = arith.cmpi eq, %arg0, %eq3A_1038 : i32
      %convert_element_type3A_1040 = arith.extui %eq3A_1039 : i1 to i32
      %cond3A_1041 = arith.constant 0 : i32
      %cond3A_1042 = arith.cmpi ne, %convert_element_type3A_1040, %cond3A_1041 : i32
      scf.if %cond3A_1042 {
        %dma_start3A_1054 = arith.constant 1 : i32
        %dma_start3A_1055 = arith.constant 0 : i32
        %dma_start3A_1056 = tpu.memref_slice %arg10[%dma_start3A_1054, %dma_start3A_1055] : memref<2x128xi32, #tpu.memory_space<vmem>> -> memref<1x128xi32, #tpu.memory_space<vmem>>
        %dma_start3A_1057 = tpu.memref_squeeze %dma_start3A_1056 : memref<1x128xi32, #tpu.memory_space<vmem>> -> memref<128xi32, #tpu.memory_space<vmem>>
        %dma_start3A_1058 = arith.constant 0 : i32
        %dma_start3A_1059 = arith.constant 0 : i32
        %dma_start3A_1060 = tpu.memref_slice %arg3[%dma_start3A_1058, %dma_start3A_1059] : memref<10000x64xf32, #tpu.memory_space<hbm>> -> memref<10000x64xf32, #tpu.memory_space<hbm>>
        tpu.enqueue_indirect_dma source(%dma_start3A_1060 : memref<10000x64xf32, #tpu.memory_space<hbm>>) target(%arg18 : memref<128x64xf32, #tpu.memory_space<vmem>>) offsets(%dma_start3A_1057 : memref<128xi32, #tpu.memory_space<vmem>>) semaphore(%arg22 : memref<!tpu.dma_semaphore, #tpu.memory_space<semaphore_mem>>)
      } else {
      }
      %add3A_1043 = arith.addi %mul3A_15, %add3A_1004 : i32
      %add3A_1044 = arith.constant 6 : i32
      %add3A_1045 = arith.addi %add3A_1043, %add3A_1044 : i32
      %dma_start3A_1046 = arith.constant 0 : i32
      %dma_start3A_1047 = arith.constant 0 : i32
      %dma_start3A_1048 = tpu.memref_slice %arg4[%dma_start3A_1046, %add3A_1045, %dma_start3A_1047] : memref<2x2500x128xi32, #tpu.memory_space<hbm>> -> memref<2x1x128xi32, #tpu.memory_space<hbm>>
      %dma_start3A_1049 = tpu.memref_squeeze %dma_start3A_1048 : memref<2x1x128xi32, #tpu.memory_space<hbm>> -> memref<2x128xi32, #tpu.memory_space<hbm>>
      %dma_start3A_1050 = arith.constant 0 : i32
      %dma_start3A_1051 = arith.constant 0 : i32
      %dma_start3A_1052 = tpu.memref_slice %arg4[%dma_start3A_1050, %add3A_1045, %dma_start3A_1051] : memref<2x2500x128xi32, #tpu.memory_space<hbm>> -> memref<2x1x128xi32, #tpu.memory_space<hbm>>
      %dma_start3A_1053 = tpu.memref_squeeze %dma_start3A_1052 : memref<2x1x128xi32, #tpu.memory_space<hbm>> -> memref<2x128xi32, #tpu.memory_space<hbm>>
      tpu.enqueue_dma source(%dma_start3A_1053 : memref<2x128xi32, #tpu.memory_space<hbm>>) target(%arg14 : memref<2x128xi32, #tpu.memory_space<vmem>>) target_semaphore(%arg34 : memref<!tpu.dma_semaphore, #tpu.memory_space<semaphore_mem>>)
    }
    %scan3A_488 = arith.constant 18 : i32
    %dma_wait3A_489 = arith.constant 0 : i32
    %dma_wait3A_490 = arith.constant 0 : i32
    %dma_wait3A_491 = tpu.memref_slice %arg8[%dma_wait3A_489, %dma_wait3A_490] : memref<10000x64xf32, #tpu.memory_space<vmem_shared>> -> memref<128x64xf32, #tpu.memory_space<vmem_shared>>
    %dma_wait3A_492 = arith.constant 0 : i32
    %dma_wait3A_493 = arith.constant 0 : i32
    %dma_wait3A_494 = tpu.memref_slice %arg8[%dma_wait3A_492, %dma_wait3A_493] : memref<10000x64xf32, #tpu.memory_space<vmem_shared>> -> memref<128x64xf32, #tpu.memory_space<vmem_shared>>
    tpu.wait_dma2 semaphore(%arg21 : memref<!tpu.dma_semaphore, #tpu.memory_space<semaphore_mem>>) src(%dma_wait3A_494 : memref<128x64xf32, #tpu.memory_space<vmem_shared>>) dst(%arg17 : memref<128x64xf32, #tpu.memory_space<vmem>>)
    %dma_start3A_495 = arith.constant 0 : i32
    %dma_start3A_496 = arith.constant 0 : i32
    %dma_start3A_497 = tpu.memref_slice %arg9[%dma_start3A_495, %dma_start3A_496] : memref<2x128xi32, #tpu.memory_space<vmem>> -> memref<1x128xi32, #tpu.memory_space<vmem>>
    %dma_start3A_498 = tpu.memref_squeeze %dma_start3A_497 : memref<1x128xi32, #tpu.memory_space<vmem>> -> memref<128xi32, #tpu.memory_space<vmem>>
    %dma_start3A_499 = arith.constant 0 : i32
    %dma_start3A_500 = arith.constant 0 : i32
    %dma_start3A_501 = tpu.memref_slice %arg7[%dma_start3A_499, %dma_start3A_500] : memref<10112x64xf32, #tpu.memory_space<vmem_shared>> -> memref<10112x64xf32, #tpu.memory_space<vmem_shared>>
    tpu.enqueue_indirect_dma source(%arg17 : memref<128x64xf32, #tpu.memory_space<vmem>>) target(%dma_start3A_501 : memref<10112x64xf32, #tpu.memory_space<vmem_shared>>) offsets(%dma_start3A_498 : memref<128xi32, #tpu.memory_space<vmem>>) semaphore(%arg25 : memref<!tpu.dma_semaphore, #tpu.memory_space<semaphore_mem>>) {add = true}
    %dma_wait3A_502 = arith.constant 0 : i32
    %dma_wait3A_503 = arith.constant 0 : i32
    %dma_wait3A_504 = arith.constant 0 : i32
    %dma_wait3A_505 = tpu.memref_slice %arg4[%dma_wait3A_503, %dma_wait3A_502, %dma_wait3A_504] : memref<2x2500x128xi32, #tpu.memory_space<hbm>> -> memref<2x1x128xi32, #tpu.memory_space<hbm>>
    %dma_wait3A_506 = tpu.memref_squeeze %dma_wait3A_505 : memref<2x1x128xi32, #tpu.memory_space<hbm>> -> memref<2x128xi32, #tpu.memory_space<hbm>>
    %dma_wait3A_507 = arith.constant 0 : i32
    %dma_wait3A_508 = arith.constant 0 : i32
    %dma_wait3A_509 = tpu.memref_slice %arg4[%dma_wait3A_507, %dma_wait3A_502, %dma_wait3A_508] : memref<2x2500x128xi32, #tpu.memory_space<hbm>> -> memref<2x1x128xi32, #tpu.memory_space<hbm>>
    %dma_wait3A_510 = tpu.memref_squeeze %dma_wait3A_509 : memref<2x1x128xi32, #tpu.memory_space<hbm>> -> memref<2x128xi32, #tpu.memory_space<hbm>>
    tpu.wait_dma2 semaphore(%arg31 : memref<!tpu.dma_semaphore, #tpu.memory_space<semaphore_mem>>) src(%dma_wait3A_510 : memref<2x128xi32, #tpu.memory_space<hbm>>) dst(%arg11 : memref<2x128xi32, #tpu.memory_space<vmem>>)
    %dma_wait3A_511 = arith.constant 0 : i32
    %dma_wait3A_512 = arith.constant 0 : i32
    %dma_wait3A_513 = tpu.memref_slice %arg7[%dma_wait3A_511, %dma_wait3A_512] : memref<10112x64xf32, #tpu.memory_space<vmem_shared>> -> memref<128x64xf32, #tpu.memory_space<vmem_shared>>
    %dma_wait3A_514 = arith.constant 0 : i32
    %dma_wait3A_515 = arith.constant 0 : i32
    %dma_wait3A_516 = tpu.memref_slice %arg7[%dma_wait3A_514, %dma_wait3A_515] : memref<10112x64xf32, #tpu.memory_space<vmem_shared>> -> memref<128x64xf32, #tpu.memory_space<vmem_shared>>
    tpu.wait_dma2 semaphore(%arg27 : memref<!tpu.dma_semaphore, #tpu.memory_space<semaphore_mem>>) src(%arg19 : memref<128x64xf32, #tpu.memory_space<vmem>>) dst(%dma_wait3A_516 : memref<128x64xf32, #tpu.memory_space<vmem_shared>>)
    %dma_start3A_517 = arith.constant 1 : i32
    %dma_start3A_518 = arith.constant 0 : i32
    %dma_start3A_519 = tpu.memref_slice %arg11[%dma_start3A_517, %dma_start3A_518] : memref<2x128xi32, #tpu.memory_space<vmem>> -> memref<1x128xi32, #tpu.memory_space<vmem>>
    %dma_start3A_520 = tpu.memref_squeeze %dma_start3A_519 : memref<1x128xi32, #tpu.memory_space<vmem>> -> memref<128xi32, #tpu.memory_space<vmem>>
    %dma_start3A_521 = arith.constant 0 : i32
    %dma_start3A_522 = arith.constant 0 : i32
    %dma_start3A_523 = tpu.memref_slice %arg8[%dma_start3A_521, %dma_start3A_522] : memref<10000x64xf32, #tpu.memory_space<vmem_shared>> -> memref<10000x64xf32, #tpu.memory_space<vmem_shared>>
    tpu.enqueue_indirect_dma source(%dma_start3A_523 : memref<10000x64xf32, #tpu.memory_space<vmem_shared>>) target(%arg19 : memref<128x64xf32, #tpu.memory_space<vmem>>) offsets(%dma_start3A_520 : memref<128xi32, #tpu.memory_space<vmem>>) semaphore(%arg23 : memref<!tpu.dma_semaphore, #tpu.memory_space<semaphore_mem>>)
    %dma_wait3A_524 = arith.constant 0 : i32
    %dma_wait3A_525 = arith.constant 0 : i32
    %dma_wait3A_526 = tpu.memref_slice %arg2[%dma_wait3A_524, %dma_wait3A_525] : memref<10000x64xf32, #tpu.memory_space<hbm>> -> memref<128x64xf32, #tpu.memory_space<hbm>>
    %dma_wait3A_527 = arith.constant 0 : i32
    %dma_wait3A_528 = arith.constant 0 : i32
    %dma_wait3A_529 = tpu.memref_slice %arg2[%dma_wait3A_527, %dma_wait3A_528] : memref<10000x64xf32, #tpu.memory_space<hbm>> -> memref<128x64xf32, #tpu.memory_space<hbm>>
    tpu.wait_dma2 semaphore(%arg22 : memref<!tpu.dma_semaphore, #tpu.memory_space<semaphore_mem>>) src(%dma_wait3A_529 : memref<128x64xf32, #tpu.memory_space<hbm>>) dst(%arg18 : memref<128x64xf32, #tpu.memory_space<vmem>>)
    %dma_start3A_530 = arith.constant 0 : i32
    %dma_start3A_531 = arith.constant 0 : i32
    %dma_start3A_532 = tpu.memref_slice %arg10[%dma_start3A_530, %dma_start3A_531] : memref<2x128xi32, #tpu.memory_space<vmem>> -> memref<1x128xi32, #tpu.memory_space<vmem>>
    %dma_start3A_533 = tpu.memref_squeeze %dma_start3A_532 : memref<1x128xi32, #tpu.memory_space<vmem>> -> memref<128xi32, #tpu.memory_space<vmem>>
    %dma_start3A_534 = arith.constant 0 : i32
    %dma_start3A_535 = arith.constant 0 : i32
    %dma_start3A_536 = tpu.memref_slice %arg7[%dma_start3A_534, %dma_start3A_535] : memref<10112x64xf32, #tpu.memory_space<vmem_shared>> -> memref<10112x64xf32, #tpu.memory_space<vmem_shared>>
    tpu.enqueue_indirect_dma source(%arg18 : memref<128x64xf32, #tpu.memory_space<vmem>>) target(%dma_start3A_536 : memref<10112x64xf32, #tpu.memory_space<vmem_shared>>) offsets(%dma_start3A_533 : memref<128xi32, #tpu.memory_space<vmem>>) semaphore(%arg26 : memref<!tpu.dma_semaphore, #tpu.memory_space<semaphore_mem>>) {add = true}
    %dma_wait3A_537 = arith.constant 0 : i32
    %dma_wait3A_538 = arith.constant 0 : i32
    %dma_wait3A_539 = arith.constant 0 : i32
    %dma_wait3A_540 = tpu.memref_slice %arg4[%dma_wait3A_538, %dma_wait3A_537, %dma_wait3A_539] : memref<2x2500x128xi32, #tpu.memory_space<hbm>> -> memref<2x1x128xi32, #tpu.memory_space<hbm>>
    %dma_wait3A_541 = tpu.memref_squeeze %dma_wait3A_540 : memref<2x1x128xi32, #tpu.memory_space<hbm>> -> memref<2x128xi32, #tpu.memory_space<hbm>>
    %dma_wait3A_542 = arith.constant 0 : i32
    %dma_wait3A_543 = arith.constant 0 : i32
    %dma_wait3A_544 = tpu.memref_slice %arg4[%dma_wait3A_542, %dma_wait3A_537, %dma_wait3A_543] : memref<2x2500x128xi32, #tpu.memory_space<hbm>> -> memref<2x1x128xi32, #tpu.memory_space<hbm>>
    %dma_wait3A_545 = tpu.memref_squeeze %dma_wait3A_544 : memref<2x1x128xi32, #tpu.memory_space<hbm>> -> memref<2x128xi32, #tpu.memory_space<hbm>>
    tpu.wait_dma2 semaphore(%arg32 : memref<!tpu.dma_semaphore, #tpu.memory_space<semaphore_mem>>) src(%dma_wait3A_545 : memref<2x128xi32, #tpu.memory_space<hbm>>) dst(%arg12 : memref<2x128xi32, #tpu.memory_space<vmem>>)
    %dma_wait3A_546 = arith.constant 0 : i32
    %dma_wait3A_547 = arith.constant 0 : i32
    %dma_wait3A_548 = tpu.memref_slice %arg7[%dma_wait3A_546, %dma_wait3A_547] : memref<10112x64xf32, #tpu.memory_space<vmem_shared>> -> memref<128x64xf32, #tpu.memory_space<vmem_shared>>
    %dma_wait3A_549 = arith.constant 0 : i32
    %dma_wait3A_550 = arith.constant 0 : i32
    %dma_wait3A_551 = tpu.memref_slice %arg7[%dma_wait3A_549, %dma_wait3A_550] : memref<10112x64xf32, #tpu.memory_space<vmem_shared>> -> memref<128x64xf32, #tpu.memory_space<vmem_shared>>
    tpu.wait_dma2 semaphore(%arg28 : memref<!tpu.dma_semaphore, #tpu.memory_space<semaphore_mem>>) src(%arg20 : memref<128x64xf32, #tpu.memory_space<vmem>>) dst(%dma_wait3A_551 : memref<128x64xf32, #tpu.memory_space<vmem_shared>>)
    %eq3A_552 = arith.constant 0 : i32
    %eq3A_553 = arith.cmpi eq, %arg0, %eq3A_552 : i32
    %convert_element_type3A_554 = arith.extui %eq3A_553 : i1 to i32
    %cond3A_555 = arith.constant 0 : i32
    %cond3A_556 = arith.cmpi ne, %convert_element_type3A_554, %cond3A_555 : i32
    scf.if %cond3A_556 {
      %dma_start3A_641 = arith.constant 1 : i32
      %dma_start3A_642 = arith.constant 0 : i32
      %dma_start3A_643 = tpu.memref_slice %arg12[%dma_start3A_641, %dma_start3A_642] : memref<2x128xi32, #tpu.memory_space<vmem>> -> memref<1x128xi32, #tpu.memory_space<vmem>>
      %dma_start3A_644 = tpu.memref_squeeze %dma_start3A_643 : memref<1x128xi32, #tpu.memory_space<vmem>> -> memref<128xi32, #tpu.memory_space<vmem>>
      %dma_start3A_645 = arith.constant 0 : i32
      %dma_start3A_646 = arith.constant 0 : i32
      %dma_start3A_647 = tpu.memref_slice %arg2[%dma_start3A_645, %dma_start3A_646] : memref<10000x64xf32, #tpu.memory_space<hbm>> -> memref<10000x64xf32, #tpu.memory_space<hbm>>
      tpu.enqueue_indirect_dma source(%dma_start3A_647 : memref<10000x64xf32, #tpu.memory_space<hbm>>) target(%arg20 : memref<128x64xf32, #tpu.memory_space<vmem>>) offsets(%dma_start3A_644 : memref<128xi32, #tpu.memory_space<vmem>>) semaphore(%arg24 : memref<!tpu.dma_semaphore, #tpu.memory_space<semaphore_mem>>)
    } else {
    }
    %eq3A_557 = arith.constant 1 : i32
    %eq3A_558 = arith.cmpi eq, %arg0, %eq3A_557 : i32
    %convert_element_type3A_559 = arith.extui %eq3A_558 : i1 to i32
    %cond3A_560 = arith.constant 0 : i32
    %cond3A_561 = arith.cmpi ne, %convert_element_type3A_559, %cond3A_560 : i32
    scf.if %cond3A_561 {
      %dma_start3A_641 = arith.constant 1 : i32
      %dma_start3A_642 = arith.constant 0 : i32
      %dma_start3A_643 = tpu.memref_slice %arg12[%dma_start3A_641, %dma_start3A_642] : memref<2x128xi32, #tpu.memory_space<vmem>> -> memref<1x128xi32, #tpu.memory_space<vmem>>
      %dma_start3A_644 = tpu.memref_squeeze %dma_start3A_643 : memref<1x128xi32, #tpu.memory_space<vmem>> -> memref<128xi32, #tpu.memory_space<vmem>>
      %dma_start3A_645 = arith.constant 0 : i32
      %dma_start3A_646 = arith.constant 0 : i32
      %dma_start3A_647 = tpu.memref_slice %arg3[%dma_start3A_645, %dma_start3A_646] : memref<10000x64xf32, #tpu.memory_space<hbm>> -> memref<10000x64xf32, #tpu.memory_space<hbm>>
      tpu.enqueue_indirect_dma source(%dma_start3A_647 : memref<10000x64xf32, #tpu.memory_space<hbm>>) target(%arg20 : memref<128x64xf32, #tpu.memory_space<vmem>>) offsets(%dma_start3A_644 : memref<128xi32, #tpu.memory_space<vmem>>) semaphore(%arg24 : memref<!tpu.dma_semaphore, #tpu.memory_space<semaphore_mem>>)
    } else {
    }
    %dma_wait3A_562 = arith.constant 0 : i32
    %dma_wait3A_563 = arith.constant 0 : i32
    %dma_wait3A_564 = tpu.memref_slice %arg8[%dma_wait3A_562, %dma_wait3A_563] : memref<10000x64xf32, #tpu.memory_space<vmem_shared>> -> memref<128x64xf32, #tpu.memory_space<vmem_shared>>
    %dma_wait3A_565 = arith.constant 0 : i32
    %dma_wait3A_566 = arith.constant 0 : i32
    %dma_wait3A_567 = tpu.memref_slice %arg8[%dma_wait3A_565, %dma_wait3A_566] : memref<10000x64xf32, #tpu.memory_space<vmem_shared>> -> memref<128x64xf32, #tpu.memory_space<vmem_shared>>
    tpu.wait_dma2 semaphore(%arg23 : memref<!tpu.dma_semaphore, #tpu.memory_space<semaphore_mem>>) src(%dma_wait3A_567 : memref<128x64xf32, #tpu.memory_space<vmem_shared>>) dst(%arg19 : memref<128x64xf32, #tpu.memory_space<vmem>>)
    %dma_start3A_568 = arith.constant 0 : i32
    %dma_start3A_569 = arith.constant 0 : i32
    %dma_start3A_570 = tpu.memref_slice %arg11[%dma_start3A_568, %dma_start3A_569] : memref<2x128xi32, #tpu.memory_space<vmem>> -> memref<1x128xi32, #tpu.memory_space<vmem>>
    %dma_start3A_571 = tpu.memref_squeeze %dma_start3A_570 : memref<1x128xi32, #tpu.memory_space<vmem>> -> memref<128xi32, #tpu.memory_space<vmem>>
    %dma_start3A_572 = arith.constant 0 : i32
    %dma_start3A_573 = arith.constant 0 : i32
    %dma_start3A_574 = tpu.memref_slice %arg7[%dma_start3A_572, %dma_start3A_573] : memref<10112x64xf32, #tpu.memory_space<vmem_shared>> -> memref<10112x64xf32, #tpu.memory_space<vmem_shared>>
    tpu.enqueue_indirect_dma source(%arg19 : memref<128x64xf32, #tpu.memory_space<vmem>>) target(%dma_start3A_574 : memref<10112x64xf32, #tpu.memory_space<vmem_shared>>) offsets(%dma_start3A_571 : memref<128xi32, #tpu.memory_space<vmem>>) semaphore(%arg27 : memref<!tpu.dma_semaphore, #tpu.memory_space<semaphore_mem>>) {add = true}
    %dma_wait3A_575 = arith.constant 0 : i32
    %dma_wait3A_576 = arith.constant 0 : i32
    %dma_wait3A_577 = tpu.memref_slice %arg2[%dma_wait3A_575, %dma_wait3A_576] : memref<10000x64xf32, #tpu.memory_space<hbm>> -> memref<128x64xf32, #tpu.memory_space<hbm>>
    %dma_wait3A_578 = arith.constant 0 : i32
    %dma_wait3A_579 = arith.constant 0 : i32
    %dma_wait3A_580 = tpu.memref_slice %arg2[%dma_wait3A_578, %dma_wait3A_579] : memref<10000x64xf32, #tpu.memory_space<hbm>> -> memref<128x64xf32, #tpu.memory_space<hbm>>
    tpu.wait_dma2 semaphore(%arg24 : memref<!tpu.dma_semaphore, #tpu.memory_space<semaphore_mem>>) src(%dma_wait3A_580 : memref<128x64xf32, #tpu.memory_space<hbm>>) dst(%arg20 : memref<128x64xf32, #tpu.memory_space<vmem>>)
    %dma_start3A_581 = arith.constant 0 : i32
    %dma_start3A_582 = arith.constant 0 : i32
    %dma_start3A_583 = tpu.memref_slice %arg12[%dma_start3A_581, %dma_start3A_582] : memref<2x128xi32, #tpu.memory_space<vmem>> -> memref<1x128xi32, #tpu.memory_space<vmem>>
    %dma_start3A_584 = tpu.memref_squeeze %dma_start3A_583 : memref<1x128xi32, #tpu.memory_space<vmem>> -> memref<128xi32, #tpu.memory_space<vmem>>
    %dma_start3A_585 = arith.constant 0 : i32
    %dma_start3A_586 = arith.constant 0 : i32
    %dma_start3A_587 = tpu.memref_slice %arg7[%dma_start3A_585, %dma_start3A_586] : memref<10112x64xf32, #tpu.memory_space<vmem_shared>> -> memref<10112x64xf32, #tpu.memory_space<vmem_shared>>
    tpu.enqueue_indirect_dma source(%arg20 : memref<128x64xf32, #tpu.memory_space<vmem>>) target(%dma_start3A_587 : memref<10112x64xf32, #tpu.memory_space<vmem_shared>>) offsets(%dma_start3A_584 : memref<128xi32, #tpu.memory_space<vmem>>) semaphore(%arg28 : memref<!tpu.dma_semaphore, #tpu.memory_space<semaphore_mem>>) {add = true}
    %dma_wait3A_588 = arith.constant 0 : i32
    %dma_wait3A_589 = arith.constant 0 : i32
    %dma_wait3A_590 = tpu.memref_slice %arg7[%dma_wait3A_588, %dma_wait3A_589] : memref<10112x64xf32, #tpu.memory_space<vmem_shared>> -> memref<128x64xf32, #tpu.memory_space<vmem_shared>>
    %dma_wait3A_591 = arith.constant 0 : i32
    %dma_wait3A_592 = arith.constant 0 : i32
    %dma_wait3A_593 = tpu.memref_slice %arg7[%dma_wait3A_591, %dma_wait3A_592] : memref<10112x64xf32, #tpu.memory_space<vmem_shared>> -> memref<128x64xf32, #tpu.memory_space<vmem_shared>>
    tpu.wait_dma2 semaphore(%arg25 : memref<!tpu.dma_semaphore, #tpu.memory_space<semaphore_mem>>) src(%arg17 : memref<128x64xf32, #tpu.memory_space<vmem>>) dst(%dma_wait3A_593 : memref<128x64xf32, #tpu.memory_space<vmem_shared>>)
    %dma_wait3A_594 = arith.constant 0 : i32
    %dma_wait3A_595 = arith.constant 0 : i32
    %dma_wait3A_596 = tpu.memref_slice %arg7[%dma_wait3A_594, %dma_wait3A_595] : memref<10112x64xf32, #tpu.memory_space<vmem_shared>> -> memref<128x64xf32, #tpu.memory_space<vmem_shared>>
    %dma_wait3A_597 = arith.constant 0 : i32
    %dma_wait3A_598 = arith.constant 0 : i32
    %dma_wait3A_599 = tpu.memref_slice %arg7[%dma_wait3A_597, %dma_wait3A_598] : memref<10112x64xf32, #tpu.memory_space<vmem_shared>> -> memref<128x64xf32, #tpu.memory_space<vmem_shared>>
    tpu.wait_dma2 semaphore(%arg26 : memref<!tpu.dma_semaphore, #tpu.memory_space<semaphore_mem>>) src(%arg18 : memref<128x64xf32, #tpu.memory_space<vmem>>) dst(%dma_wait3A_599 : memref<128x64xf32, #tpu.memory_space<vmem_shared>>)
    %dma_wait3A_600 = arith.constant 0 : i32
    %dma_wait3A_601 = arith.constant 0 : i32
    %dma_wait3A_602 = tpu.memref_slice %arg7[%dma_wait3A_600, %dma_wait3A_601] : memref<10112x64xf32, #tpu.memory_space<vmem_shared>> -> memref<128x64xf32, #tpu.memory_space<vmem_shared>>
    %dma_wait3A_603 = arith.constant 0 : i32
    %dma_wait3A_604 = arith.constant 0 : i32
    %dma_wait3A_605 = tpu.memref_slice %arg7[%dma_wait3A_603, %dma_wait3A_604] : memref<10112x64xf32, #tpu.memory_space<vmem_shared>> -> memref<128x64xf32, #tpu.memory_space<vmem_shared>>
    tpu.wait_dma2 semaphore(%arg27 : memref<!tpu.dma_semaphore, #tpu.memory_space<semaphore_mem>>) src(%arg19 : memref<128x64xf32, #tpu.memory_space<vmem>>) dst(%dma_wait3A_605 : memref<128x64xf32, #tpu.memory_space<vmem_shared>>)
    %dma_wait3A_606 = arith.constant 0 : i32
    %dma_wait3A_607 = arith.constant 0 : i32
    %dma_wait3A_608 = tpu.memref_slice %arg7[%dma_wait3A_606, %dma_wait3A_607] : memref<10112x64xf32, #tpu.memory_space<vmem_shared>> -> memref<128x64xf32, #tpu.memory_space<vmem_shared>>
    %dma_wait3A_609 = arith.constant 0 : i32
    %dma_wait3A_610 = arith.constant 0 : i32
    %dma_wait3A_611 = tpu.memref_slice %arg7[%dma_wait3A_609, %dma_wait3A_610] : memref<10112x64xf32, #tpu.memory_space<vmem_shared>> -> memref<128x64xf32, #tpu.memory_space<vmem_shared>>
    tpu.wait_dma2 semaphore(%arg28 : memref<!tpu.dma_semaphore, #tpu.memory_space<semaphore_mem>>) src(%arg20 : memref<128x64xf32, #tpu.memory_space<vmem>>) dst(%dma_wait3A_611 : memref<128x64xf32, #tpu.memory_space<vmem_shared>>)
    %dma_wait3A_612 = arith.constant 0 : i32
    %dma_wait3A_613 = arith.constant 0 : i32
    %dma_wait3A_614 = arith.constant 0 : i32
    %dma_wait3A_615 = tpu.memref_slice %arg4[%dma_wait3A_613, %dma_wait3A_612, %dma_wait3A_614] : memref<2x2500x128xi32, #tpu.memory_space<hbm>> -> memref<2x1x128xi32, #tpu.memory_space<hbm>>
    %dma_wait3A_616 = tpu.memref_squeeze %dma_wait3A_615 : memref<2x1x128xi32, #tpu.memory_space<hbm>> -> memref<2x128xi32, #tpu.memory_space<hbm>>
    %dma_wait3A_617 = arith.constant 0 : i32
    %dma_wait3A_618 = arith.constant 0 : i32
    %dma_wait3A_619 = tpu.memref_slice %arg4[%dma_wait3A_617, %dma_wait3A_612, %dma_wait3A_618] : memref<2x2500x128xi32, #tpu.memory_space<hbm>> -> memref<2x1x128xi32, #tpu.memory_space<hbm>>
    %dma_wait3A_620 = tpu.memref_squeeze %dma_wait3A_619 : memref<2x1x128xi32, #tpu.memory_space<hbm>> -> memref<2x128xi32, #tpu.memory_space<hbm>>
    tpu.wait_dma2 semaphore(%arg33 : memref<!tpu.dma_semaphore, #tpu.memory_space<semaphore_mem>>) src(%dma_wait3A_620 : memref<2x128xi32, #tpu.memory_space<hbm>>) dst(%arg13 : memref<2x128xi32, #tpu.memory_space<vmem>>)
    %dma_wait3A_621 = arith.constant 0 : i32
    %dma_wait3A_622 = arith.constant 0 : i32
    %dma_wait3A_623 = arith.constant 0 : i32
    %dma_wait3A_624 = tpu.memref_slice %arg4[%dma_wait3A_622, %dma_wait3A_621, %dma_wait3A_623] : memref<2x2500x128xi32, #tpu.memory_space<hbm>> -> memref<2x1x128xi32, #tpu.memory_space<hbm>>
    %dma_wait3A_625 = tpu.memref_squeeze %dma_wait3A_624 : memref<2x1x128xi32, #tpu.memory_space<hbm>> -> memref<2x128xi32, #tpu.memory_space<hbm>>
    %dma_wait3A_626 = arith.constant 0 : i32
    %dma_wait3A_627 = arith.constant 0 : i32
    %dma_wait3A_628 = tpu.memref_slice %arg4[%dma_wait3A_626, %dma_wait3A_621, %dma_wait3A_627] : memref<2x2500x128xi32, #tpu.memory_space<hbm>> -> memref<2x1x128xi32, #tpu.memory_space<hbm>>
    %dma_wait3A_629 = tpu.memref_squeeze %dma_wait3A_628 : memref<2x1x128xi32, #tpu.memory_space<hbm>> -> memref<2x128xi32, #tpu.memory_space<hbm>>
    tpu.wait_dma2 semaphore(%arg34 : memref<!tpu.dma_semaphore, #tpu.memory_space<semaphore_mem>>) src(%dma_wait3A_629 : memref<2x128xi32, #tpu.memory_space<hbm>>) dst(%arg14 : memref<2x128xi32, #tpu.memory_space<vmem>>)
    %barrier3A_630 = arith.constant 0 : index
    tpu.barrier barrier_id(%barrier3A_630)
    %lt3A_631 = arith.constant 15 : i32
    %lt3A_632 = arith.cmpi slt, %arg1, %lt3A_631 : i32
    %convert_element_type3A_633 = arith.extui %lt3A_632 : i1 to i32
    %cond3A_634 = arith.constant 0 : i32
    %cond3A_635 = arith.cmpi ne, %convert_element_type3A_633, %cond3A_634 : i32
    scf.if %cond3A_635 {
      %mul3A_641 = arith.constant 632 : i32
      %mul3A_642 = arith.muli %arg1, %mul3A_641 : i32
      %mul3A_643 = arith.constant 632 : i32
      %mul3A_644 = arith.muli %arg1, %mul3A_643 : i32
      %mul3A_645 = arith.constant 64 : i32
      %mul3A_646 = arith.muli %arg0, %mul3A_645 : i32
      "tpu.region"() ({
        %run_scoped3A = tpu.sem_alloc : memref<!tpu.dma_semaphore, #tpu.memory_space<semaphore_mem>>
        %dma_start3A_647 = tpu.memref_slice %arg6[%mul3A_644, %mul3A_646] : memref<10000x128xf32, #tpu.memory_space<hbm>> -> memref<632x64xf32, #tpu.memory_space<hbm>>
        %dma_start3A_648 = arith.constant 0 : i32
        %dma_start3A_649 = tpu.memref_slice %arg7[%mul3A_642, %dma_start3A_648] : memref<10112x64xf32, #tpu.memory_space<vmem_shared>> -> memref<632x64xf32, #tpu.memory_space<vmem_shared>>
        tpu.enqueue_dma source(%dma_start3A_649 : memref<632x64xf32, #tpu.memory_space<vmem_shared>>) target(%dma_start3A_647 : memref<632x64xf32, #tpu.memory_space<hbm>>) target_semaphore(%run_scoped3A : memref<!tpu.dma_semaphore, #tpu.memory_space<semaphore_mem>>)
        %dma_wait3A_650 = tpu.memref_slice %arg6[%mul3A_644, %mul3A_646] : memref<10000x128xf32, #tpu.memory_space<hbm>> -> memref<632x64xf32, #tpu.memory_space<hbm>>
        %dma_wait3A_651 = arith.constant 0 : i32
        %dma_wait3A_652 = tpu.memref_slice %arg7[%mul3A_642, %dma_wait3A_651] : memref<10112x64xf32, #tpu.memory_space<vmem_shared>> -> memref<632x64xf32, #tpu.memory_space<vmem_shared>>
        tpu.wait_dma2 semaphore(%run_scoped3A : memref<!tpu.dma_semaphore, #tpu.memory_space<semaphore_mem>>) src(%dma_wait3A_652 : memref<632x64xf32, #tpu.memory_space<vmem_shared>>) dst(%dma_wait3A_650 : memref<632x64xf32, #tpu.memory_space<hbm>>)
        tpu.yield
      }) : () -> ()
    } else {
    }
    %eq3A_636 = arith.constant 15 : i32
    %eq3A_637 = arith.cmpi eq, %arg1, %eq3A_636 : i32
    %convert_element_type3A_638 = arith.extui %eq3A_637 : i1 to i32
    %cond3A_639 = arith.constant 0 : i32
    %cond3A_640 = arith.cmpi ne, %convert_element_type3A_638, %cond3A_639 : i32
    scf.if %cond3A_640 {
      %mul3A_641 = arith.constant 64 : i32
      %mul3A_642 = arith.muli %arg0, %mul3A_641 : i32
      "tpu.region"() ({
        %run_scoped3A = tpu.sem_alloc : memref<!tpu.dma_semaphore, #tpu.memory_space<semaphore_mem>>
        %dma_start3A_643 = arith.constant 9480 : i32
        %dma_start3A_644 = tpu.memref_slice %arg6[%dma_start3A_643, %mul3A_642] : memref<10000x128xf32, #tpu.memory_space<hbm>> -> memref<520x64xf32, #tpu.memory_space<hbm>>
        %dma_start3A_645 = arith.constant 9480 : i32
        %dma_start3A_646 = arith.constant 0 : i32
        %dma_start3A_647 = tpu.memref_slice %arg7[%dma_start3A_645, %dma_start3A_646] : memref<10112x64xf32, #tpu.memory_space<vmem_shared>> -> memref<520x64xf32, #tpu.memory_space<vmem_shared>>
        tpu.enqueue_dma source(%dma_start3A_647 : memref<520x64xf32, #tpu.memory_space<vmem_shared>>) target(%dma_start3A_644 : memref<520x64xf32, #tpu.memory_space<hbm>>) target_semaphore(%run_scoped3A : memref<!tpu.dma_semaphore, #tpu.memory_space<semaphore_mem>>)
        %dma_wait3A_648 = arith.constant 9480 : i32
        %dma_wait3A_649 = tpu.memref_slice %arg6[%dma_wait3A_648, %mul3A_642] : memref<10000x128xf32, #tpu.memory_space<hbm>> -> memref<520x64xf32, #tpu.memory_space<hbm>>
        %dma_wait3A_650 = arith.constant 9480 : i32
        %dma_wait3A_651 = arith.constant 0 : i32
        %dma_wait3A_652 = tpu.memref_slice %arg7[%dma_wait3A_650, %dma_wait3A_651] : memref<10112x64xf32, #tpu.memory_space<vmem_shared>> -> memref<520x64xf32, #tpu.memory_space<vmem_shared>>
        tpu.wait_dma2 semaphore(%run_scoped3A : memref<!tpu.dma_semaphore, #tpu.memory_space<semaphore_mem>>) src(%dma_wait3A_652 : memref<520x64xf32, #tpu.memory_space<vmem_shared>>) dst(%dma_wait3A_649 : memref<520x64xf32, #tpu.memory_space<hbm>>)
        tpu.yield
      }) : () -> ()
    } else {
    }
    return
  }
}

</mosaic_0001>

<sc_bundles>
// kernel: kernel.3.cloned.1.call-start
scs
__scs_entry_jumppad:
0x0: {  	(pc) =	sbr.rel $0x88, $3  }
0x1: {  	(tag) =	ssettag $0x0;
	lr =	simm.s32 $0x1  }
0x2: {  	[smem:$0x3F9F] =	sst lr;
	_ =	strace $0xD0000000  }
0x3: {  	_ = 	snop  }
0x4: {  	_ = 	snop  }
0x5: {  	_ = 	snop  }
0x6: {  	_ = 	snop  }
0x7: {  	_ = 	snop  }
__scs_overlays_trampoline_lowered:
0x8: {  	[smem:$0x3FAE] =	sst s0  }
0x9: {  	[smem:$0x3FAF] =	sst s1  }
0xa: {  	[smem:$0x3FB0] =	sst s2  }
0xb: {  	[smem:$0x3FB1] =	sst s3  }
0xc: {  	[smem:$0x3FB2] =	sst s4  }
0xd: {  	[smem:$0x3FB3] =	sst s5  }
0xe: {  	[smem:$0x3FB4] =	sst s6  }
0xf: {  	[smem:$0x3FB5] =	sst s7  }
0x10: {  	[smem:$0x3FB6] =	sst s8  }
0x11: {  	[smem:$0x3FB7] =	sst s9;
	s0 =	simm.s32 @!p0 $0x0  }
0x12: {  	s1 =	sld [smem:$0x3F9D];
	s0 =	simm.s32 @p0 $0x1  }
0x13: {  	[smem:$0x3FB8] =	sst s0;
	s0 =	simm.s32 @!p1 $0x0  }
0x14: {  	s2 =	sld [smem:$0x3F9C];
	s0 =	simm.s32 @p1 $0x1  }
0x15: {  	[smem:$0x3FB9] =	sst s0;
	s0 =	simm.s32 @!p2 $0x0  }
0x16: {  	s3 =	sld [smem:$0x3FDB];
	s0 =	simm.s32 @p2 $0x1  }
0x17: {  	s4 =	simm.s32 $0x1BF5;
	[smem:$0x3FBB] =	sst s0  }
0x18: {  	s0 =	sld [smem:$0x3F9E];
	_ =	swait.ge [sflag:s4], $0x0  }
0x19: {  	s7 =	sld [smem:$0x3F9F]  }
0x1a: {  	s8 =	sadd.s32 $0xFFFFE003, lr  }
0x1b: {  	s9 =	sadd.s32 $0xFFFFFEF7, lr;
	s5 =	simm.s32 $0xFFFFFFFF;
	p2 =	slt.u32 s8, $0xFFFFF086  }
0x1c: {  	p1 =	slt.u32 s9, $0xF7A;
	s5 =	simm.s32 @!p2 $0x0  }
0x1d: {  	s5 =	simm.s32 @p1 $0x1;
	p0 =	seq.s32 s7, s2  }
0x1e: {  	s7 =	smul.u32 @!p0 $0xF7A, s2;
	p2 =	seq.s32 @!p0 s5, $0x0  }
0x1f: {  	s9 =	smul.u32 $0xF7A, s1;
	s8 =	simm.s32 @!p0 $0x1BF5;
	p2 =	por !p2, p0  }
0x20: {  	[sflag:s8] =	ssyncset.s32 @!p0 $0xFFFFF086;
	s6 =	sadd.s32 @!p0 s3, s7;
	s7 =	simm.s32 @!p0 $0x108  }
0x21: {  	s3 =	sadd.s32 s3, s9;
	s6 =	sadd.s32 @!p0 $0x88, s6;
	s7 =	simm.s32 @p2 $0x1082  }
0x22: {  	[simem:s7], [sflag:s8] =	dma.local @!p0 [hbm:s6], $0xF7A  }
0x23: {  	s9 =	sor.u32 $0xD0000000, s2;
	s6 =	simm.s32 $0x108;
	_ =	swait.ge @!p0 [sflag:s8], $0x0  }
0x24: {  	s3 =	sadd.s32 $0x88, s3;
	s6 =	simm.s32 @!p1 $0x1082;
	[sflag:s4] =	ssyncset.s32 $0xFFFFF086  }
0x25: {  	[simem:s6], [sflag:s4] =	dma.local [hbm:s3], $0xF7A  }
0x26: {  	[smem:$0x3F9F] =	sst s1;
	(tag) =	ssettag s2;
	_ =	strace s9  }
0x27: {  	s1 =	sld [smem:$0x3FAF]  }
0x28: {  	s2 =	sld [smem:$0x3FB0]  }
0x29: {  	s4 =	sld [smem:$0x3FB2]  }
0x2a: {  	p0 =	seq.s32 s5, $0x0;
	s5 =	sld [smem:$0x3FB3]  }
0x2b: {  	s6 =	sld [smem:$0x3FB4]  }
0x2c: {  	s7 =	sld [smem:$0x3FB5]  }
0x2d: {  	s3 =	simm.s32 $0x108;
	s8 =	sld [smem:$0x3FB6]  }
0x2e: {  	s3 =	simm.s32 @!p0 $0x1082;
	s9 =	sld [smem:$0x3FB7]  }
0x2f: {  	lr =	sadd.s32 s0, s3;
	s0 =	sld [smem:$0x3FAE]  }
0x30: {  	s3 =	sld [smem:$0x3FB1]  }
0x31: {  	[smem:$0x3FBA] =	sst s10  }
0x32: {  	s10 =	sld [smem:$0x3FB8];
	_ =	sdelay $0x3  }
0x33: {  	p0 =	seq.s32 s10, $0x1;
	s10 =	sld [smem:$0x3FBA];
	_ =	sdelay $0x3  }
0x34: {  	[smem:$0x3FBA] =	sst s10  }
0x35: {  	s10 =	sld [smem:$0x3FB9];
	_ =	sdelay $0x3  }
0x36: {  	p1 =	seq.s32 s10, $0x1;
	s10 =	sld [smem:$0x3FBA];
	_ =	sdelay $0x3  }
0x37: {  	[smem:$0x3FBA] =	sst s10  }
0x38: {  	s10 =	sld [smem:$0x3FBB]  }
0x39: {  	_ = 	snop;
	(pc) =	sbr.ind lr, $3  }
0x3a: {  	_ = 	snop  }
0x3b: {  	_ = 	snop  }
0x3c: {  	p2 =	seq.s32 s10, $0x1;
	s10 =	sld [smem:$0x3FBA]  }
0x3d: {  	_ =	shalt  }
0x3e: {  	_ =	shalt  }
0x3f: {  	_ =	shalt  }
0x40: {  	_ =	shalt  }
0x41: {  	_ =	shalt  }
0x42: {  	_ =	shalt  }
0x43: {  	_ =	shalt  }
0x44: {  	_ =	shalt  }
0x45: {  	_ =	shalt  }
0x46: {  	_ =	shalt  }
0x47: {  	_ =	shalt  }
0x48: {  	_ =	shalt  }
0x49: {  	_ =	shalt  }
0x4a: {  	_ =	shalt  }
0x4b: {  	_ =	shalt  }
0x4c: {  	_ =	shalt  }
0x4d: {  	_ =	shalt  }
0x4e: {  	_ =	shalt  }
0x4f: {  	_ =	shalt  }
0x50: {  	_ =	shalt  }
0x51: {  	_ =	shalt  }
0x52: {  	_ =	shalt  }
0x53: {  	_ =	shalt  }
0x54: {  	_ =	shalt  }
0x55: {  	_ =	shalt  }
0x56: {  	_ =	shalt  }
0x57: {  	_ =	shalt  }
0x58: {  	_ =	shalt  }
0x59: {  	_ =	shalt  }
0x5a: {  	_ =	shalt  }
0x5b: {  	_ =	shalt  }
0x5c: {  	_ =	shalt  }
0x5d: {  	_ =	shalt  }
0x5e: {  	_ =	shalt  }
0x5f: {  	_ =	shalt  }
0x60: {  	_ =	shalt  }
0x61: {  	_ =	shalt  }
0x62: {  	_ =	shalt  }
0x63: {  	_ =	shalt  }
0x64: {  	_ =	shalt  }
0x65: {  	_ =	shalt  }
0x66: {  	_ =	shalt  }
0x67: {  	_ =	shalt  }
0x68: {  	_ =	shalt  }
0x69: {  	_ =	shalt  }
0x6a: {  	_ =	shalt  }
0x6b: {  	_ =	shalt  }
0x6c: {  	_ =	shalt  }
0x6d: {  	_ =	shalt  }
0x6e: {  	_ =	shalt  }
0x6f: {  	_ =	shalt  }
0x70: {  	_ =	shalt  }
0x71: {  	_ =	shalt  }
0x72: {  	_ =	shalt  }
0x73: {  	_ =	shalt  }
0x74: {  	_ =	shalt  }
0x75: {  	_ =	shalt  }
0x76: {  	_ =	shalt  }
0x77: {  	_ =	shalt  }
0x78: {  	_ =	shalt  }
0x79: {  	_ =	shalt  }
0x7a: {  	_ =	shalt  }
0x7b: {  	_ =	shalt  }
0x7c: {  	_ =	shalt  }
0x7d: {  	_ =	shalt  }
0x7e: {  	_ =	shalt  }
0x7f: {  	_ =	shalt  }
0x80: {  	_ =	shalt  }
0x81: {  	_ =	shalt  }
0x82: {  	_ =	shalt  }
0x83: {  	_ =	shalt  }
0x84: {  	_ =	shalt  }
0x85: {  	_ =	shalt  }
0x86: {  	_ =	shalt  }
0x87: {  	_ =	shalt  }
.Lfunc_end0:
.L_simem_size_0:
called_computation_lowered:
.L_overlay_start_0:
0x88: {  	s2 =	sld [smem:$0x3FD9]  }
0x89: {  	s3 =	sld [smem:$0x3FFE];
	_ =	sdelay $0x1  }
0x8a: {  	s1 =	srdreg.scid  }
0x8b: {  	s0 =	sand.u32 $0x1, s1  }
0x8c: {  	s17 =	sshll.u32 s0, $0xA;
	s2 =	sadd.s32 s3, s2  }
0x8d: {  	s2 =	sadd.s32 s2, s17  }
0x8e: {  	[smem:$0x3FC6] =	sst s2  }
0x8f: {  	_ = 	snop  }
0x90: {  	s2 =	sld [smem:$0x3FD0];
	(tm) =	ssettm $0x1  }
0x91: {  	s18 =	sld [smem:$0x3FFB];
	_ =	sdelay $0x3  }
0x92: {  	_ =	strace s18  }
0x93: {  	s3 =	sld [smem:$0x3FFC];
	_ =	sdelay $0x3  }
0x94: {  	_ =	strace s3  }
0x95: {  	s3 =	sld [smem:$0x3FFD];
	_ =	sdelay $0x3  }
0x96: {  	_ =	strace s3  }
0x97: {  	_ =	strace $0x8FFFFFFF  }
0x98: {  	s19 =	sld [smem:$0x3FDB];
	_ =	sdelay $0x1  }
0x99: {  	s4 =	simm.s32 $_scs_section_size  }
0x9a: {  	s5 =	simm.s32 $_size__tile_overlayer_lowered;
	s6 =	simm.s32 $_tile_overlayer_lowered  }
0x9b: {  	s22 =	simm.s32 $0x1BFF;
	s21 =	sshll.u32 s6, $0x1;
	s3 =	sadd.s32 s4, s19  }
0x9c: {  	s7 =	simm.s32 $0x0;
	s20 =	sshll.u32 s5, $0x1;
	s5 =	sadd.s32 s21, s3  }
0x9d: {  	[timem:s7], [sflag:s22] =	dma.local [hbm:s5], s20  }
0x9e: {  	_ =	swait.ge [sflag:s22], s20  }
0x9f: {  	s4 =	ssub.s32 $0x0, s20;
	[sflag:s22] =	ssyncset.done $0x0  }
0xa0: {  	[sflag:s22] =	ssyncadd.s32 s4;
	_ =	sdelay $0x1  }
0xa1: {  	s23 =	simm.s32 $0x1B8B  }
0xa2: {  	_ =	swait.ge [sflag:s23], $0x1  }
0xa3: {  	[sflag:s23] =	ssyncset.done $0x0  }
0xa4: {  	s25 =	simm.s32 $0x1B8E;
	s24 =	sld [smem:$0x3FFE];
	[sflag:s23] =	ssyncadd.s32 $0xFFFFFFFF  }
0xa5: {  	s26 =	simm.s32 $execute0_lowered;
	[smem:$0x3FD2] =	sst s25  }
0xa6: {  	s5 =	sshll.u32 s26, $0x1;
	_ =	strace $0x80000046;
	[dreg:$0x1] =	wrdreg $0xFFFFFFFF  }
0xa7: {  	s28 =	simm.s32 $_size_execute0_lowered;
	s3 =	sadd.s32 s3, s5;
	[dreg:$0x0] =	wrdreg $0x0  }
0xa8: {  	s5 =	sshll.u32 s28, $0x1;
	[dreg:$0x2] =	wrdreg s3  }
0xa9: {  	[dreg:$0x3] =	wrdreg s5  }
0xaa: {  	[dreg:$0x4] =	wrdreg $0xC0  }
0xab: {  	_ =	task [dreg:s7], $0x5FFFF  }
0xac: {  	[dreg:$0x1] =	wrdreg $0xFFFFFFFF  }
0xad: {  	[dreg:$0x0] =	wrdreg $0x60  }
0xae: {  	[dreg:$0x2] =	wrdreg s24  }
0xaf: {  	[dreg:$0x3] =	wrdreg s2  }
0xb0: {  	[dreg:$0x4] =	wrdreg $0x0  }
0xb1: {  	[dreg:$0x5] =	wrdreg $0x9E000  }
0xb2: {  	[dreg:$0x6] =	wrdreg $0x9  }
0xb3: {  	_ =	task.clear_ibuf [dreg:s7], $0x7FFFF;
	_ =	strace $0x90000046  }
0xb4: {  	s29 =	simm.s32 $0x9;
	_ =	strace $0x80000048  }
0xb5: {  	_ =	swait.ge [sflag:s29], $0x1  }
0xb6: {  	[sflag:s29] =	ssyncadd.s32 $0xFFFFFFFF  }
0xb7: {  	_ =	strace $0x90000048  }
0xb8: {  	_ =	sfence  }
0xb9: {  	s30 =	sld [smem:$0x0];
	_ =	sdelay $0x2  }
0xba: {  	s31 =	sshll.u32 s1, $0xD;
	s1 =	sshrl.u32 s1, $0x2  }
0xbb: {  	s3 =	sand.u32 $0x4000, s31;
	s1 =	sadd.s32 s1, s30  }
0xbc: {  	s0 =	sor.u32 s3, s0;
	s1 =	sshll.u32 s1, $0x11  }
0xbd: {  	s0 =	sor.u32 s1, s0  }
0xbe: {  	s0 =	sadd.s32 $0x8F2B, s0  }
0xbf: {  	[sflag:s0] =	ssyncadd.remote.s32 $0x1  }
0xc0: {  	_ =	sfence.sel $0xFFFF  }
0xc1: {  	[dreg:$0x0] =	wrdreg $0xFFFFFFFF;
	(pc) =	sbr.abs _section_cstart, $3  }
0xc2: {  	[dreg:$0x1] =	wrdreg $0xFFFFFFFF  }
0xc3: {  	_ =	task.clear_ibuf [dreg:s7], $0x2FFFF;
	_ =	strace $0x9FFFFFFF  }
0xc4: {  	(tm) =	ssettm $0x7FFFFFFF  }
0xc5: {  	_ =	shalt  }
tec
execute0_lowered:
.L_overlay_start_1:
0x0: {  	(tag) =	ssettag $0x1  }
0x1: {  	s0 =	rddreg [dreg:$0x0]  }
0x2: {  	s2 =	rddreg [dreg:$0x1]  }
0x3: {  	s1 =	rddreg [dreg:$0x2]  }
0x4: {  	s3 =	rddreg [dreg:$0x3];
	s15 =	simm.s32 $0x0;
	s11 =	stileid.u32  }
0x5: {  	s5 =	srdreg.scid;
	s28 =	simm.s32 $0x13B40;
	s30 =	simm.s32 $0x2  }
0x6: {  	s31 =	simm.s32 $0x8;
	[smem:$0x7FF] =	sst s15;
	s4 =	smul.u32 $0x9E00, s11  }
0x7: {  	s12 =	sadd.s32 $0x14200, s0;
	s5 =	sand.u32 $0x1, s5;
	s29 =	sadd.s32 $0x800, s0  }
0x8: {  	s7 =	sadd.s32 $0x27C00, s0;
	s18 =	sshll.u32 s11, $0x6;
	s20 =	smul.u32 $0x4E00, s11  }
0x9: {  	s19 =	sshll.u32 s11, $0x4;
	s10 =	sadd.s32 $0x13040, s0;
	s21 =	smul.u32 $0x9C0, s11  }
0xa: {  	s23 =	smul.u32 $0x13C00, s11;
	p1 =	seq.s32 s11, $0xF;
	p3 =	sgt.u32 s11, $0x3  }
0xb: {  	_ =	strace $0x80000047;
	s6 =	ssub.s32 $0x2, s5;
	[dreg:$0xd] =	wrdreg s10  }
0xc: {  	s25 =	sor.u32 $0x1C11, s18;
	p2 =	seq.s32 s5, $0x0;
	[dreg:$0x8] =	wrdreg s29  }
0xd: {  	s24 =	sshll.u32 s5, $0x6;
	p0 =	sne.s32 s5, $0x0;
	[dreg:$0x7] =	wrdreg s12  }
0xe: {  	s8 =	sshrl.u32 s4, $0x3;
	s9 =	sshrl.u32 s6, $0x1;
	s13 =	sadd.s32 s4, s1  }
0xf: {  	s4 =	sadd.s32 s4, s3;
	s22 =	sshrl.u32 s20, $0x3;
	[dreg:$0xc] =	wrdreg s25  }
0x10: {  	s10 =	sadd.s32 s7, s21;
	s14 =	sor.u32 s24, s23;
	[dreg:$0x9] =	wrdreg s8  }
0x11: {  	s8 =	sadd.s32 s8, s0;
	s0 =	sadd.s32 $0x26A40, s0;
	[dreg:$0x5] =	wrdreg s10  }
0x12: {  	s29 =	smov.u32 @p2 s12;
	s4 =	sshrl.u32 s4, $0x3;
	[dreg:$0xf] =	wrdreg s0  }
0x13: {  	s6 =	ssub.s32 s6, s9;
	s9 =	smov.u32 s13;
	[dreg:$0x1e] =	wrdreg s4  }
0x14: {  	s8 =	sadd.s32 $0x3B600, s8;
	s0 =	sadd.s32 s7, s22;
	[dreg:$0xa] =	wrdreg s9  }
0x15: {  	p2 =	sne.s32 s11, $0xF;
	[dreg:$0xb] =	wrdreg s8;
	s26 =	sadd.s32 $0x40, s0  }
0x16: {  	s12 =	simm.s32 $0x3;
	s16 =	sadd.s32 $0x50, s0;
	[dreg:$0x10] =	wrdreg s26  }
0x17: {  	s11 =	simm.s32 $0x6;
	s17 =	sadd.s32 $0x60, s0;
	[dreg:$0x11] =	wrdreg s16  }
0x18: {  	s4 =	simm.s32 $0x5;
	s18 =	sadd.s32 $0x70, s0;
	[dreg:$0x12] =	wrdreg s17  }
0x19: {  	s8 =	sadd.s32 s19, s7;
	s20 =	sadd.s32 $0x80, s0;
	[dreg:$0x13] =	wrdreg s18  }
0x1a: {  	s7 =	sshrl.u32 s14, $0x3;
	s21 =	sadd.s32 $0x90, s0;
	[dreg:$0x15] =	wrdreg s20  }
0x1b: {  	s19 =	sshll.u32 s5, $0x3;
	s22 =	sadd.s32 $0xA0, s0;
	[dreg:$0x16] =	wrdreg s21  }
0x1c: {  	s23 =	sadd.s32 $0xB0, s0;
	s24 =	sadd.s32 $0xC0, s0;
	[dreg:$0x17] =	wrdreg s22  }
0x1d: {  	s0 =	sadd.s32 $0xD0, s0;
	s5 =	sadd.s32 $0x94200, s3;
	[dreg:$0x18] =	wrdreg s23  }
0x1e: {  	s14 =	simm.s32 $0x7;
	s3 =	simm.s32 $0x10;
	[dreg:$0x19] =	wrdreg s24  }
0x1f: {  	s8 =	sadd.s32 $0x9C00, s8;
	s7 =	sadd.s32 s2, s7;
	[dreg:$0x1a] =	wrdreg s0  }
0x20: {  	s2 =	sadd.s32 s19, s2;
	s0 =	sadd.s32 $0x94200, s1;
	[dreg:$0x1f] =	wrdreg s5  }
0x21: {  	s16 =	simm.s32 $0x11;
	s5 =	simm.s32 $0x4E200;
	s17 =	simm.s32 $0x9  }
0x22: {  	s19 =	simm.s32 $0x14240;
	s20 =	simm.s32 $0xA;
	[dreg:$0xe] =	wrdreg s8  }
0x23: {  	s22 =	simm.s32 $0x16240;
	[dreg:$0x14] =	wrdreg s7;
	s26 =	sadd.s32 $0x25080, s2  }
0x24: {  	s23 =	simm.s32 $0x1;
	s2 =	smax.u32 s6, $0x1;
	[dreg:$0x1b] =	wrdreg s26  }
0x25: {  	s24 =	simm.s32 $0xD;
	s0 =	sshrl.u32 @p1 s0, $0x3;
	[dreg:$0x1c] =	wrdreg s2  }
0x26: {  	s21 =	simm.s32 $0x4;
	s6 =	sadd.s32 $0x10, s10;
	[dreg:$0x1d] =	wrdreg s0  }
0x27: {  	s18 =	simm.s32 $0xE;
	s7 =	sadd.s32 $0x20, s10;
	[smem:$0x7FB] =	sst s6  }
0x28: {  	s8 =	sadd.s32 $0x30, s10;
	s10 =	simm.s32 $0xC;
	[smem:$0x7FC] =	sst s7  }
0x29: {  	[smem:$0x7FD] =	sst s8;
	s7 =	simm.s32 $0x80;
	s8 =	simm.s32 $0x13C40  }
0x2a: {  	s2 =	simm.s32 $0xB;
	s26 =	simm.s32 $0x18240;
	s6 =	simm.s32 $0xF  }
.LBB2_1:
.Ltmp0:
0x2b: {  	s0 =	sshrl.u32 s13, $0x3;
	s9 =	rddreg [dreg:$0xb];
	(pc) =	sbr.rel @p0 .LBB2_4-.Ltmp0, $4  }
0x2c: {  	[spmem:s0], [sflag:s25] =	dma.local [hbm:s9], $0x13C0  }
0x2d: {  	_ =	swait.ge [sflag:s16], $0x13C0  }
0x2e: {  	[sflag:s16] =	ssyncset.done $0x0  }
0x2f: {  	s13 =	smov.u32 s25;
	[sflag:s16] =	ssyncadd.s32 $0xFFFFEC40  }
.Ltmp1:
0x30: {  	(pc) =	sbr.rel @p2 .LBB2_6-.Ltmp1, $3  }
0x31: {  	_ =	sdelay $0x1  }
0x32: {  	s0 =	rddreg [dreg:$0x7]  }
0x33: {  	s25 =	rddreg [dreg:$0x3]  }
0x34: {  	s0 =	rddreg [dreg:$0x1f]  }
0x35: {  	s9 =	rddreg [dreg:$0xf];
	s0 =	sshrl.u32 s0, $0x3  }
0x36: {  	[spmem:s0], [sflag:s13] =	dma.local [hbm:s9], $0x1040  }
.Ltmp2:
0x37: {  	_ =	swait.ge [sflag:s16], $0x1040;
	(pc) =	sbr.rel .LBB2_7-.Ltmp2, $3  }
0x38: {  	[sflag:s16] =	ssyncset.done $0x0  }
0x39: {  	[sflag:s16] =	ssyncadd.s32 $0xFFFFEFC0  }
0x3a: {  	[bflag:$0x0] =	sbarrier.arrive $0xFFFF;
	_ =	sdelay $0x1  }
.LBB2_4:
.Ltmp3:
0x3b: {  	(pc) =	sbr.rel @p2 .LBB2_6-.Ltmp3, $3  }
0x3c: {  	_ =	sdelay $0x1  }
0x3d: {  	s0 =	rddreg [dreg:$0x8]  }
0x3e: {  	s25 =	rddreg [dreg:$0x3]  }
0x3f: {  	s0 =	rddreg [dreg:$0x1f]  }
0x40: {  	s9 =	rddreg [dreg:$0xd];
	s0 =	sshrl.u32 s0, $0x3  }
0x41: {  	[spmem:s0], [sflag:s13] =	dma.local [hbm:s9], $0x1040  }
.Ltmp4:
0x42: {  	_ =	swait.ge [sflag:s16], $0x1040;
	(pc) =	sbr.rel .LBB2_7-.Ltmp4, $3  }
0x43: {  	[sflag:s16] =	ssyncset.done $0x0  }
0x44: {  	[sflag:s16] =	ssyncadd.s32 $0xFFFFEFC0  }
0x45: {  	[bflag:$0x0] =	sbarrier.arrive $0xFFFF;
	_ =	sdelay $0x1  }
.LBB2_6:
0x46: {  	s9 =	rddreg [dreg:$0x9]  }
0x47: {  	s0 =	sadd.s32 s0, s9;
	s9 =	rddreg [dreg:$0x1e]  }
0x48: {  	[spmem:s9], [sflag:s13] =	dma.local [hbm:s0], $0x13C0  }
0x49: {  	_ =	swait.ge [sflag:s16], $0x13C0  }
0x4a: {  	[sflag:s16] =	ssyncset.done $0x0  }
0x4b: {  	[sflag:s16] =	ssyncadd.s32 $0xFFFFEC40  }
0x4c: {  	s9 =	simm.s32 @!p3 $0x80;
	[bflag:$0x0] =	sbarrier.arrive $0xFFFF  }
0x4d: {  	s13 =	simm.s32 @!p3 $0x13A40;
	s16 =	simm.s32 @!p3 $0x4E200;
	s0 =	rddreg [dreg:$0xe]  }
0x4e: {  	[tilespmem:s13], [sflag:$0x9] =	stream.strided.gather @!p3 [hbm4b:s0+s9], $0x100, s16, s9, $0x38;
	[tilespmem:$0x1C240] =	vst v63  }
0x4f: {  	s0 =	simm.s32 @!p3 $0x9  }
0x50: {  	_ =	swait.ge @!p3 [sflag:s0], $0x100  }
0x51: {  	[sflag:s0] =	ssyncset.done @!p3 $0x0  }
0x52: {  	s16 =	simm.s32 @!p3 $0x14240;
	[sflag:s0] =	ssyncadd.s32 @!p3 $0xFFFFFF00;
	s0 =	simm.s32 @!p3 $0x13AC0  }
0x53: {  	[tilespmem:s16], [sflag:$0x1] =	stream.indirect.gather @!p3 [spmem:s25], $0x40, s0, s9, $0xb8;
	[tilespmem:$0x1C240] =	vst v63  }
0x54: {  	s0 =	simm.s32 @!p3 $0x1  }
0x55: {  	_ =	swait.ge @!p3 [sflag:s0], $0x2000  }
0x56: {  	[sflag:s0] =	ssyncset.done @!p3 $0x0  }
0x57: {  	[sflag:s0] =	ssyncadd.s32 @!p3 $0xFFFFE000;
	s0 =	simm.s32 @!p3 $0x11  }
0x58: {  	[spmem:s1] =	stream.indirect.scatter.add.f32 @!p3 [tilespmem:s16], [sflag:$0x11], $0x40, s13, s9, $0xb8;
	[tilespmem:$0x1C240] =	vst v63  }
0x59: {  	_ =	swait.ge @!p3 [sflag:s0], $0x2000  }
0x5a: {  	[sflag:s0] =	ssyncset.done @!p3 $0x0  }
0x5b: {  	[sflag:s0] =	ssyncadd.s32 @!p3 $0xFFFFE000  }
.LBB2_7:
0x5c: {  	[dreg:$0x6] =	wrdreg s15  }
0x5d: {  	s9 =	rddreg [dreg:$0x5]  }
0x5e: {  	s15 =	simm.s32 $0x13A40;
	s0 =	sld [smem:$0x7FB]  }
0x5f: {  	[tilespmem:s15], [sflag:$0x9] =	stream.strided.gather [hbm4b:s9+s7], $0x100, s5, s7, $0x38;
	[tilespmem:$0x1C240] =	vst v63  }
0x60: {  	s16 =	sld [smem:$0x7FC]  }
0x61: {  	[tilespmem:s28], [sflag:$0xA] =	stream.strided.gather [hbm4b:s0+s7], $0x100, s5, s7, $0x38;
	[tilespmem:$0x1C240] =	vst v63  }
0x62: {  	s13 =	sld [smem:$0x7FD]  }
0x63: {  	[tilespmem:s8], [sflag:$0xB] =	stream.strided.gather [hbm4b:s16+s7], $0x100, s5, s7, $0x38;
	[tilespmem:$0x1C240] =	vst v63  }
0x64: {  	s16 =	simm.s32 $0x13D40  }
0x65: {  	[tilespmem:s16], [sflag:$0xC] =	stream.strided.gather [hbm4b:s13+s7], $0x100, s5, s7, $0x38;
	[tilespmem:$0x1C240] =	vst v63  }
0x66: {  	s16 =	rddreg [dreg:$0x10];
	s13 =	simm.s32 $0x13E40  }
0x67: {  	[tilespmem:s13], [sflag:$0xD] =	stream.strided.gather [hbm4b:s16+s7], $0x100, s5, s7, $0x38;
	[tilespmem:$0x1C240] =	vst v63  }
0x68: {  	s16 =	rddreg [dreg:$0x11];
	s13 =	simm.s32 $0x13F40  }
0x69: {  	[tilespmem:s13], [sflag:$0xE] =	stream.strided.gather [hbm4b:s16+s7], $0x100, s5, s7, $0x38;
	[tilespmem:$0x1C240] =	vst v63  }
0x6a: {  	_ =	swait.ge [sflag:s17], $0x100  }
0x6b: {  	[sflag:s17] =	ssyncset.done $0x0  }
0x6c: {  	s13 =	simm.s32 $0x13AC0;
	[sflag:s17] =	ssyncadd.s32 $0xFFFFFF00  }
0x6d: {  	[tilespmem:s19], [sflag:$0x1] =	stream.indirect.gather [spmem:s25], $0x40, s13, s7, $0xb8;
	[tilespmem:$0x1C240] =	vst v63  }
0x6e: {  	_ =	swait.ge [sflag:s20], $0x100  }
0x6f: {  	[sflag:s20] =	ssyncset.done $0x0  }
0x70: {  	s16 =	simm.s32 $0x13BC0;
	[sflag:s20] =	ssyncadd.s32 $0xFFFFFF00  }
0x71: {  	[tilespmem:s22], [sflag:$0x2] =	stream.indirect.gather [hbm4b:s29+s7], $0x40, s16, s7, $0xb8;
	[tilespmem:$0x1C240] =	vst v63  }
0x72: {  	_ =	swait.ge [sflag:s23], $0x2000  }
0x73: {  	[sflag:s23] =	ssyncset.done $0x0  }
0x74: {  	[sflag:s23] =	ssyncadd.s32 $0xFFFFE000  }
0x75: {  	[spmem:s1] =	stream.indirect.scatter.add.f32 [tilespmem:s19], [sflag:$0x5], $0x40, s15, s7, $0xb8;
	[tilespmem:$0x1C240] =	vst v63  }
0x76: {  	_ =	swait.ge [sflag:s2], $0x100  }
0x77: {  	[sflag:s2] =	ssyncset.done $0x0  }
0x78: {  	s13 =	simm.s32 $0x13CC0;
	[sflag:s2] =	ssyncadd.s32 $0xFFFFFF00  }
0x79: {  	[tilespmem:s26], [sflag:$0x3] =	stream.indirect.gather [spmem:s25], $0x40, s13, s7, $0xb8;
	[tilespmem:$0x1C240] =	vst v63  }
0x7a: {  	s16 =	rddreg [dreg:$0x12];
	s13 =	simm.s32 $0x14040  }
0x7b: {  	[tilespmem:s13], [sflag:$0xF] =	stream.strided.gather [hbm4b:s16+s7], $0x100, s5, s7, $0x38;
	[tilespmem:$0x1C240] =	vst v63  }
0x7c: {  	_ =	swait.ge [sflag:s30], $0x2000  }
0x7d: {  	[sflag:s30] =	ssyncset.done $0x0  }
0x7e: {  	[sflag:s30] =	ssyncadd.s32 $0xFFFFE000  }
0x7f: {  	[spmem:s1] =	stream.indirect.scatter.add.f32 [tilespmem:s22], [sflag:$0x6], $0x40, s28, s7, $0xb8;
	[tilespmem:$0x1C240] =	vst v63  }
0x80: {  	_ =	swait.ge [sflag:s10], $0x100  }
0x81: {  	[sflag:s10] =	ssyncset.done $0x0  }
0x82: {  	s16 =	simm.s32 $0x13DC0;
	s13 =	simm.s32 $0x1A240;
	[sflag:s10] =	ssyncadd.s32 $0xFFFFFF00  }
0x83: {  	[tilespmem:s13], [sflag:$0x4] =	stream.indirect.gather [hbm4b:s29+s7], $0x40, s16, s7, $0xb8;
	[tilespmem:$0x1C240] =	vst v63  }
0x84: {  	s10 =	rddreg [dreg:$0x13];
	s16 =	simm.s32 $0x14140  }
0x85: {  	[tilespmem:s16], [sflag:$0x10] =	stream.strided.gather [hbm4b:s10+s7], $0x100, s5, s7, $0x38;
	[tilespmem:$0x1C240] =	vst v63  }
0x86: {  	_ =	swait.ge [sflag:s12], $0x2000  }
0x87: {  	[sflag:s12] =	ssyncset.done $0x0  }
0x88: {  	[sflag:s12] =	ssyncadd.s32 $0xFFFFE000  }
0x89: {  	[spmem:s1] =	stream.indirect.scatter.add.f32 [tilespmem:s26], [sflag:$0x7], $0x40, s8, s7, $0xb8;
	[tilespmem:$0x1C240] =	vst v63  }
0x8a: {  	_ =	swait.ge [sflag:s24], $0x100  }
0x8b: {  	[sflag:s24] =	ssyncset.done $0x0  }
0x8c: {  	[sflag:s24] =	ssyncadd.s32 $0xFFFFFF00  }
0x8d: {  	_ =	swait.ge [sflag:s4], $0x2000  }
0x8e: {  	[sflag:s4] =	ssyncset.done $0x0  }
0x8f: {  	s24 =	simm.s32 $0x13EC0;
	[sflag:s4] =	ssyncadd.s32 $0xFFFFE000  }
0x90: {  	[tilespmem:s19], [sflag:$0x1] =	stream.indirect.gather [spmem:s25], $0x40, s24, s7, $0xb8;
	[tilespmem:$0x1C240] =	vst v63  }
0x91: {  	s10 =	rddreg [dreg:$0x15]  }
0x92: {  	[tilespmem:s15], [sflag:$0x9] =	stream.strided.gather [hbm4b:s10+s7], $0x100, s5, s7, $0x38;
	[tilespmem:$0x1C240] =	vst v63  }
0x93: {  	_ =	swait.ge [sflag:s21], $0x2000  }
0x94: {  	[sflag:s21] =	ssyncset.done $0x0  }
0x95: {  	s10 =	simm.s32 $0x13D40;
	[sflag:s21] =	ssyncadd.s32 $0xFFFFE000  }
0x96: {  	[spmem:s1] =	stream.indirect.scatter.add.f32 [tilespmem:s13], [sflag:$0x8], $0x40, s10, s7, $0xb8;
	[tilespmem:$0x1C240] =	vst v63  }
0x97: {  	_ =	swait.ge [sflag:s18], $0x100  }
0x98: {  	[sflag:s18] =	ssyncset.done $0x0  }
0x99: {  	[sflag:s18] =	ssyncadd.s32 $0xFFFFFF00  }
0x9a: {  	_ =	swait.ge [sflag:s11], $0x2000  }
0x9b: {  	[sflag:s11] =	ssyncset.done $0x0  }
0x9c: {  	s16 =	simm.s32 $0x13FC0;
	[sflag:s11] =	ssyncadd.s32 $0xFFFFE000  }
0x9d: {  	[tilespmem:s22], [sflag:$0x2] =	stream.indirect.gather [hbm4b:s29+s7], $0x40, s16, s7, $0xb8;
	[tilespmem:$0x1C240] =	vst v63  }
0x9e: {  	s18 =	rddreg [dreg:$0x16]  }
0x9f: {  	[tilespmem:s28], [sflag:$0xA] =	stream.strided.gather [hbm4b:s18+s7], $0x100, s5, s7, $0x38;
	[tilespmem:$0x1C240] =	vst v63  }
0xa0: {  	_ =	swait.ge [sflag:s23], $0x2000  }
0xa1: {  	[sflag:s23] =	ssyncset.done $0x0  }
0xa2: {  	s16 =	simm.s32 $0x13E40;
	[sflag:s23] =	ssyncadd.s32 $0xFFFFE000  }
0xa3: {  	[spmem:s1] =	stream.indirect.scatter.add.f32 [tilespmem:s19], [sflag:$0x5], $0x40, s16, s7, $0xb8;
	[tilespmem:$0x1C240] =	vst v63  }
0xa4: {  	_ =	swait.ge [sflag:s6], $0x100  }
0xa5: {  	[sflag:s6] =	ssyncset.done $0x0  }
0xa6: {  	[sflag:s6] =	ssyncadd.s32 $0xFFFFFF00  }
0xa7: {  	_ =	swait.ge [sflag:s14], $0x2000  }
0xa8: {  	[sflag:s14] =	ssyncset.done $0x0  }
0xa9: {  	s24 =	simm.s32 $0x140C0;
	[sflag:s14] =	ssyncadd.s32 $0xFFFFE000  }
0xaa: {  	[tilespmem:s26], [sflag:$0x3] =	stream.indirect.gather [spmem:s25], $0x40, s24, s7, $0xb8;
	[tilespmem:$0x1C240] =	vst v63  }
0xab: {  	s6 =	rddreg [dreg:$0x17]  }
0xac: {  	[tilespmem:s8], [sflag:$0xB] =	stream.strided.gather [hbm4b:s6+s7], $0x100, s5, s7, $0x38;
	[tilespmem:$0x1C240] =	vst v63  }
0xad: {  	_ =	swait.ge [sflag:s30], $0x2000  }
0xae: {  	[sflag:s30] =	ssyncset.done $0x0  }
0xaf: {  	s6 =	simm.s32 $0x13F40;
	[sflag:s30] =	ssyncadd.s32 $0xFFFFE000  }
0xb0: {  	[spmem:s1] =	stream.indirect.scatter.add.f32 [tilespmem:s22], [sflag:$0x6], $0x40, s6, s7, $0xb8;
	[tilespmem:$0x1C240] =	vst v63  }
0xb1: {  	_ =	swait.ge [sflag:s3], $0x100  }
0xb2: {  	[sflag:s3] =	ssyncset.done $0x0  }
0xb3: {  	[sflag:s3] =	ssyncadd.s32 $0xFFFFFF00  }
0xb4: {  	_ =	swait.ge [sflag:s31], $0x2000  }
0xb5: {  	[sflag:s31] =	ssyncset.done $0x0  }
0xb6: {  	s18 =	simm.s32 $0x141C0;
	[sflag:s31] =	ssyncadd.s32 $0xFFFFE000  }
0xb7: {  	[tilespmem:s13], [sflag:$0x4] =	stream.indirect.gather [hbm4b:s29+s7], $0x40, s18, s7, $0xb8;
	[tilespmem:$0x1C240] =	vst v63  }
0xb8: {  	s24 =	rddreg [dreg:$0x18]  }
0xb9: {  	[tilespmem:s10], [sflag:$0xC] =	stream.strided.gather [hbm4b:s24+s7], $0x100, s5, s7, $0x38;
	[tilespmem:$0x1C240] =	vst v63  }
0xba: {  	_ =	swait.ge [sflag:s12], $0x2000  }
0xbb: {  	[sflag:s12] =	ssyncset.done $0x0  }
0xbc: {  	s18 =	simm.s32 $0x14040;
	[sflag:s12] =	ssyncadd.s32 $0xFFFFE000  }
0xbd: {  	[spmem:s1] =	stream.indirect.scatter.add.f32 [tilespmem:s26], [sflag:$0x7], $0x40, s18, s7, $0xb8;
	[tilespmem:$0x1C240] =	vst v63  }
0xbe: {  	_ =	swait.ge [sflag:s17], $0x100  }
0xbf: {  	[sflag:s17] =	ssyncset.done $0x0  }
0xc0: {  	[sflag:s17] =	ssyncadd.s32 $0xFFFFFF00  }
0xc1: {  	_ =	swait.ge [sflag:s4], $0x2000  }
0xc2: {  	[sflag:s4] =	ssyncset.done $0x0  }
0xc3: {  	s3 =	simm.s32 $0x13AC0;
	[sflag:s4] =	ssyncadd.s32 $0xFFFFE000  }
0xc4: {  	[tilespmem:s19], [sflag:$0x1] =	stream.indirect.gather [spmem:s25], $0x40, s3, s7, $0xb8;
	[tilespmem:$0x1C240] =	vst v63  }
0xc5: {  	s10 =	rddreg [dreg:$0x19]  }
0xc6: {  	[tilespmem:s16], [sflag:$0xD] =	stream.strided.gather [hbm4b:s10+s7], $0x100, s5, s7, $0x38;
	[tilespmem:$0x1C240] =	vst v63  }
0xc7: {  	_ =	swait.ge [sflag:s21], $0x2000  }
0xc8: {  	[sflag:s21] =	ssyncset.done $0x0  }
0xc9: {  	s16 =	simm.s32 $0x14140;
	[sflag:s21] =	ssyncadd.s32 $0xFFFFE000  }
0xca: {  	[spmem:s1] =	stream.indirect.scatter.add.f32 [tilespmem:s13], [sflag:$0x8], $0x40, s16, s7, $0xb8;
	[tilespmem:$0x1C240] =	vst v63  }
0xcb: {  	_ =	swait.ge [sflag:s20], $0x100  }
0xcc: {  	[sflag:s20] =	ssyncset.done $0x0  }
0xcd: {  	[sflag:s20] =	ssyncadd.s32 $0xFFFFFF00  }
0xce: {  	_ =	swait.ge [sflag:s11], $0x2000  }
0xcf: {  	[sflag:s11] =	ssyncset.done $0x0  }
0xd0: {  	s20 =	simm.s32 $0x13BC0;
	[sflag:s11] =	ssyncadd.s32 $0xFFFFE000  }
0xd1: {  	[tilespmem:s22], [sflag:$0x2] =	stream.indirect.gather [hbm4b:s29+s7], $0x40, s20, s7, $0xb8;
	[tilespmem:$0x1C240] =	vst v63  }
0xd2: {  	s24 =	rddreg [dreg:$0x1a]  }
0xd3: {  	[tilespmem:s6], [sflag:$0xE] =	stream.strided.gather [hbm4b:s24+s7], $0x100, s5, s7, $0x38;
	[tilespmem:$0x1C240] =	vst v63  }
0xd4: {  	_ =	swait.ge [sflag:s23], $0x2000  }
0xd5: {  	[sflag:s23] =	ssyncset.done $0x0  }
0xd6: {  	[sflag:s23] =	ssyncadd.s32 $0xFFFFE000  }
0xd7: {  	[spmem:s1] =	stream.indirect.scatter.add.f32 [tilespmem:s19], [sflag:$0x5], $0x40, s15, s7, $0xb8;
	[tilespmem:$0x1C240] =	vst v63  }
0xd8: {  	_ =	swait.ge [sflag:s2], $0x100  }
0xd9: {  	[sflag:s2] =	ssyncset.done $0x0  }
0xda: {  	[sflag:s2] =	ssyncadd.s32 $0xFFFFFF00  }
0xdb: {  	_ =	swait.ge [sflag:s14], $0x2000  }
0xdc: {  	s9 =	sadd.s32 $0x0, s9;
	[sflag:s14] =	ssyncset.done $0x0  }
0xdd: {  	s0 =	simm.s32 $0x13CC0;
	s20 =	smov.u32 s25;
	[sflag:s14] =	ssyncadd.s32 $0xFFFFE000  }
0xde: {  	[tilespmem:s26], [sflag:$0x3] =	stream.indirect.gather [spmem:s20], $0x40, s0, s7, $0xb8;
	[tilespmem:$0x1C240] =	vst v63  }
0xdf: {  	s0 =	sadd.s32 $0xE0, s9  }
0xe0: {  	[tilespmem:s18], [sflag:$0xF] =	stream.strided.gather [hbm4b:s0+s7], $0x100, s5, s7, $0x38;
	[tilespmem:$0x1C240] =	vst v63  }
0xe1: {  	_ =	swait.ge [sflag:s30], $0x2000  }
0xe2: {  	[sflag:s30] =	ssyncset.done $0x0  }
0xe3: {  	s2 =	simm.s32 $0xC;
	[sflag:s30] =	ssyncadd.s32 $0xFFFFE000  }
0xe4: {  	[spmem:s1] =	stream.indirect.scatter.add.f32 [tilespmem:s22], [sflag:$0x6], $0x40, s28, s7, $0xb8;
	[tilespmem:$0x1C240] =	vst v63  }
0xe5: {  	_ =	swait.ge [sflag:s2], $0x100  }
0xe6: {  	[sflag:s2] =	ssyncset.done $0x0  }
0xe7: {  	[sflag:s2] =	ssyncadd.s32 $0xFFFFFF00  }
0xe8: {  	_ =	swait.ge [sflag:s31], $0x2000  }
0xe9: {  	[sflag:s31] =	ssyncset.done $0x0  }
0xea: {  	s2 =	simm.s32 $0x13DC0;
	[sflag:s31] =	ssyncadd.s32 $0xFFFFE000  }
0xeb: {  	[tilespmem:s13], [sflag:$0x4] =	stream.indirect.gather [hbm4b:s29+s7], $0x40, s2, s7, $0xb8;
	[tilespmem:$0x1C240] =	vst v63  }
0xec: {  	s2 =	sadd.s32 $0xF0, s9  }
0xed: {  	[tilespmem:s16], [sflag:$0x10] =	stream.strided.gather [hbm4b:s2+s7], $0x100, s5, s7, $0x38;
	[tilespmem:$0x1C240] =	vst v63  }
0xee: {  	_ =	swait.ge [sflag:s12], $0x2000  }
0xef: {  	[sflag:s12] =	ssyncset.done $0x0  }
0xf0: {  	s25 =	simm.s32 $0xD;
	[sflag:s12] =	ssyncadd.s32 $0xFFFFE000  }
0xf1: {  	[spmem:s1] =	stream.indirect.scatter.add.f32 [tilespmem:s26], [sflag:$0x7], $0x40, s8, s7, $0xb8;
	[tilespmem:$0x1C240] =	vst v63  }
0xf2: {  	_ =	swait.ge [sflag:s25], $0x100  }
0xf3: {  	[sflag:s25] =	ssyncset.done $0x0  }
0xf4: {  	[sflag:s25] =	ssyncadd.s32 $0xFFFFFF00  }
0xf5: {  	_ =	swait.ge [sflag:s4], $0x2000  }
0xf6: {  	[sflag:s4] =	ssyncset.done $0x0  }
0xf7: {  	s25 =	simm.s32 $0x13EC0;
	[sflag:s4] =	ssyncadd.s32 $0xFFFFE000  }
0xf8: {  	[tilespmem:s19], [sflag:$0x1] =	stream.indirect.gather [spmem:s20], $0x40, s25, s7, $0xb8;
	[tilespmem:$0x1C240] =	vst v63  }
0xf9: {  	s16 =	sadd.s32 $0x100, s9  }
0xfa: {  	[tilespmem:s15], [sflag:$0x9] =	stream.strided.gather [hbm4b:s16+s7], $0x100, s5, s7, $0x38;
	[tilespmem:$0x1C240] =	vst v63  }
0xfb: {  	_ =	swait.ge [sflag:s21], $0x2000  }
0xfc: {  	[sflag:s21] =	ssyncset.done $0x0  }
0xfd: {  	s10 =	simm.s32 $0xE;
	s16 =	simm.s32 $0x13D40;
	[sflag:s21] =	ssyncadd.s32 $0xFFFFE000  }
0xfe: {  	[spmem:s1] =	stream.indirect.scatter.add.f32 [tilespmem:s13], [sflag:$0x8], $0x40, s16, s7, $0xb8;
	[tilespmem:$0x1C240] =	vst v63  }
0xff: {  	_ =	swait.ge [sflag:s10], $0x100  }
0x100: {  	[sflag:s10] =	ssyncset.done $0x0  }
0x101: {  	[sflag:s10] =	ssyncadd.s32 $0xFFFFFF00  }
0x102: {  	_ =	swait.ge [sflag:s11], $0x2000  }
0x103: {  	[sflag:s11] =	ssyncset.done $0x0  }
0x104: {  	s25 =	simm.s32 $0x13FC0;
	[sflag:s11] =	ssyncadd.s32 $0xFFFFE000  }
0x105: {  	[tilespmem:s22], [sflag:$0x2] =	stream.indirect.gather [hbm4b:s29+s7], $0x40, s25, s7, $0xb8;
	[tilespmem:$0x1C240] =	vst v63  }
0x106: {  	s10 =	sadd.s32 $0x110, s9  }
0x107: {  	[tilespmem:s28], [sflag:$0xA] =	stream.strided.gather [hbm4b:s10+s7], $0x100, s5, s7, $0x38;
	[tilespmem:$0x1C240] =	vst v63  }
0x108: {  	_ =	swait.ge [sflag:s23], $0x2000  }
0x109: {  	[sflag:s23] =	ssyncset.done $0x0  }
0x10a: {  	s6 =	simm.s32 $0xF;
	s10 =	simm.s32 $0x13E40;
	[sflag:s23] =	ssyncadd.s32 $0xFFFFE000  }
0x10b: {  	[spmem:s1] =	stream.indirect.scatter.add.f32 [tilespmem:s19], [sflag:$0x5], $0x40, s10, s7, $0xb8;
	[tilespmem:$0x1C240] =	vst v63  }
0x10c: {  	_ =	swait.ge [sflag:s6], $0x100  }
0x10d: {  	[sflag:s6] =	ssyncset.done $0x0  }
0x10e: {  	[sflag:s6] =	ssyncadd.s32 $0xFFFFFF00  }
0x10f: {  	_ =	swait.ge [sflag:s14], $0x2000  }
0x110: {  	[sflag:s14] =	ssyncset.done $0x0  }
0x111: {  	s25 =	simm.s32 $0x140C0;
	[sflag:s14] =	ssyncadd.s32 $0xFFFFE000  }
0x112: {  	[tilespmem:s26], [sflag:$0x3] =	stream.indirect.gather [spmem:s20], $0x40, s25, s7, $0xb8;
	[tilespmem:$0x1C240] =	vst v63  }
0x113: {  	s28 =	sadd.s32 $0x120, s9  }
0x114: {  	[tilespmem:s8], [sflag:$0xB] =	stream.strided.gather [hbm4b:s28+s7], $0x100, s5, s7, $0x38;
	[tilespmem:$0x1C240] =	vst v63  }
0x115: {  	_ =	swait.ge [sflag:s30], $0x2000  }
0x116: {  	[sflag:s30] =	ssyncset.done $0x0  }
0x117: {  	s3 =	simm.s32 $0x10;
	s25 =	simm.s32 $0x13F40;
	[sflag:s30] =	ssyncadd.s32 $0xFFFFE000  }
0x118: {  	[spmem:s1] =	stream.indirect.scatter.add.f32 [tilespmem:s22], [sflag:$0x6], $0x40, s25, s7, $0xb8;
	[tilespmem:$0x1C240] =	vst v63  }
0x119: {  	_ =	swait.ge [sflag:s3], $0x100  }
0x11a: {  	[sflag:s3] =	ssyncset.done $0x0  }
0x11b: {  	[sflag:s3] =	ssyncadd.s32 $0xFFFFFF00  }
0x11c: {  	_ =	swait.ge [sflag:s31], $0x2000  }
0x11d: {  	[sflag:s31] =	ssyncset.done $0x0  }
0x11e: {  	s28 =	simm.s32 $0x141C0;
	[sflag:s31] =	ssyncadd.s32 $0xFFFFE000  }
0x11f: {  	[tilespmem:s13], [sflag:$0x4] =	stream.indirect.gather [hbm4b:s29+s7], $0x40, s28, s7, $0xb8;
	[tilespmem:$0x1C240] =	vst v63  }
0x120: {  	s8 =	sadd.s32 $0x130, s9  }
0x121: {  	[tilespmem:s16], [sflag:$0xC] =	stream.strided.gather [hbm4b:s8+s7], $0x100, s5, s7, $0x38;
	[tilespmem:$0x1C240] =	vst v63  }
0x122: {  	_ =	swait.ge [sflag:s12], $0x2000  }
0x123: {  	[sflag:s12] =	ssyncset.done $0x0  }
0x124: {  	s18 =	simm.s32 $0x14040;
	[sflag:s12] =	ssyncadd.s32 $0xFFFFE000  }
0x125: {  	[spmem:s1] =	stream.indirect.scatter.add.f32 [tilespmem:s26], [sflag:$0x7], $0x40, s18, s7, $0xb8;
	[tilespmem:$0x1C240] =	vst v63  }
0x126: {  	_ =	swait.ge [sflag:s17], $0x100  }
0x127: {  	[sflag:s17] =	ssyncset.done $0x0  }
0x128: {  	[sflag:s17] =	ssyncadd.s32 $0xFFFFFF00  }
0x129: {  	_ =	swait.ge [sflag:s4], $0x2000  }
0x12a: {  	[sflag:s4] =	ssyncset.done $0x0  }
0x12b: {  	s25 =	simm.s32 $0x13AC0;
	[sflag:s4] =	ssyncadd.s32 $0xFFFFE000  }
0x12c: {  	[tilespmem:s19], [sflag:$0x1] =	stream.indirect.gather [spmem:s20], $0x40, s25, s7, $0xb8;
	[tilespmem:$0x1C240] =	vst v63  }
0x12d: {  	s26 =	sadd.s32 $0x140, s9  }
0x12e: {  	[tilespmem:s10], [sflag:$0xD] =	stream.strided.gather [hbm4b:s26+s7], $0x100, s5, s7, $0x38;
	[tilespmem:$0x1C240] =	vst v63  }
0x12f: {  	_ =	swait.ge [sflag:s21], $0x2000  }
0x130: {  	[sflag:s21] =	ssyncset.done $0x0  }
0x131: {  	s24 =	simm.s32 $0xA;
	s2 =	simm.s32 $0x14140;
	[sflag:s21] =	ssyncadd.s32 $0xFFFFE000  }
0x132: {  	[spmem:s1] =	stream.indirect.scatter.add.f32 [tilespmem:s13], [sflag:$0x8], $0x40, s2, s7, $0xb8;
	[tilespmem:$0x1C240] =	vst v63  }
0x133: {  	_ =	swait.ge [sflag:s24], $0x100  }
0x134: {  	[sflag:s24] =	ssyncset.done $0x0  }
0x135: {  	[sflag:s24] =	ssyncadd.s32 $0xFFFFFF00  }
0x136: {  	_ =	swait.ge [sflag:s11], $0x2000  }
0x137: {  	s0 =	simm.s32 $0x80;
	s28 =	simm.s32 $0x13BC0;
	[sflag:s11] =	ssyncset.done $0x0  }
0x138: {  	s9 =	sadd.s32 $0x150, s9;
	s18 =	simm.s32 $0x1A240;
	[sflag:s11] =	ssyncadd.s32 $0xFFFFE000  }
0x139: {  	[tilespmem:s22], [sflag:$0x2] =	stream.indirect.gather [hbm4b:s29+s7], $0x40, s28, s7, $0xb8;
	[tilespmem:$0x1C240] =	vst v63  }
0x13a: {  	s26 =	simm.s32 $0x16240;
	s13 =	simm.s32 $0x18240;
	s22 =	simm.s32 $0x14240  }
.LBB2_8:
0x13b: {  	s16 =	simm.s32 $0x13F40  }
0x13c: {  	[tilespmem:s16], [sflag:$0xE] =	stream.strided.gather [hbm4b:s9+s7], $0x100, s5, s7, $0x38;
	[tilespmem:$0x1C240] =	vst v63  }
0x13d: {  	_ =	swait.ge [sflag:s23], $0x2000  }
0x13e: {  	[sflag:s23] =	ssyncset.done $0x0  }
0x13f: {  	s2 =	simm.s32 $0xB;
	[sflag:s23] =	ssyncadd.s32 $0xFFFFE000  }
0x140: {  	[spmem:s1] =	stream.indirect.scatter.add.f32 [tilespmem:s22], [sflag:$0x5], $0x40, s15, s7, $0xb8;
	[tilespmem:$0x1C240] =	vst v63  }
0x141: {  	_ =	swait.ge [sflag:s2], $0x100  }
0x142: {  	[sflag:s2] =	ssyncset.done $0x0  }
0x143: {  	[sflag:s2] =	ssyncadd.s32 $0xFFFFFF00  }
0x144: {  	_ =	swait.ge [sflag:s14], $0x2000  }
0x145: {  	s17 =	smov.u32 s0;
	[sflag:s14] =	ssyncset.done $0x0;
	s8 =	rddreg [dreg:$0x5]  }
0x146: {  	s19 =	simm.s32 $0x13CC0;
	[sflag:s14] =	ssyncadd.s32 $0xFFFFE000;
	s9 =	sadd.s32 s17, s8  }
0x147: {  	[tilespmem:s13], [sflag:$0x3] =	stream.indirect.gather [spmem:s20], $0x40, s19, s7, $0xb8;
	[tilespmem:$0x1C240] =	vst v63  }
0x148: {  	s10 =	simm.s32 $0x14040;
	s2 =	sadd.s32 $0xE0, s9  }
0x149: {  	[tilespmem:s10], [sflag:$0xF] =	stream.strided.gather [hbm4b:s2+s7], $0x100, s5, s7, $0x38;
	[tilespmem:$0x1C240] =	vst v63  }
0x14a: {  	_ =	swait.ge [sflag:s30], $0x2000  }
0x14b: {  	[sflag:s30] =	ssyncset.done $0x0  }
0x14c: {  	s25 =	simm.s32 $0x13B40;
	s15 =	simm.s32 $0xC;
	[sflag:s30] =	ssyncadd.s32 $0xFFFFE000  }
0x14d: {  	[spmem:s1] =	stream.indirect.scatter.add.f32 [tilespmem:s26], [sflag:$0x6], $0x40, s25, s7, $0xb8;
	[tilespmem:$0x1C240] =	vst v63  }
0x14e: {  	_ =	swait.ge [sflag:s15], $0x100  }
0x14f: {  	[sflag:s15] =	ssyncset.done $0x0  }
0x150: {  	[sflag:s15] =	ssyncadd.s32 $0xFFFFFF00  }
0x151: {  	_ =	swait.ge [sflag:s31], $0x2000  }
0x152: {  	[sflag:s31] =	ssyncset.done $0x0  }
0x153: {  	s17 =	simm.s32 $0x13DC0;
	[sflag:s31] =	ssyncadd.s32 $0xFFFFE000  }
0x154: {  	[tilespmem:s18], [sflag:$0x4] =	stream.indirect.gather [hbm4b:s29+s7], $0x40, s17, s7, $0xb8;
	[tilespmem:$0x1C240] =	vst v63  }
0x155: {  	s19 =	sadd.s32 $0xF0, s9;
	s2 =	simm.s32 $0x14140  }
0x156: {  	[tilespmem:s2], [sflag:$0x10] =	stream.strided.gather [hbm4b:s19+s7], $0x100, s5, s7, $0x38;
	[tilespmem:$0x1C240] =	vst v63  }
0x157: {  	_ =	swait.ge [sflag:s12], $0x2000  }
0x158: {  	[sflag:s12] =	ssyncset.done $0x0  }
0x159: {  	s8 =	simm.s32 $0x13C40;
	s25 =	simm.s32 $0xD;
	[sflag:s12] =	ssyncadd.s32 $0xFFFFE000  }
0x15a: {  	[spmem:s1] =	stream.indirect.scatter.add.f32 [tilespmem:s13], [sflag:$0x7], $0x40, s8, s7, $0xb8;
	[tilespmem:$0x1C240] =	vst v63  }
0x15b: {  	_ =	swait.ge [sflag:s25], $0x100  }
0x15c: {  	[sflag:s25] =	ssyncset.done $0x0  }
0x15d: {  	[sflag:s25] =	ssyncadd.s32 $0xFFFFFF00  }
0x15e: {  	_ =	swait.ge [sflag:s4], $0x2000  }
0x15f: {  	[sflag:s4] =	ssyncset.done $0x0  }
0x160: {  	s17 =	simm.s32 $0x13EC0;
	[sflag:s4] =	ssyncadd.s32 $0xFFFFE000  }
0x161: {  	[tilespmem:s22], [sflag:$0x1] =	stream.indirect.gather [spmem:s20], $0x40, s17, s7, $0xb8;
	[tilespmem:$0x1C240] =	vst v63  }
0x162: {  	s28 =	simm.s32 $0x13A40;
	s19 =	sadd.s32 $0x100, s9  }
0x163: {  	[tilespmem:s28], [sflag:$0x9] =	stream.strided.gather [hbm4b:s19+s7], $0x100, s5, s7, $0x38;
	[tilespmem:$0x1C240] =	vst v63  }
0x164: {  	_ =	swait.ge [sflag:s21], $0x2000  }
0x165: {  	[sflag:s21] =	ssyncset.done $0x0  }
0x166: {  	s25 =	simm.s32 $0xE;
	s17 =	simm.s32 $0x13D40;
	[sflag:s21] =	ssyncadd.s32 $0xFFFFE000  }
0x167: {  	[spmem:s1] =	stream.indirect.scatter.add.f32 [tilespmem:s18], [sflag:$0x8], $0x40, s17, s7, $0xb8;
	[tilespmem:$0x1C240] =	vst v63  }
0x168: {  	_ =	swait.ge [sflag:s25], $0x100  }
0x169: {  	[sflag:s25] =	ssyncset.done $0x0  }
0x16a: {  	[sflag:s25] =	ssyncadd.s32 $0xFFFFFF00  }
0x16b: {  	_ =	swait.ge [sflag:s11], $0x2000  }
0x16c: {  	[sflag:s11] =	ssyncset.done $0x0  }
0x16d: {  	s19 =	simm.s32 $0x13FC0;
	[sflag:s11] =	ssyncadd.s32 $0xFFFFE000  }
0x16e: {  	[tilespmem:s26], [sflag:$0x2] =	stream.indirect.gather [hbm4b:s29+s7], $0x40, s19, s7, $0xb8;
	[tilespmem:$0x1C240] =	vst v63  }
0x16f: {  	s28 =	simm.s32 $0x13B40;
	s25 =	sadd.s32 $0x110, s9  }
0x170: {  	[tilespmem:s28], [sflag:$0xA] =	stream.strided.gather [hbm4b:s25+s7], $0x100, s5, s7, $0x38;
	[tilespmem:$0x1C240] =	vst v63  }
0x171: {  	_ =	swait.ge [sflag:s23], $0x2000  }
0x172: {  	[sflag:s23] =	ssyncset.done $0x0  }
0x173: {  	s25 =	simm.s32 $0x13E40;
	[sflag:s23] =	ssyncadd.s32 $0xFFFFE000  }
0x174: {  	[spmem:s1] =	stream.indirect.scatter.add.f32 [tilespmem:s22], [sflag:$0x5], $0x40, s25, s7, $0xb8;
	[tilespmem:$0x1C240] =	vst v63  }
0x175: {  	_ =	swait.ge [sflag:s6], $0x100  }
0x176: {  	[sflag:s6] =	ssyncset.done $0x0  }
0x177: {  	[sflag:s6] =	ssyncadd.s32 $0xFFFFFF00  }
0x178: {  	_ =	swait.ge [sflag:s14], $0x2000  }
0x179: {  	[sflag:s14] =	ssyncset.done $0x0  }
0x17a: {  	s19 =	simm.s32 $0x140C0;
	[sflag:s14] =	ssyncadd.s32 $0xFFFFE000  }
0x17b: {  	[tilespmem:s13], [sflag:$0x3] =	stream.indirect.gather [spmem:s20], $0x40, s19, s7, $0xb8;
	[tilespmem:$0x1C240] =	vst v63  }
0x17c: {  	s19 =	sadd.s32 $0x120, s9  }
0x17d: {  	[tilespmem:s8], [sflag:$0xB] =	stream.strided.gather [hbm4b:s19+s7], $0x100, s5, s7, $0x38;
	[tilespmem:$0x1C240] =	vst v63  }
0x17e: {  	_ =	swait.ge [sflag:s30], $0x2000  }
0x17f: {  	[sflag:s30] =	ssyncset.done $0x0  }
0x180: {  	[sflag:s30] =	ssyncadd.s32 $0xFFFFE000  }
0x181: {  	[spmem:s1] =	stream.indirect.scatter.add.f32 [tilespmem:s26], [sflag:$0x6], $0x40, s16, s7, $0xb8;
	[tilespmem:$0x1C240] =	vst v63  }
0x182: {  	_ =	swait.ge [sflag:s3], $0x100  }
0x183: {  	[sflag:s3] =	ssyncset.done $0x0  }
0x184: {  	[sflag:s3] =	ssyncadd.s32 $0xFFFFFF00  }
0x185: {  	_ =	swait.ge [sflag:s31], $0x2000  }
0x186: {  	[sflag:s31] =	ssyncset.done $0x0  }
0x187: {  	s16 =	simm.s32 $0x141C0;
	[sflag:s31] =	ssyncadd.s32 $0xFFFFE000  }
0x188: {  	[tilespmem:s18], [sflag:$0x4] =	stream.indirect.gather [hbm4b:s29+s7], $0x40, s16, s7, $0xb8;
	[tilespmem:$0x1C240] =	vst v63  }
0x189: {  	s15 =	sadd.s32 $0x130, s9  }
0x18a: {  	[tilespmem:s17], [sflag:$0xC] =	stream.strided.gather [hbm4b:s15+s7], $0x100, s5, s7, $0x38;
	[tilespmem:$0x1C240] =	vst v63  }
0x18b: {  	_ =	swait.ge [sflag:s12], $0x2000  }
0x18c: {  	[sflag:s12] =	ssyncset.done $0x0  }
0x18d: {  	s17 =	simm.s32 $0x9;
	[sflag:s12] =	ssyncadd.s32 $0xFFFFE000  }
0x18e: {  	[spmem:s1] =	stream.indirect.scatter.add.f32 [tilespmem:s13], [sflag:$0x7], $0x40, s10, s7, $0xb8;
	[tilespmem:$0x1C240] =	vst v63  }
0x18f: {  	_ =	swait.ge [sflag:s17], $0x100  }
0x190: {  	[sflag:s17] =	ssyncset.done $0x0  }
0x191: {  	[sflag:s17] =	ssyncadd.s32 $0xFFFFFF00  }
0x192: {  	_ =	swait.ge [sflag:s4], $0x2000  }
0x193: {  	[sflag:s4] =	ssyncset.done $0x0  }
0x194: {  	s10 =	simm.s32 $0x13AC0;
	[sflag:s4] =	ssyncadd.s32 $0xFFFFE000  }
0x195: {  	[tilespmem:s22], [sflag:$0x1] =	stream.indirect.gather [spmem:s20], $0x40, s10, s7, $0xb8;
	[tilespmem:$0x1C240] =	vst v63  }
0x196: {  	s10 =	sadd.s32 $0x140, s9  }
0x197: {  	[tilespmem:s25], [sflag:$0xD] =	stream.strided.gather [hbm4b:s10+s7], $0x100, s5, s7, $0x38;
	[tilespmem:$0x1C240] =	vst v63  }
0x198: {  	_ =	swait.ge [sflag:s21], $0x2000  }
0x199: {  	[sflag:s21] =	ssyncset.done $0x0  }
0x19a: {  	[sflag:s21] =	ssyncadd.s32 $0xFFFFE000  }
0x19b: {  	[spmem:s1] =	stream.indirect.scatter.add.f32 [tilespmem:s18], [sflag:$0x8], $0x40, s2, s7, $0xb8;
	[tilespmem:$0x1C240] =	vst v63  }
0x19c: {  	_ =	swait.ge [sflag:s24], $0x100  }
0x19d: {  	p4 =	sne.s32 s0, $0x880;
	[sflag:s24] =	ssyncset.done $0x0  }
.Ltmp5:
0x19e: {  	[sflag:s24] =	ssyncadd.s32 $0xFFFFFF00;
	(pc) =	sbr.rel @p4 .LBB2_8-.Ltmp5, $4  }
0x19f: {  	s0 =	sadd.s32 $0x80, s0;
	s19 =	simm.s32 $0x13F40;
	_ =	swait.ge [sflag:s11], $0x2000  }
0x1a0: {  	s16 =	simm.s32 $0x13D40;
	s15 =	simm.s32 $0x13A40;
	[sflag:s11] =	ssyncset.done $0x0  }
0x1a1: {  	s9 =	sadd.s32 $0x150, s9;
	s10 =	simm.s32 $0x13BC0;
	[sflag:s11] =	ssyncadd.s32 $0xFFFFE000  }
0x1a2: {  	[tilespmem:s26], [sflag:$0x2] =	stream.indirect.gather [hbm4b:s29+s7], $0x40, s10, s7, $0xb8;
	[tilespmem:$0x1C240] =	vst v63  }
0x1a3: {  	[tilespmem:s19], [sflag:$0xE] =	stream.strided.gather [hbm4b:s9+s7], $0x100, s5, s7, $0x38;
	[tilespmem:$0x1C240] =	vst v63  }
0x1a4: {  	_ =	swait.ge [sflag:s23], $0x2000  }
0x1a5: {  	[sflag:s23] =	ssyncset.done $0x0  }
0x1a6: {  	s0 =	simm.s32 $0xB;
	[sflag:s23] =	ssyncadd.s32 $0xFFFFE000  }
0x1a7: {  	[spmem:s1] =	stream.indirect.scatter.add.f32 [tilespmem:s22], [sflag:$0x5], $0x40, s15, s7, $0xb8;
	[tilespmem:$0x1C240] =	vst v63  }
0x1a8: {  	_ =	swait.ge [sflag:s0], $0x100  }
0x1a9: {  	[sflag:s0] =	ssyncset.done $0x0  }
0x1aa: {  	[sflag:s0] =	ssyncadd.s32 $0xFFFFFF00  }
0x1ab: {  	_ =	swait.ge [sflag:s14], $0x2000  }
0x1ac: {  	[sflag:s14] =	ssyncset.done $0x0  }
0x1ad: {  	s10 =	simm.s32 $0x13CC0;
	[sflag:s14] =	ssyncadd.s32 $0xFFFFE000  }
0x1ae: {  	[tilespmem:s13], [sflag:$0x3] =	stream.indirect.gather [spmem:s20], $0x40, s10, s7, $0xb8;
	[tilespmem:$0x1C240] =	vst v63  }
0x1af: {  	_ =	swait.ge [sflag:s30], $0x2000  }
0x1b0: {  	[sflag:s30] =	ssyncset.done $0x0  }
0x1b1: {  	s15 =	simm.s32 $0xC;
	[sflag:s30] =	ssyncadd.s32 $0xFFFFE000  }
0x1b2: {  	[spmem:s1] =	stream.indirect.scatter.add.f32 [tilespmem:s26], [sflag:$0x6], $0x40, s28, s7, $0xb8;
	[tilespmem:$0x1C240] =	vst v63  }
0x1b3: {  	_ =	swait.ge [sflag:s15], $0x100  }
0x1b4: {  	[sflag:s15] =	ssyncset.done $0x0  }
0x1b5: {  	[sflag:s15] =	ssyncadd.s32 $0xFFFFFF00  }
0x1b6: {  	_ =	swait.ge [sflag:s31], $0x2000  }
0x1b7: {  	[sflag:s31] =	ssyncset.done $0x0  }
0x1b8: {  	s19 =	simm.s32 $0x13DC0;
	[sflag:s31] =	ssyncadd.s32 $0xFFFFE000  }
0x1b9: {  	[tilespmem:s18], [sflag:$0x4] =	stream.indirect.gather [hbm4b:s29+s7], $0x40, s19, s7, $0xb8;
	[tilespmem:$0x1C240] =	vst v63  }
0x1ba: {  	_ =	swait.ge [sflag:s12], $0x2000  }
0x1bb: {  	[sflag:s12] =	ssyncset.done $0x0  }
0x1bc: {  	[sflag:s12] =	ssyncadd.s32 $0xFFFFE000  }
0x1bd: {  	[spmem:s1] =	stream.indirect.scatter.add.f32 [tilespmem:s13], [sflag:$0x7], $0x40, s8, s7, $0xb8;
	[tilespmem:$0x1C240] =	vst v63  }
0x1be: {  	_ =	swait.ge [sflag:s21], $0x2000  }
0x1bf: {  	[sflag:s21] =	ssyncset.done $0x0  }
0x1c0: {  	[sflag:s21] =	ssyncadd.s32 $0xFFFFE000  }
0x1c1: {  	[spmem:s1] =	stream.indirect.scatter.add.f32 [tilespmem:s18], [sflag:$0x8], $0x40, s16, s7, $0xb8;
	[tilespmem:$0x1C240] =	vst v63  }
0x1c2: {  	_ =	swait.ge [sflag:s4], $0x2000  }
0x1c3: {  	[sflag:s4] =	ssyncset.done $0x0  }
0x1c4: {  	[sflag:s4] =	ssyncadd.s32 $0xFFFFE000  }
0x1c5: {  	_ =	swait.ge [sflag:s11], $0x2000  }
0x1c6: {  	[sflag:s11] =	ssyncset.done $0x0  }
0x1c7: {  	[sflag:s11] =	ssyncadd.s32 $0xFFFFE000  }
0x1c8: {  	_ =	swait.ge [sflag:s14], $0x2000  }
0x1c9: {  	[sflag:s14] =	ssyncset.done $0x0  }
0x1ca: {  	[sflag:s14] =	ssyncadd.s32 $0xFFFFE000  }
0x1cb: {  	_ =	swait.ge [sflag:s31], $0x2000  }
0x1cc: {  	[sflag:s31] =	ssyncset.done $0x0  }
0x1cd: {  	s20 =	simm.s32 $0xD;
	[sflag:s31] =	ssyncadd.s32 $0xFFFFE000  }
0x1ce: {  	_ =	swait.ge [sflag:s20], $0x100  }
0x1cf: {  	[sflag:s20] =	ssyncset.done $0x0  }
0x1d0: {  	s22 =	simm.s32 $0xE;
	[sflag:s20] =	ssyncadd.s32 $0xFFFFFF00  }
0x1d1: {  	_ =	swait.ge [sflag:s22], $0x100  }
0x1d2: {  	[sflag:s22] =	ssyncset.done $0x0  }
0x1d3: {  	[sflag:s22] =	ssyncadd.s32 $0xFFFFFF00  }
0x1d4: {  	[bflag:$0x0] =	sbarrier.arrive $0xFFFF  }
0x1d5: {  	s25 =	rddreg [dreg:$0xc]  }
0x1d6: {  	s2 =	simm.s32 @p1 $0x1;
	s16 =	rddreg [dreg:$0x1b]  }
0x1d7: {  	s9 =	simm.s32 @p1 $0x10;
	s15 =	simm.s32 @p1 $0x8;
	s0 =	rddreg [dreg:$0x1d]  }
0x1d8: {  	[hbm:s16@s9], [sflag:s25] =	dma.strided @p1 [spmem:s0@s15], $0x1040, s2, $0x8   }
0x1d9: {  	s0 =	simm.s32 @p1 $0x11  }
0x1da: {  	_ =	swait.ge @p1 [sflag:s0], $0x1040  }
0x1db: {  	s2 =	simm.s32 @!p1 $0x1;
	s15 =	simm.s32 @!p1 $0x10;
	[sflag:s0] =	ssyncset.done @p1 $0x0  }
0x1dc: {  	s9 =	simm.s32 @!p1 $0x8;
	[sflag:s0] =	ssyncadd.s32 @p1 $0xFFFFEFC0;
	s0 =	rddreg [dreg:$0xa]  }
0x1dd: {  	s16 =	rddreg [dreg:$0x14];
	s13 =	smov.u32 s0;
	s0 =	sshrl.u32 @!p1 s0, $0x3  }
0x1de: {  	[hbm:s16@s15], [sflag:s25] =	dma.strided @!p1 [spmem:s0@s9], $0x13C0, s2, $0x8   }
0x1df: {  	s0 =	simm.s32 @!p1 $0x11  }
0x1e0: {  	_ =	swait.ge @!p1 [sflag:s0], $0x13C0  }
0x1e1: {  	s24 =	rddreg [dreg:$0x6]  }
0x1e2: {  	s26 =	rddreg [dreg:$0x1c];
	s15 =	sadd.s32 $0x1, s24  }
0x1e3: {  	p4 =	sne.s32 s15, s26  }
.Ltmp6:
0x1e4: {  	s6 =	simm.s32 $0xF;
	(pc) =	sbr.rel @p4 .LBB2_1-.Ltmp6, $4  }
0x1e5: {  	s3 =	simm.s32 $0x10;
	s10 =	simm.s32 $0xC;
	s19 =	simm.s32 $0x14240  }
0x1e6: {  	s18 =	simm.s32 $0xE;
	s20 =	simm.s32 $0xA;
	s22 =	simm.s32 $0x16240  }
0x1e7: {  	s16 =	simm.s32 $0x11;
	s2 =	simm.s32 $0xB;
	[sflag:s0] =	ssyncset.done @!p1 $0x0  }
0x1e8: {  	[sflag:s0] =	ssyncadd.s32 @!p1 $0xFFFFEC40;
	s24 =	simm.s32 $0xD;
	s26 =	simm.s32 $0x18240  }
0x1e9: {  	_ =	sfence.sel $0x180000  }
0x1ea: {  	[bflag:$0x0] =	sbarrier.arrive $0xFFFF  }
0x1eb: {  	_ =	strace $0x90000047  }
0x1ec: {  	s0 =	stileid.u32;
	[bflag:$0x2] =	sbarrier.arrive $0xFFFF  }
0x1ed: {  	p0 =	sne.s32 s0, $0x0;
	s0 =	rddreg [dreg:$0x4]  }
0x1ee: {  	s0 =	sadd.s32 @!p0 $0x100000, s0  }
0x1ef: {  	[sflag:s0] =	ssyncadd.tile.s32 @!p0 $0x1;
	_ =	shalt  }
.Lfunc_end2:
_tile_overlayer_lowered:
.L_overlay_start_2:
0x1f0: {  	(tag) =	ssettag $0x2  }
0x1f1: {  	s0 =	rddreg [dreg:$0x0];
	s2 =	stileid.u32  }
0x1f2: {  	s1 =	rddreg [dreg:$0x1];
	p0 =	sne.s32 s2, $0x0  }
0x1f3: {  	s3 =	rddreg [dreg:$0x2];
	[bflag:$0x3] =	sbarrier.arrive $0xFFFF;
	s2 =	simm.s32 @!p0 $0x1C11  }
0x1f4: {  	[timem:s3], [sflag:s2] =	dma.local @!p0 [hbm:s0], s1  }
0x1f5: {  	s0 =	simm.s32 @!p0 $0x11  }
0x1f6: {  	_ =	swait.ge @!p0 [sflag:s0], s1  }
0x1f7: {  	s1 =	ssub.s32 @!p0 $0x0, s1;
	[sflag:s0] =	ssyncset.done @!p0 $0x0  }
0x1f8: {  	[sflag:s0] =	ssyncadd.s32 @!p0 s1  }
0x1f9: {  	[bflag:$0x3] =	sbarrier.arrive $0xFFFF  }
0x1fa: {  	_ =	shalt  }

</sc_bundles>
